<compile_context>
chip_gen: v7x
topology: tpu7x:2x2x1
jax: 0.10.2.dev20260603
libtpu: 0.0.44.dev20260713+nightly
codegen_flags: <defaults>
</compile_context>

<pallas_src>
import functools

import jax
import jax.numpy as jnp
from jax import lax
from jax.experimental import pallas as pl
from jax.experimental.pallas import tpu as pltpu
from jax.experimental.pallas import tpu_sc as plsc

N = 10000
E = 320000
R = 8
H = 128
NC = 2
NS = 16
LANES = 16
FCH = 32
NCH = H // FCH
CPS = NCH // NC
BE = 128
_QUANT = NC * NS * BE * 8
E_PAD = ((E + _QUANT - 1) // _QUANT) * _QUANT
NB = E_PAD // BE
NB_T = NB // NS
NB_TC = NB // (NC * NS)
ROWS = R * N
ZROWS = 1264
ROWS_PAD = NS * 4 * ZROWS
WB = ROWS // NS
KG = 8
NG = NB_T // KG
EPT = E_PAD // NS
TN = 1000

_mesh = plsc.VectorSubcoreMesh(core_axis_name="c", subcore_axis_name="s")
_sc_params = pltpu.CompilerParams(use_tc_tiling_on_sc=False)


def _zero_acc(zeros_hbm, acc, s):
  @pl.loop(0, 4)
  def _(z):
    pltpu.sync_copy(zeros_hbm, acc.at[pl.ds((s * 4 + z) * ZROWS, ZROWS), :])


@functools.partial(
    pl.kernel,
    out_type=jax.ShapeDtypeStruct((NC, ROWS, LANES), jnp.float32),
    mesh=_mesh,
    compiler_params=_sc_params,
    scratch_types=[
        pltpu.VMEM_SHARED((ROWS_PAD, LANES), jnp.float32),
        pltpu.VMEM((KG * BE,), jnp.int32),
        pltpu.VMEM((KG * BE, LANES), jnp.float32),
    ],
)
def _sc_counts(jidx_hbm, zeros_hbm, ones_hbm, cnt_hbm, acc, jidx_v, ones_v):
  c = lax.axis_index("c")
  s = lax.axis_index("s")
  pltpu.sync_copy(ones_hbm, ones_v)
  _zero_acc(zeros_hbm, acc, s)
  plsc.subcore_barrier()

  @pl.loop(0, NG // 2)
  def _(g):
    base = (c * NS + s) * (EPT // 2) + g * (KG * BE)
    pltpu.sync_copy(jidx_hbm.at[pl.ds(base, KG * BE)], jidx_v)
    pltpu.sync_copy(ones_v, acc.at[jidx_v], add=True)

  plsc.subcore_barrier()
  pltpu.sync_copy(acc.at[pl.ds(s * WB, WB), :],
                  cnt_hbm.at[c, pl.ds(s * WB, WB), :])


@functools.partial(
    pl.kernel,
    out_type=jax.ShapeDtypeStruct((R, N, H), jnp.bfloat16),
    mesh=_mesh,
    compiler_params=_sc_params,
    scratch_types=[
        pltpu.VMEM_SHARED((ROWS_PAD, FCH), jnp.bfloat16),
        pltpu.VMEM((KG * BE,), jnp.int32),
        pltpu.VMEM((KG * BE,), jnp.int32),
        pltpu.VMEM((KG * BE,), jnp.int32),
        pltpu.VMEM((KG * BE,), jnp.int32),
        pltpu.VMEM((KG * BE, FCH), jnp.bfloat16),
        pltpu.VMEM((KG * BE, FCH), jnp.bfloat16),
        pltpu.SemaphoreType.DMA,
        pltpu.SemaphoreType.DMA,
        pltpu.SemaphoreType.DMA,
        pltpu.SemaphoreType.DMA,
    ],
)
def _sc_scatter(xflat_hbm, gidx_hbm, jidx_hbm, zeros_hbm, s_hbm, acc, g0, g1,
                j0, j1, r0, r1, sg0, sg1, ss0, ss1):
  c = lax.axis_index("c")
  s = lax.axis_index("s")
  gb, jb, rb, sg, ss = (g0, g1), (j0, j1), (r0, r1), (sg0, sg1), (ss0, ss1)
  dummy = xflat_hbm.at[pl.ds(0, KG * BE), :]

  @pl.loop(0, CPS)
  def _(ci):
    ch = c * CPS + ci
    _zero_acc(zeros_hbm, acc, s)
    plsc.subcore_barrier()

    def issue(bi, g):
      base = s * EPT + g * (KG * BE)
      pltpu.sync_copy(gidx_hbm.at[ch, pl.ds(base, KG * BE)], gb[bi])
      pltpu.sync_copy(jidx_hbm.at[pl.ds(base, KG * BE)], jb[bi])
      pltpu.async_copy(xflat_hbm.at[gb[bi]], rb[bi], sg[bi])

    def gwait(bi):
      pltpu.make_async_copy(dummy, rb[bi], sg[bi]).wait()

    def sstart(bi):
      pltpu.async_copy(rb[bi], acc.at[jb[bi]], ss[bi], add=True)

    def swait(bi):
      pltpu.make_async_copy(dummy, rb[bi], ss[bi]).wait()

    issue(0, 0)

    @pl.loop(0, NG // 2)
    def _(p):
      @pl.when(p > 0)
      def _():
        swait(1)
      issue(1, 2 * p + 1)
      gwait(0)
      sstart(0)

      @pl.when(p < NG // 2 - 1)
      def _():
        swait(0)
        issue(0, 2 * p + 2)
      gwait(1)
      sstart(1)

    swait(0)
    swait(1)
    plsc.subcore_barrier()
    pltpu.sync_copy(
        acc.at[pl.ds(s * WB, WB), :],
        s_hbm.at[s // 2, pl.ds((s % 2) * WB, WB), pl.ds(ch * FCH, FCH)])
    plsc.subcore_barrier()


def _combine_body(relu, last, s_ref, inv_ref, x_ref, w_ref, root_ref, b_ref,
                  o_ref):
  acc = jnp.dot(x_ref[...], root_ref[...], preferred_element_type=jnp.float32)
  acc = acc + b_ref[...]
  for r in range(R):
    sr = (s_ref[r].astype(jnp.float32) *
          inv_ref[:, r:r + 1]).astype(jnp.bfloat16)
    acc = acc + jnp.dot(sr, w_ref[r], preferred_element_type=jnp.float32)
  if relu:
    acc = jnp.maximum(acc, 0.0)
  o_ref[...] = acc if last else acc.astype(jnp.bfloat16)


def _combine(s, inv_t, x, w, root, bias, relu, last):
  return pl.pallas_call(
      functools.partial(_combine_body, relu, last),
      out_shape=jax.ShapeDtypeStruct((N, H),
                                     jnp.float32 if last else jnp.bfloat16),
      grid=(N // TN,),
      in_specs=[
          pl.BlockSpec((R, TN, H), lambda i: (0, i, 0)),
          pl.BlockSpec((TN, R), lambda i: (i, 0)),
          pl.BlockSpec((TN, H), lambda i: (i, 0)),
          pl.BlockSpec((R, H, H), lambda i: (0, 0, 0)),
          pl.BlockSpec((H, H), lambda i: (0, 0)),
          pl.BlockSpec((1, H), lambda i: (0, 0)),
      ],
      out_specs=pl.BlockSpec((TN, H), lambda i: (i, 0)),
  )(s, inv_t, x, w, root, bias.reshape(1, H))


def _expand_blockdiag(w):
  nb, bi, bo = w.shape[1], w.shape[2], w.shape[3]
  wd = jnp.zeros((R, nb * bi, nb * bo), jnp.float32)
  for b in range(nb):
    wd = wd.at[:, b * bi:(b + 1) * bi, b * bo:(b + 1) * bo].set(w[:, b])
  return wd


def kernel(x, edge_index, edge_type, w0, root0, b0, w1, root1, b1, w2, root2,
           b2):
  src = edge_index[0].astype(jnp.int32)
  dst = edge_index[1].astype(jnp.int32)
  et = edge_type.astype(jnp.int32)
  pad = E_PAD - E
  gsrc = jnp.concatenate([src, jnp.zeros((pad,), jnp.int32)])
  gidx = (gsrc[None, :] * NCH +
          jnp.arange(NCH, dtype=jnp.int32)[:, None])
  jidx = jnp.concatenate([et * N + dst, jnp.full((pad,), ROWS, jnp.int32)])
  zeros = jnp.zeros((ZROWS, LANES), jnp.float32)
  zeros_bf = jnp.zeros((ZROWS, FCH), jnp.bfloat16)
  ones = jnp.ones((KG * BE, LANES), jnp.float32)

  cnt = _sc_counts(jidx, zeros, ones)
  csum = cnt[0, :, 0] + cnt[1, :, 0]
  inv_t = (1.0 / jnp.clip(csum, 1.0)).reshape(R, N).T

  wd0 = _expand_blockdiag(w0).astype(jnp.bfloat16)
  wd1 = _expand_blockdiag(w1).astype(jnp.bfloat16)

  h = x.astype(jnp.bfloat16)
  layers = ((wd0, root0, b0), (wd1, root1, b1), (w2, root2, b2))
  for li, (w, root, b) in enumerate(layers):
    last = li == 2
    s = _sc_scatter(h.reshape(N * NCH, FCH), gidx, jidx, zeros_bf)
    h = _combine(s, inv_t, h, w.astype(jnp.bfloat16),
                 root.astype(jnp.bfloat16), b, not last, last)
  return h

# --- scband reference (transcript-rebuilt; emitter-appended) ---
"""Pipeline reference for scband-rgcnencoder-3616362463539 (READ-ONLY COPY).

The authoritative reference and input builder live on the scoring server;
editing this copy changes nothing except your own understanding.
"""

import jax, jax.numpy as jnp
import numpy as np

NUM_RELS = 8
NUM_BLOCKS = 4
N_NODES = 10000
N_EDGES = 320000
H_DIM = 128
OUT_DIM = 128


def _rel_mean(x_j, edge_type, dst, r, n_nodes, dtype):
    m = (edge_type == r).astype(dtype)
    s = jax.ops.segment_sum(x_j * m[:, None], dst, num_segments=n_nodes)
    c = jax.ops.segment_sum(m, dst, num_segments=n_nodes)
    return s / jnp.clip(c, 1.0)[:, None]


def rgcn_block_layer(x, edge_index, edge_type, weight, root, bias):
    # weight: (R, B, bin, bout) block-diagonal decomposition
    N = x.shape[0]
    src, dst = edge_index[0], edge_index[1]
    x_j = x[src]
    R, B, bi, bo = weight.shape
    out = jnp.zeros((N, B * bo), x.dtype)
    for r in range(R):
        h = _rel_mean(x_j, edge_type, dst, r, N, x.dtype)
        hb = h.reshape(N, B, bi)
        hb = jnp.einsum('abc,bcd->abd', hb, weight[r])
        out = out + hb.reshape(N, B * bo)
    out = out + x @ root + bias
    return out


def rgcn_full_layer(x, edge_index, edge_type, weight, root, bias):
    # weight: (R, in, out) full per-relation weights
    N = x.shape[0]
    src, dst = edge_index[0], edge_index[1]
    x_j = x[src]
    R = weight.shape[0]
    out = jnp.zeros((N, weight.shape[2]), x.dtype)
    for r in range(R):
        h = _rel_mean(x_j, edge_type, dst, r, N, x.dtype)
        out = out + h @ weight[r]
    out = out + x @ root + bias
    return out


def setup_inputs(seed: int = 0):
    key = jax.random.key(seed)
    ks = jax.random.split(key, 12)
    bi = H_DIM // NUM_BLOCKS
    bo = H_DIM // NUM_BLOCKS
    x = jax.random.normal(ks[0], (N_NODES, H_DIM), dtype=jnp.float32)
    edge_index = jax.random.randint(ks[1], (2, N_EDGES), 0, N_NODES)
    edge_type = jax.random.randint(ks[2], (N_EDGES,), 0, NUM_RELS)
    sc_b = 1.0 / np.sqrt(bi)
    sc_f = 1.0 / np.sqrt(H_DIM)
    w0 = jax.random.normal(ks[3], (NUM_RELS, NUM_BLOCKS, bi, bo), dtype=jnp.float32) * sc_b
    root0 = jax.random.normal(ks[4], (H_DIM, H_DIM), dtype=jnp.float32) * sc_f
    b0 = jnp.zeros((H_DIM,), jnp.float32)
    w1 = jax.random.normal(ks[5], (NUM_RELS, NUM_BLOCKS, bi, bo), dtype=jnp.float32) * sc_b
    root1 = jax.random.normal(ks[6], (H_DIM, H_DIM), dtype=jnp.float32) * sc_f
    b1 = jnp.zeros((H_DIM,), jnp.float32)
    w2 = jax.random.normal(ks[7], (NUM_RELS, H_DIM, OUT_DIM), dtype=jnp.float32) * sc_f
    root2 = jax.random.normal(ks[8], (H_DIM, OUT_DIM), dtype=jnp.float32) * sc_f
    b2 = jnp.zeros((OUT_DIM,), jnp.float32)
    return {"x": x, "edge_index": edge_index, "edge_type": edge_type,
            "w0": w0, "root0": root0, "b0": b0,
            "w1": w1, "root1": root1, "b1": b1,
            "w2": w2, "root2": root2, "b2": b2}


def reference(x, edge_index, edge_type, w0, root0, b0, w1, root1, b1, w2, root2, b2):
    # layer 0 (block-diag) -> relu -> (dropout is identity in eval)
    h = rgcn_block_layer(x, edge_index, edge_type, w0, root0, b0)
    h = jax.nn.relu(h)
    # layer 1 (block-diag) -> relu
    h = rgcn_block_layer(h, edge_index, edge_type, w1, root1, b1)
    h = jax.nn.relu(h)
    # layer 2 (full per-relation weights)
    h = rgcn_full_layer(h, edge_index, edge_type, w2, root2, b2)
    return h

if __name__ == "__main__":
    import jax
    _d = setup_inputs()
    print(jax.jit(kernel)(*tuple(_d.values())))

</pallas_src>

<mosaic_0001>
#map = affine_map<(d0, d1) -> (0, 0)>
#map1 = affine_map<(d0, d1) -> (0)>
#map2 = affine_map<(d0, d1) -> (0, 0, 0)>
module attributes {stable_mosaic.version = 14 : i64} {
  func.func @_sc_scatter(%arg0: i32, %arg1: i32, %arg2: memref<40000x32xbf16, #tpu.memory_space<hbm>>, %arg3: memref<4x327680xi32, #tpu.memory_space<hbm>>, %arg4: memref<327680xi32, #tpu.memory_space<hbm>>, %arg5: memref<1264x32xbf16, #tpu.memory_space<hbm>>, %arg6: memref<8x10000x128xbf16, #tpu.memory_space<hbm>>, %arg7: memref<80896x32xbf16, #tpu.memory_space<vmem_shared>>, %arg8: memref<1024xi32, #tpu.memory_space<vmem>>, %arg9: memref<1024xi32, #tpu.memory_space<vmem>>, %arg10: memref<1024xi32, #tpu.memory_space<vmem>>, %arg11: memref<1024xi32, #tpu.memory_space<vmem>>, %arg12: memref<1024x32xbf16, #tpu.memory_space<vmem>>, %arg13: memref<1024x32xbf16, #tpu.memory_space<vmem>>, %arg14: memref<!tpu.dma_semaphore, #tpu.memory_space<semaphore_mem>>, %arg15: memref<!tpu.dma_semaphore, #tpu.memory_space<semaphore_mem>>, %arg16: memref<!tpu.dma_semaphore, #tpu.memory_space<semaphore_mem>>, %arg17: memref<!tpu.dma_semaphore, #tpu.memory_space<semaphore_mem>>) attributes {dimension_semantics = [#tpu.dimension_semantics<core_parallel>, #tpu.dimension_semantics<subcore_parallel>], iteration_bounds = array<i64: 2, 16>, scalar_prefetch = 0 : i64, scratch_operands = 11 : i64, tpu.core_type = #tpu.core_type<sc_vector_subcore>, window_params = [{transform_indices = #map}, {transform_indices = #map}, {transform_indices = #map1}, {transform_indices = #map}, {transform_indices = #map2}]} {
    %scan3A = arith.constant 0 : i32
    %scan3A_0 = arith.constant 2 : i32
    %scan3A_1 = arith.addi %scan3A, %scan3A_0 : i32
    %scan3A_2 = arith.constant 1 : i32
    scf.for %scan3A_4 = %scan3A to %scan3A_1 step %scan3A_2  : i32 {
      %mul3A = arith.constant 1 : i32
      %mul3A_5 = arith.muli %scan3A_4, %mul3A : i32
      %add3A = arith.constant 0 : i32
      %add3A_6 = arith.addi %add3A, %mul3A_5 : i32
      %mul3A_7 = arith.constant 2 : i32
      %mul3A_8 = arith.muli %arg0, %mul3A_7 : i32
      %add3A_9 = arith.addi %mul3A_8, %add3A_6 : i32
      %scan3A_10 = arith.constant 0 : i32
      %scan3A_11 = arith.constant 4 : i32
      %scan3A_12 = arith.addi %scan3A_10, %scan3A_11 : i32
      %scan3A_13 = arith.constant 1 : i32
      scf.for %scan3A_75 = %scan3A_10 to %scan3A_12 step %scan3A_13  : i32 {
        %mul3A_76 = arith.constant 1 : i32
        %mul3A_77 = arith.muli %scan3A_75, %mul3A_76 : i32
        %add3A_78 = arith.constant 0 : i32
        %add3A_79 = arith.addi %add3A_78, %mul3A_77 : i32
        %mul3A_80 = arith.constant 4 : i32
        %mul3A_81 = arith.muli %arg1, %mul3A_80 : i32
        %add3A_82 = arith.addi %mul3A_81, %add3A_79 : i32
        %mul3A_83 = arith.constant 1264 : i32
        %mul3A_84 = arith.muli %add3A_82, %mul3A_83 : i32
        "tpu.region"() ({
          %run_scoped3A = tpu.sem_alloc : memref<!tpu.dma_semaphore, #tpu.memory_space<semaphore_mem>>
          %dma_start3A_85 = arith.constant 0 : i32
          %dma_start3A_86 = tpu.memref_slice %arg7[%mul3A_84, %dma_start3A_85] : memref<80896x32xbf16, #tpu.memory_space<vmem_shared>> -> memref<1264x32xbf16, #tpu.memory_space<vmem_shared>>
          tpu.enqueue_dma source(%arg5 : memref<1264x32xbf16, #tpu.memory_space<hbm>>) target(%dma_start3A_86 : memref<1264x32xbf16, #tpu.memory_space<vmem_shared>>) target_semaphore(%run_scoped3A : memref<!tpu.dma_semaphore, #tpu.memory_space<semaphore_mem>>)
          %dma_wait3A_87 = arith.constant 0 : i32
          %dma_wait3A_88 = tpu.memref_slice %arg7[%mul3A_84, %dma_wait3A_87] : memref<80896x32xbf16, #tpu.memory_space<vmem_shared>> -> memref<1264x32xbf16, #tpu.memory_space<vmem_shared>>
          tpu.wait_dma2 semaphore(%run_scoped3A : memref<!tpu.dma_semaphore, #tpu.memory_space<semaphore_mem>>) src(%arg5 : memref<1264x32xbf16, #tpu.memory_space<hbm>>) dst(%dma_wait3A_88 : memref<1264x32xbf16, #tpu.memory_space<vmem_shared>>)
          tpu.yield
        }) : () -> ()
      }
      %scan3A_14 = arith.constant 4 : i32
      %barrier3A = arith.constant 0 : index
      tpu.barrier barrier_id(%barrier3A)
      %mul3A_15 = arith.constant 20480 : i32
      %mul3A_16 = arith.muli %arg1, %mul3A_15 : i32
      %add3A_17 = arith.constant 0 : i32
      %add3A_18 = arith.addi %mul3A_16, %add3A_17 : i32
      "tpu.region"() ({
        %run_scoped3A = tpu.sem_alloc : memref<!tpu.dma_semaphore, #tpu.memory_space<semaphore_mem>>
        %dma_start3A_75 = tpu.memref_slice %arg3[%add3A_9, %add3A_18] : memref<4x327680xi32, #tpu.memory_space<hbm>> -> memref<1x1024xi32, #tpu.memory_space<hbm>>
        %dma_start3A_76 = tpu.memref_squeeze %dma_start3A_75 : memref<1x1024xi32, #tpu.memory_space<hbm>> -> memref<1024xi32, #tpu.memory_space<hbm>>
        %dma_start3A_77 = tpu.memref_slice %arg3[%add3A_9, %add3A_18] : memref<4x327680xi32, #tpu.memory_space<hbm>> -> memref<1x1024xi32, #tpu.memory_space<hbm>>
        %dma_start3A_78 = tpu.memref_squeeze %dma_start3A_77 : memref<1x1024xi32, #tpu.memory_space<hbm>> -> memref<1024xi32, #tpu.memory_space<hbm>>
        tpu.enqueue_dma source(%dma_start3A_78 : memref<1024xi32, #tpu.memory_space<hbm>>) target(%arg8 : memref<1024xi32, #tpu.memory_space<vmem>>) target_semaphore(%run_scoped3A : memref<!tpu.dma_semaphore, #tpu.memory_space<semaphore_mem>>)
        %dma_wait3A_79 = tpu.memref_slice %arg3[%add3A_9, %add3A_18] : memref<4x327680xi32, #tpu.memory_space<hbm>> -> memref<1x1024xi32, #tpu.memory_space<hbm>>
        %dma_wait3A_80 = tpu.memref_squeeze %dma_wait3A_79 : memref<1x1024xi32, #tpu.memory_space<hbm>> -> memref<1024xi32, #tpu.memory_space<hbm>>
        %dma_wait3A_81 = tpu.memref_slice %arg3[%add3A_9, %add3A_18] : memref<4x327680xi32, #tpu.memory_space<hbm>> -> memref<1x1024xi32, #tpu.memory_space<hbm>>
        %dma_wait3A_82 = tpu.memref_squeeze %dma_wait3A_81 : memref<1x1024xi32, #tpu.memory_space<hbm>> -> memref<1024xi32, #tpu.memory_space<hbm>>
        tpu.wait_dma2 semaphore(%run_scoped3A : memref<!tpu.dma_semaphore, #tpu.memory_space<semaphore_mem>>) src(%dma_wait3A_82 : memref<1024xi32, #tpu.memory_space<hbm>>) dst(%arg8 : memref<1024xi32, #tpu.memory_space<vmem>>)
        tpu.yield
      }) : () -> ()
      "tpu.region"() ({
        %run_scoped3A = tpu.sem_alloc : memref<!tpu.dma_semaphore, #tpu.memory_space<semaphore_mem>>
        %dma_start3A_75 = tpu.memref_slice %arg4[%add3A_18] : memref<327680xi32, #tpu.memory_space<hbm>> -> memref<1024xi32, #tpu.memory_space<hbm>>
        %dma_start3A_76 = tpu.memref_slice %arg4[%add3A_18] : memref<327680xi32, #tpu.memory_space<hbm>> -> memref<1024xi32, #tpu.memory_space<hbm>>
        tpu.enqueue_dma source(%dma_start3A_76 : memref<1024xi32, #tpu.memory_space<hbm>>) target(%arg10 : memref<1024xi32, #tpu.memory_space<vmem>>) target_semaphore(%run_scoped3A : memref<!tpu.dma_semaphore, #tpu.memory_space<semaphore_mem>>)
        %dma_wait3A_77 = tpu.memref_slice %arg4[%add3A_18] : memref<327680xi32, #tpu.memory_space<hbm>> -> memref<1024xi32, #tpu.memory_space<hbm>>
        %dma_wait3A_78 = tpu.memref_slice %arg4[%add3A_18] : memref<327680xi32, #tpu.memory_space<hbm>> -> memref<1024xi32, #tpu.memory_space<hbm>>
        tpu.wait_dma2 semaphore(%run_scoped3A : memref<!tpu.dma_semaphore, #tpu.memory_space<semaphore_mem>>) src(%dma_wait3A_78 : memref<1024xi32, #tpu.memory_space<hbm>>) dst(%arg10 : memref<1024xi32, #tpu.memory_space<vmem>>)
        tpu.yield
      }) : () -> ()
      %dma_start3A = arith.constant 0 : i32
      %dma_start3A_19 = arith.constant 0 : i32
      %dma_start3A_20 = tpu.memref_slice %arg2[%dma_start3A, %dma_start3A_19] : memref<40000x32xbf16, #tpu.memory_space<hbm>> -> memref<40000x32xbf16, #tpu.memory_space<hbm>>
      tpu.enqueue_indirect_dma source(%dma_start3A_20 : memref<40000x32xbf16, #tpu.memory_space<hbm>>) target(%arg12 : memref<1024x32xbf16, #tpu.memory_space<vmem>>) offsets(%arg8 : memref<1024xi32, #tpu.memory_space<vmem>>) semaphore(%arg14 : memref<!tpu.dma_semaphore, #tpu.memory_space<semaphore_mem>>)
      %scan3A_21 = arith.constant 0 : i32
      %scan3A_22 = arith.constant 10 : i32
      %scan3A_23 = arith.addi %scan3A_21, %scan3A_22 : i32
      %scan3A_24 = arith.constant 1 : i32
      scf.for %scan3A_75 = %scan3A_21 to %scan3A_23 step %scan3A_24  : i32 {
        %mul3A_76 = arith.constant 1 : i32
        %mul3A_77 = arith.muli %scan3A_75, %mul3A_76 : i32
        %add3A_78 = arith.constant 0 : i32
        %add3A_79 = arith.addi %add3A_78, %mul3A_77 : i32
        %gt3A = arith.constant 0 : i32
        %gt3A_80 = arith.cmpi sgt, %add3A_79, %gt3A : i32
        %convert_element_type3A = arith.extui %gt3A_80 : i1 to i32
        %cond3A = arith.constant 0 : i32
        %cond3A_81 = arith.cmpi ne, %convert_element_type3A, %cond3A : i32
        scf.if %cond3A_81 {
          %dma_wait3A_117 = arith.constant 0 : i32
          %dma_wait3A_118 = arith.constant 0 : i32
          %dma_wait3A_119 = tpu.memref_slice %arg2[%dma_wait3A_117, %dma_wait3A_118] : memref<40000x32xbf16, #tpu.memory_space<hbm>> -> memref<1024x32xbf16, #tpu.memory_space<hbm>>
          %dma_wait3A_120 = arith.constant 0 : i32
          %dma_wait3A_121 = arith.constant 0 : i32
          %dma_wait3A_122 = tpu.memref_slice %arg2[%dma_wait3A_120, %dma_wait3A_121] : memref<40000x32xbf16, #tpu.memory_space<hbm>> -> memref<1024x32xbf16, #tpu.memory_space<hbm>>
          tpu.wait_dma2 semaphore(%arg17 : memref<!tpu.dma_semaphore, #tpu.memory_space<semaphore_mem>>) src(%dma_wait3A_122 : memref<1024x32xbf16, #tpu.memory_space<hbm>>) dst(%arg13 : memref<1024x32xbf16, #tpu.memory_space<vmem>>)
        } else {
        }
        %mul3A_82 = arith.constant 2 : i32
        %mul3A_83 = arith.muli %mul3A_82, %add3A_79 : i32
        %add3A_84 = arith.constant 1 : i32
        %add3A_85 = arith.addi %mul3A_83, %add3A_84 : i32
        %mul3A_86 = arith.constant 20480 : i32
        %mul3A_87 = arith.muli %arg1, %mul3A_86 : i32
        %mul3A_88 = arith.constant 1024 : i32
        %mul3A_89 = arith.muli %add3A_85, %mul3A_88 : i32
        %add3A_90 = arith.addi %mul3A_87, %mul3A_89 : i32
        "tpu.region"() ({
          %run_scoped3A = tpu.sem_alloc : memref<!tpu.dma_semaphore, #tpu.memory_space<semaphore_mem>>
          %dma_start3A_117 = tpu.memref_slice %arg3[%add3A_9, %add3A_90] : memref<4x327680xi32, #tpu.memory_space<hbm>> -> memref<1x1024xi32, #tpu.memory_space<hbm>>
          %dma_start3A_118 = tpu.memref_squeeze %dma_start3A_117 : memref<1x1024xi32, #tpu.memory_space<hbm>> -> memref<1024xi32, #tpu.memory_space<hbm>>
          %dma_start3A_119 = tpu.memref_slice %arg3[%add3A_9, %add3A_90] : memref<4x327680xi32, #tpu.memory_space<hbm>> -> memref<1x1024xi32, #tpu.memory_space<hbm>>
          %dma_start3A_120 = tpu.memref_squeeze %dma_start3A_119 : memref<1x1024xi32, #tpu.memory_space<hbm>> -> memref<1024xi32, #tpu.memory_space<hbm>>
          tpu.enqueue_dma source(%dma_start3A_120 : memref<1024xi32, #tpu.memory_space<hbm>>) target(%arg9 : memref<1024xi32, #tpu.memory_space<vmem>>) target_semaphore(%run_scoped3A : memref<!tpu.dma_semaphore, #tpu.memory_space<semaphore_mem>>)
          %dma_wait3A_121 = tpu.memref_slice %arg3[%add3A_9, %add3A_90] : memref<4x327680xi32, #tpu.memory_space<hbm>> -> memref<1x1024xi32, #tpu.memory_space<hbm>>
          %dma_wait3A_122 = tpu.memref_squeeze %dma_wait3A_121 : memref<1x1024xi32, #tpu.memory_space<hbm>> -> memref<1024xi32, #tpu.memory_space<hbm>>
          %dma_wait3A_123 = tpu.memref_slice %arg3[%add3A_9, %add3A_90] : memref<4x327680xi32, #tpu.memory_space<hbm>> -> memref<1x1024xi32, #tpu.memory_space<hbm>>
          %dma_wait3A_124 = tpu.memref_squeeze %dma_wait3A_123 : memref<1x1024xi32, #tpu.memory_space<hbm>> -> memref<1024xi32, #tpu.memory_space<hbm>>
          tpu.wait_dma2 semaphore(%run_scoped3A : memref<!tpu.dma_semaphore, #tpu.memory_space<semaphore_mem>>) src(%dma_wait3A_124 : memref<1024xi32, #tpu.memory_space<hbm>>) dst(%arg9 : memref<1024xi32, #tpu.memory_space<vmem>>)
          tpu.yield
        }) : () -> ()
        "tpu.region"() ({
          %run_scoped3A = tpu.sem_alloc : memref<!tpu.dma_semaphore, #tpu.memory_space<semaphore_mem>>
          %dma_start3A_117 = tpu.memref_slice %arg4[%add3A_90] : memref<327680xi32, #tpu.memory_space<hbm>> -> memref<1024xi32, #tpu.memory_space<hbm>>
          %dma_start3A_118 = tpu.memref_slice %arg4[%add3A_90] : memref<327680xi32, #tpu.memory_space<hbm>> -> memref<1024xi32, #tpu.memory_space<hbm>>
          tpu.enqueue_dma source(%dma_start3A_118 : memref<1024xi32, #tpu.memory_space<hbm>>) target(%arg11 : memref<1024xi32, #tpu.memory_space<vmem>>) target_semaphore(%run_scoped3A : memref<!tpu.dma_semaphore, #tpu.memory_space<semaphore_mem>>)
          %dma_wait3A_119 = tpu.memref_slice %arg4[%add3A_90] : memref<327680xi32, #tpu.memory_space<hbm>> -> memref<1024xi32, #tpu.memory_space<hbm>>
          %dma_wait3A_120 = tpu.memref_slice %arg4[%add3A_90] : memref<327680xi32, #tpu.memory_space<hbm>> -> memref<1024xi32, #tpu.memory_space<hbm>>
          tpu.wait_dma2 semaphore(%run_scoped3A : memref<!tpu.dma_semaphore, #tpu.memory_space<semaphore_mem>>) src(%dma_wait3A_120 : memref<1024xi32, #tpu.memory_space<hbm>>) dst(%arg11 : memref<1024xi32, #tpu.memory_space<vmem>>)
          tpu.yield
        }) : () -> ()
        %dma_start3A_91 = arith.constant 0 : i32
        %dma_start3A_92 = arith.constant 0 : i32
        %dma_start3A_93 = tpu.memref_slice %arg2[%dma_start3A_91, %dma_start3A_92] : memref<40000x32xbf16, #tpu.memory_space<hbm>> -> memref<40000x32xbf16, #tpu.memory_space<hbm>>
        tpu.enqueue_indirect_dma source(%dma_start3A_93 : memref<40000x32xbf16, #tpu.memory_space<hbm>>) target(%arg13 : memref<1024x32xbf16, #tpu.memory_space<vmem>>) offsets(%arg9 : memref<1024xi32, #tpu.memory_space<vmem>>) semaphore(%arg15 : memref<!tpu.dma_semaphore, #tpu.memory_space<semaphore_mem>>)
        %dma_wait3A_94 = arith.constant 0 : i32
        %dma_wait3A_95 = arith.constant 0 : i32
        %dma_wait3A_96 = tpu.memref_slice %arg2[%dma_wait3A_94, %dma_wait3A_95] : memref<40000x32xbf16, #tpu.memory_space<hbm>> -> memref<1024x32xbf16, #tpu.memory_space<hbm>>
        %dma_wait3A_97 = arith.constant 0 : i32
        %dma_wait3A_98 = arith.constant 0 : i32
        %dma_wait3A_99 = tpu.memref_slice %arg2[%dma_wait3A_97, %dma_wait3A_98] : memref<40000x32xbf16, #tpu.memory_space<hbm>> -> memref<1024x32xbf16, #tpu.memory_space<hbm>>
        tpu.wait_dma2 semaphore(%arg14 : memref<!tpu.dma_semaphore, #tpu.memory_space<semaphore_mem>>) src(%dma_wait3A_99 : memref<1024x32xbf16, #tpu.memory_space<hbm>>) dst(%arg12 : memref<1024x32xbf16, #tpu.memory_space<vmem>>)
        %dma_start3A_100 = arith.constant 0 : i32
        %dma_start3A_101 = arith.constant 0 : i32
        %dma_start3A_102 = tpu.memref_slice %arg7[%dma_start3A_100, %dma_start3A_101] : memref<80896x32xbf16, #tpu.memory_space<vmem_shared>> -> memref<80896x32xbf16, #tpu.memory_space<vmem_shared>>
        tpu.enqueue_indirect_dma source(%arg12 : memref<1024x32xbf16, #tpu.memory_space<vmem>>) target(%dma_start3A_102 : memref<80896x32xbf16, #tpu.memory_space<vmem_shared>>) offsets(%arg10 : memref<1024xi32, #tpu.memory_space<vmem>>) semaphore(%arg16 : memref<!tpu.dma_semaphore, #tpu.memory_space<semaphore_mem>>) {add = true}
        %lt3A_103 = arith.constant 9 : i32
        %lt3A_104 = arith.cmpi slt, %add3A_79, %lt3A_103 : i32
        %convert_element_type3A_105 = arith.extui %lt3A_104 : i1 to i32
        %cond3A_106 = arith.constant 0 : i32
        %cond3A_107 = arith.cmpi ne, %convert_element_type3A_105, %cond3A_106 : i32
        scf.if %cond3A_107 {
          %dma_wait3A_117 = arith.constant 0 : i32
          %dma_wait3A_118 = arith.constant 0 : i32
          %dma_wait3A_119 = tpu.memref_slice %arg2[%dma_wait3A_117, %dma_wait3A_118] : memref<40000x32xbf16, #tpu.memory_space<hbm>> -> memref<1024x32xbf16, #tpu.memory_space<hbm>>
          %dma_wait3A_120 = arith.constant 0 : i32
          %dma_wait3A_121 = arith.constant 0 : i32
          %dma_wait3A_122 = tpu.memref_slice %arg2[%dma_wait3A_120, %dma_wait3A_121] : memref<40000x32xbf16, #tpu.memory_space<hbm>> -> memref<1024x32xbf16, #tpu.memory_space<hbm>>
          tpu.wait_dma2 semaphore(%arg16 : memref<!tpu.dma_semaphore, #tpu.memory_space<semaphore_mem>>) src(%dma_wait3A_122 : memref<1024x32xbf16, #tpu.memory_space<hbm>>) dst(%arg12 : memref<1024x32xbf16, #tpu.memory_space<vmem>>)
          %mul3A_123 = arith.constant 2 : i32
          %mul3A_124 = arith.muli %mul3A_123, %add3A_79 : i32
          %add3A_125 = arith.constant 2 : i32
          %add3A_126 = arith.addi %mul3A_124, %add3A_125 : i32
          %mul3A_127 = arith.constant 20480 : i32
          %mul3A_128 = arith.muli %arg1, %mul3A_127 : i32
          %mul3A_129 = arith.constant 1024 : i32
          %mul3A_130 = arith.muli %add3A_126, %mul3A_129 : i32
          %add3A_131 = arith.addi %mul3A_128, %mul3A_130 : i32
          "tpu.region"() ({
            %run_scoped3A = tpu.sem_alloc : memref<!tpu.dma_semaphore, #tpu.memory_space<semaphore_mem>>
            %dma_start3A_135 = tpu.memref_slice %arg3[%add3A_9, %add3A_131] : memref<4x327680xi32, #tpu.memory_space<hbm>> -> memref<1x1024xi32, #tpu.memory_space<hbm>>
            %dma_start3A_136 = tpu.memref_squeeze %dma_start3A_135 : memref<1x1024xi32, #tpu.memory_space<hbm>> -> memref<1024xi32, #tpu.memory_space<hbm>>
            %dma_start3A_137 = tpu.memref_slice %arg3[%add3A_9, %add3A_131] : memref<4x327680xi32, #tpu.memory_space<hbm>> -> memref<1x1024xi32, #tpu.memory_space<hbm>>
            %dma_start3A_138 = tpu.memref_squeeze %dma_start3A_137 : memref<1x1024xi32, #tpu.memory_space<hbm>> -> memref<1024xi32, #tpu.memory_space<hbm>>
            tpu.enqueue_dma source(%dma_start3A_138 : memref<1024xi32, #tpu.memory_space<hbm>>) target(%arg8 : memref<1024xi32, #tpu.memory_space<vmem>>) target_semaphore(%run_scoped3A : memref<!tpu.dma_semaphore, #tpu.memory_space<semaphore_mem>>)
            %dma_wait3A_139 = tpu.memref_slice %arg3[%add3A_9, %add3A_131] : memref<4x327680xi32, #tpu.memory_space<hbm>> -> memref<1x1024xi32, #tpu.memory_space<hbm>>
            %dma_wait3A_140 = tpu.memref_squeeze %dma_wait3A_139 : memref<1x1024xi32, #tpu.memory_space<hbm>> -> memref<1024xi32, #tpu.memory_space<hbm>>
            %dma_wait3A_141 = tpu.memref_slice %arg3[%add3A_9, %add3A_131] : memref<4x327680xi32, #tpu.memory_space<hbm>> -> memref<1x1024xi32, #tpu.memory_space<hbm>>
            %dma_wait3A_142 = tpu.memref_squeeze %dma_wait3A_141 : memref<1x1024xi32, #tpu.memory_space<hbm>> -> memref<1024xi32, #tpu.memory_space<hbm>>
            tpu.wait_dma2 semaphore(%run_scoped3A : memref<!tpu.dma_semaphore, #tpu.memory_space<semaphore_mem>>) src(%dma_wait3A_142 : memref<1024xi32, #tpu.memory_space<hbm>>) dst(%arg8 : memref<1024xi32, #tpu.memory_space<vmem>>)
            tpu.yield
          }) : () -> ()
          "tpu.region"() ({
            %run_scoped3A = tpu.sem_alloc : memref<!tpu.dma_semaphore, #tpu.memory_space<semaphore_mem>>
            %dma_start3A_135 = tpu.memref_slice %arg4[%add3A_131] : memref<327680xi32, #tpu.memory_space<hbm>> -> memref<1024xi32, #tpu.memory_space<hbm>>
            %dma_start3A_136 = tpu.memref_slice %arg4[%add3A_131] : memref<327680xi32, #tpu.memory_space<hbm>> -> memref<1024xi32, #tpu.memory_space<hbm>>
            tpu.enqueue_dma source(%dma_start3A_136 : memref<1024xi32, #tpu.memory_space<hbm>>) target(%arg10 : memref<1024xi32, #tpu.memory_space<vmem>>) target_semaphore(%run_scoped3A : memref<!tpu.dma_semaphore, #tpu.memory_space<semaphore_mem>>)
            %dma_wait3A_137 = tpu.memref_slice %arg4[%add3A_131] : memref<327680xi32, #tpu.memory_space<hbm>> -> memref<1024xi32, #tpu.memory_space<hbm>>
            %dma_wait3A_138 = tpu.memref_slice %arg4[%add3A_131] : memref<327680xi32, #tpu.memory_space<hbm>> -> memref<1024xi32, #tpu.memory_space<hbm>>
            tpu.wait_dma2 semaphore(%run_scoped3A : memref<!tpu.dma_semaphore, #tpu.memory_space<semaphore_mem>>) src(%dma_wait3A_138 : memref<1024xi32, #tpu.memory_space<hbm>>) dst(%arg10 : memref<1024xi32, #tpu.memory_space<vmem>>)
            tpu.yield
          }) : () -> ()
          %dma_start3A_132 = arith.constant 0 : i32
          %dma_start3A_133 = arith.constant 0 : i32
          %dma_start3A_134 = tpu.memref_slice %arg2[%dma_start3A_132, %dma_start3A_133] : memref<40000x32xbf16, #tpu.memory_space<hbm>> -> memref<40000x32xbf16, #tpu.memory_space<hbm>>
          tpu.enqueue_indirect_dma source(%dma_start3A_134 : memref<40000x32xbf16, #tpu.memory_space<hbm>>) target(%arg12 : memref<1024x32xbf16, #tpu.memory_space<vmem>>) offsets(%arg8 : memref<1024xi32, #tpu.memory_space<vmem>>) semaphore(%arg14 : memref<!tpu.dma_semaphore, #tpu.memory_space<semaphore_mem>>)
        } else {
        }
        %dma_wait3A_108 = arith.constant 0 : i32
        %dma_wait3A_109 = arith.constant 0 : i32
        %dma_wait3A_110 = tpu.memref_slice %arg2[%dma_wait3A_108, %dma_wait3A_109] : memref<40000x32xbf16, #tpu.memory_space<hbm>> -> memref<1024x32xbf16, #tpu.memory_space<hbm>>
        %dma_wait3A_111 = arith.constant 0 : i32
        %dma_wait3A_112 = arith.constant 0 : i32
        %dma_wait3A_113 = tpu.memref_slice %arg2[%dma_wait3A_111, %dma_wait3A_112] : memref<40000x32xbf16, #tpu.memory_space<hbm>> -> memref<1024x32xbf16, #tpu.memory_space<hbm>>
        tpu.wait_dma2 semaphore(%arg15 : memref<!tpu.dma_semaphore, #tpu.memory_space<semaphore_mem>>) src(%dma_wait3A_113 : memref<1024x32xbf16, #tpu.memory_space<hbm>>) dst(%arg13 : memref<1024x32xbf16, #tpu.memory_space<vmem>>)
        %dma_start3A_114 = arith.constant 0 : i32
        %dma_start3A_115 = arith.constant 0 : i32
        %dma_start3A_116 = tpu.memref_slice %arg7[%dma_start3A_114, %dma_start3A_115] : memref<80896x32xbf16, #tpu.memory_space<vmem_shared>> -> memref<80896x32xbf16, #tpu.memory_space<vmem_shared>>
        tpu.enqueue_indirect_dma source(%arg13 : memref<1024x32xbf16, #tpu.memory_space<vmem>>) target(%dma_start3A_116 : memref<80896x32xbf16, #tpu.memory_space<vmem_shared>>) offsets(%arg11 : memref<1024xi32, #tpu.memory_space<vmem>>) semaphore(%arg17 : memref<!tpu.dma_semaphore, #tpu.memory_space<semaphore_mem>>) {add = true}
      }
      %scan3A_25 = arith.constant 10 : i32
      %dma_wait3A = arith.constant 0 : i32
      %dma_wait3A_26 = arith.constant 0 : i32
      %dma_wait3A_27 = tpu.memref_slice %arg2[%dma_wait3A, %dma_wait3A_26] : memref<40000x32xbf16, #tpu.memory_space<hbm>> -> memref<1024x32xbf16, #tpu.memory_space<hbm>>
      %dma_wait3A_28 = arith.constant 0 : i32
      %dma_wait3A_29 = arith.constant 0 : i32
      %dma_wait3A_30 = tpu.memref_slice %arg2[%dma_wait3A_28, %dma_wait3A_29] : memref<40000x32xbf16, #tpu.memory_space<hbm>> -> memref<1024x32xbf16, #tpu.memory_space<hbm>>
      tpu.wait_dma2 semaphore(%arg16 : memref<!tpu.dma_semaphore, #tpu.memory_space<semaphore_mem>>) src(%dma_wait3A_30 : memref<1024x32xbf16, #tpu.memory_space<hbm>>) dst(%arg12 : memref<1024x32xbf16, #tpu.memory_space<vmem>>)
      %dma_wait3A_31 = arith.constant 0 : i32
      %dma_wait3A_32 = arith.constant 0 : i32
      %dma_wait3A_33 = tpu.memref_slice %arg2[%dma_wait3A_31, %dma_wait3A_32] : memref<40000x32xbf16, #tpu.memory_space<hbm>> -> memref<1024x32xbf16, #tpu.memory_space<hbm>>
      %dma_wait3A_34 = arith.constant 0 : i32
      %dma_wait3A_35 = arith.constant 0 : i32
      %dma_wait3A_36 = tpu.memref_slice %arg2[%dma_wait3A_34, %dma_wait3A_35] : memref<40000x32xbf16, #tpu.memory_space<hbm>> -> memref<1024x32xbf16, #tpu.memory_space<hbm>>
      tpu.wait_dma2 semaphore(%arg17 : memref<!tpu.dma_semaphore, #tpu.memory_space<semaphore_mem>>) src(%dma_wait3A_36 : memref<1024x32xbf16, #tpu.memory_space<hbm>>) dst(%arg13 : memref<1024x32xbf16, #tpu.memory_space<vmem>>)
      %barrier3A_37 = arith.constant 0 : index
      tpu.barrier barrier_id(%barrier3A_37)
      %mul3A_38 = arith.constant 5000 : i32
      %mul3A_39 = arith.muli %arg1, %mul3A_38 : i32
      %jit3A = arith.constant 2 : i32
      %div3A = arith.divsi %arg1, %jit3A : i32
      %sign3A = arith.constant 0 : i32
      %sign3A_40 = arith.cmpi sgt, %arg1, %sign3A : i32
      %sign3A_41 = arith.extui %sign3A_40 : i1 to i32
      %sign3A_42 = arith.constant 0 : i32
      %sign3A_43 = arith.cmpi slt, %arg1, %sign3A_42 : i32
      %sign3A_44 = arith.extui %sign3A_43 : i1 to i32
      %sign3A_45 = arith.subi %sign3A_41, %sign3A_44 : i32
      %sign3A_46 = arith.constant 0 : i32
      %sign3A_47 = arith.cmpi sgt, %jit3A, %sign3A_46 : i32
      %sign3A_48 = arith.extui %sign3A_47 : i1 to i32
      %sign3A_49 = arith.constant 0 : i32
      %sign3A_50 = arith.cmpi slt, %jit3A, %sign3A_49 : i32
      %sign3A_51 = arith.extui %sign3A_50 : i1 to i32
      %sign3A_52 = arith.subi %sign3A_48, %sign3A_51 : i32
      %ne3A = arith.cmpi ne, %sign3A_45, %sign3A_52 : i32
      %rem3A = arith.remsi %arg1, %jit3A : i32
      %ne3A_53 = arith.constant 0 : i32
      %ne3A_54 = arith.cmpi ne, %rem3A, %ne3A_53 : i32
      %and3A = arith.andi %ne3A, %ne3A_54 : i1
      %sub3A = arith.constant 1 : i32
      %sub3A_55 = arith.subi %div3A, %sub3A : i32
      %select_n3A = arith.select %and3A, %sub3A_55, %div3A : i32
      %jit3A_56 = arith.constant 2 : i32
      %eq3A = arith.constant 0 : i32
      %eq3A_57 = arith.cmpi eq, %jit3A_56, %eq3A : i32
      %jit3A_58 = arith.constant 1 : i32
      %select_n3A_59 = arith.select %eq3A_57, %jit3A_58, %jit3A_56 : i32
      %rem3A_60 = arith.remsi %arg1, %select_n3A_59 : i32
      %ne3A_61 = arith.constant 0 : i32
      %ne3A_62 = arith.cmpi ne, %rem3A_60, %ne3A_61 : i32
      %lt3A = arith.constant 0 : i32
      %lt3A_63 = arith.cmpi slt, %rem3A_60, %lt3A : i32
      %lt3A_64 = arith.constant 0 : i32
      %lt3A_65 = arith.cmpi slt, %select_n3A_59, %lt3A_64 : i32
      %ne3A_66 = arith.xori %lt3A_63, %lt3A_65 : i1
      %and3A_67 = arith.andi %ne3A_66, %ne3A_62 : i1
      %add3A_68 = arith.addi %rem3A_60, %select_n3A_59 : i32
      %select_n3A_69 = arith.select %and3A_67, %add3A_68, %rem3A_60 : i32
      %mul3A_70 = arith.constant 5000 : i32
      %mul3A_71 = arith.muli %select_n3A_69, %mul3A_70 : i32
      %mul3A_72 = arith.constant 32 : i32
      %mul3A_73 = arith.muli %add3A_9, %mul3A_72 : i32
      "tpu.region"() ({
        %run_scoped3A = tpu.sem_alloc : memref<!tpu.dma_semaphore, #tpu.memory_space<semaphore_mem>>
        %dma_start3A_75 = tpu.memref_slice %arg6[%select_n3A, %mul3A_71, %mul3A_73] : memref<8x10000x128xbf16, #tpu.memory_space<hbm>> -> memref<1x5000x32xbf16, #tpu.memory_space<hbm>>
        %dma_start3A_76 = tpu.memref_squeeze %dma_start3A_75 : memref<1x5000x32xbf16, #tpu.memory_space<hbm>> -> memref<5000x32xbf16, #tpu.memory_space<hbm>>
        %dma_start3A_77 = arith.constant 0 : i32
        %dma_start3A_78 = tpu.memref_slice %arg7[%mul3A_39, %dma_start3A_77] : memref<80896x32xbf16, #tpu.memory_space<vmem_shared>> -> memref<5000x32xbf16, #tpu.memory_space<vmem_shared>>
        tpu.enqueue_dma source(%dma_start3A_78 : memref<5000x32xbf16, #tpu.memory_space<vmem_shared>>) target(%dma_start3A_76 : memref<5000x32xbf16, #tpu.memory_space<hbm>>) target_semaphore(%run_scoped3A : memref<!tpu.dma_semaphore, #tpu.memory_space<semaphore_mem>>)
        %dma_wait3A_79 = tpu.memref_slice %arg6[%select_n3A, %mul3A_71, %mul3A_73] : memref<8x10000x128xbf16, #tpu.memory_space<hbm>> -> memref<1x5000x32xbf16, #tpu.memory_space<hbm>>
        %dma_wait3A_80 = tpu.memref_squeeze %dma_wait3A_79 : memref<1x5000x32xbf16, #tpu.memory_space<hbm>> -> memref<5000x32xbf16, #tpu.memory_space<hbm>>
        %dma_wait3A_81 = arith.constant 0 : i32
        %dma_wait3A_82 = tpu.memref_slice %arg7[%mul3A_39, %dma_wait3A_81] : memref<80896x32xbf16, #tpu.memory_space<vmem_shared>> -> memref<5000x32xbf16, #tpu.memory_space<vmem_shared>>
        tpu.wait_dma2 semaphore(%run_scoped3A : memref<!tpu.dma_semaphore, #tpu.memory_space<semaphore_mem>>) src(%dma_wait3A_82 : memref<5000x32xbf16, #tpu.memory_space<vmem_shared>>) dst(%dma_wait3A_80 : memref<5000x32xbf16, #tpu.memory_space<hbm>>)
        tpu.yield
      }) : () -> ()
      %barrier3A_74 = arith.constant 0 : index
      tpu.barrier barrier_id(%barrier3A_74)
    }
    %scan3A_3 = arith.constant 2 : i32
    return
  }
}

#map = affine_map<(d0, d1) -> (0)>
#map1 = affine_map<(d0, d1) -> (0, 0)>
#map2 = affine_map<(d0, d1) -> (0, 0, 0)>
module attributes {stable_mosaic.version = 14 : i64} {
  func.func @_sc_counts(%arg0: i32, %arg1: i32, %arg2: memref<327680xi32, #tpu.memory_space<hbm>>, %arg3: memref<1264x16xf32, #tpu.memory_space<hbm>>, %arg4: memref<1024x16xf32, #tpu.memory_space<hbm>>, %arg5: memref<2x80000x16xf32, #tpu.memory_space<hbm>>, %arg6: memref<80896x16xf32, #tpu.memory_space<vmem_shared>>, %arg7: memref<1024xi32, #tpu.memory_space<vmem>>, %arg8: memref<1024x16xf32, #tpu.memory_space<vmem>>) attributes {dimension_semantics = [#tpu.dimension_semantics<core_parallel>, #tpu.dimension_semantics<subcore_parallel>], iteration_bounds = array<i64: 2, 16>, scalar_prefetch = 0 : i64, scratch_operands = 3 : i64, tpu.core_type = #tpu.core_type<sc_vector_subcore>, window_params = [{transform_indices = #map}, {transform_indices = #map1}, {transform_indices = #map1}, {transform_indices = #map2}]} {
    "tpu.region"() ({
      %run_scoped3A = tpu.sem_alloc : memref<!tpu.dma_semaphore, #tpu.memory_space<semaphore_mem>>
      tpu.enqueue_dma source(%arg4 : memref<1024x16xf32, #tpu.memory_space<hbm>>) target(%arg8 : memref<1024x16xf32, #tpu.memory_space<vmem>>) target_semaphore(%run_scoped3A : memref<!tpu.dma_semaphore, #tpu.memory_space<semaphore_mem>>)
      tpu.wait_dma2 semaphore(%run_scoped3A : memref<!tpu.dma_semaphore, #tpu.memory_space<semaphore_mem>>) src(%arg4 : memref<1024x16xf32, #tpu.memory_space<hbm>>) dst(%arg8 : memref<1024x16xf32, #tpu.memory_space<vmem>>)
      tpu.yield
    }) : () -> ()
    %scan3A = arith.constant 0 : i32
    %scan3A_0 = arith.constant 4 : i32
    %scan3A_1 = arith.addi %scan3A, %scan3A_0 : i32
    %scan3A_2 = arith.constant 1 : i32
    scf.for %scan3A_13 = %scan3A to %scan3A_1 step %scan3A_2  : i32 {
      %mul3A_14 = arith.constant 1 : i32
      %mul3A_15 = arith.muli %scan3A_13, %mul3A_14 : i32
      %add3A = arith.constant 0 : i32
      %add3A_16 = arith.addi %add3A, %mul3A_15 : i32
      %mul3A_17 = arith.constant 4 : i32
      %mul3A_18 = arith.muli %arg1, %mul3A_17 : i32
      %add3A_19 = arith.addi %mul3A_18, %add3A_16 : i32
      %mul3A_20 = arith.constant 1264 : i32
      %mul3A_21 = arith.muli %add3A_19, %mul3A_20 : i32
      "tpu.region"() ({
        %run_scoped3A = tpu.sem_alloc : memref<!tpu.dma_semaphore, #tpu.memory_space<semaphore_mem>>
        %dma_start3A = arith.constant 0 : i32
        %dma_start3A_22 = tpu.memref_slice %arg6[%mul3A_21, %dma_start3A] : memref<80896x16xf32, #tpu.memory_space<vmem_shared>> -> memref<1264x16xf32, #tpu.memory_space<vmem_shared>>
        tpu.enqueue_dma source(%arg3 : memref<1264x16xf32, #tpu.memory_space<hbm>>) target(%dma_start3A_22 : memref<1264x16xf32, #tpu.memory_space<vmem_shared>>) target_semaphore(%run_scoped3A : memref<!tpu.dma_semaphore, #tpu.memory_space<semaphore_mem>>)
        %dma_wait3A = arith.constant 0 : i32
        %dma_wait3A_23 = tpu.memref_slice %arg6[%mul3A_21, %dma_wait3A] : memref<80896x16xf32, #tpu.memory_space<vmem_shared>> -> memref<1264x16xf32, #tpu.memory_space<vmem_shared>>
        tpu.wait_dma2 semaphore(%run_scoped3A : memref<!tpu.dma_semaphore, #tpu.memory_space<semaphore_mem>>) src(%arg3 : memref<1264x16xf32, #tpu.memory_space<hbm>>) dst(%dma_wait3A_23 : memref<1264x16xf32, #tpu.memory_space<vmem_shared>>)
        tpu.yield
      }) : () -> ()
    }
    %scan3A_3 = arith.constant 4 : i32
    %barrier3A = arith.constant 0 : index
    tpu.barrier barrier_id(%barrier3A)
    %scan3A_4 = arith.constant 0 : i32
    %scan3A_5 = arith.constant 10 : i32
    %scan3A_6 = arith.addi %scan3A_4, %scan3A_5 : i32
    %scan3A_7 = arith.constant 1 : i32
    scf.for %scan3A_13 = %scan3A_4 to %scan3A_6 step %scan3A_7  : i32 {
      %mul3A_14 = arith.constant 1 : i32
      %mul3A_15 = arith.muli %scan3A_13, %mul3A_14 : i32
      %add3A = arith.constant 0 : i32
      %add3A_16 = arith.addi %add3A, %mul3A_15 : i32
      %mul3A_17 = arith.constant 16 : i32
      %mul3A_18 = arith.muli %arg0, %mul3A_17 : i32
      %add3A_19 = arith.addi %mul3A_18, %arg1 : i32
      %mul3A_20 = arith.constant 10240 : i32
      %mul3A_21 = arith.muli %add3A_19, %mul3A_20 : i32
      %mul3A_22 = arith.constant 1024 : i32
      %mul3A_23 = arith.muli %add3A_16, %mul3A_22 : i32
      %add3A_24 = arith.addi %mul3A_21, %mul3A_23 : i32
      "tpu.region"() ({
        %run_scoped3A = tpu.sem_alloc : memref<!tpu.dma_semaphore, #tpu.memory_space<semaphore_mem>>
        %dma_start3A = tpu.memref_slice %arg2[%add3A_24] : memref<327680xi32, #tpu.memory_space<hbm>> -> memref<1024xi32, #tpu.memory_space<hbm>>
        %dma_start3A_25 = tpu.memref_slice %arg2[%add3A_24] : memref<327680xi32, #tpu.memory_space<hbm>> -> memref<1024xi32, #tpu.memory_space<hbm>>
        tpu.enqueue_dma source(%dma_start3A_25 : memref<1024xi32, #tpu.memory_space<hbm>>) target(%arg7 : memref<1024xi32, #tpu.memory_space<vmem>>) target_semaphore(%run_scoped3A : memref<!tpu.dma_semaphore, #tpu.memory_space<semaphore_mem>>)
        %dma_wait3A = tpu.memref_slice %arg2[%add3A_24] : memref<327680xi32, #tpu.memory_space<hbm>> -> memref<1024xi32, #tpu.memory_space<hbm>>
        %dma_wait3A_26 = tpu.memref_slice %arg2[%add3A_24] : memref<327680xi32, #tpu.memory_space<hbm>> -> memref<1024xi32, #tpu.memory_space<hbm>>
        tpu.wait_dma2 semaphore(%run_scoped3A : memref<!tpu.dma_semaphore, #tpu.memory_space<semaphore_mem>>) src(%dma_wait3A_26 : memref<1024xi32, #tpu.memory_space<hbm>>) dst(%arg7 : memref<1024xi32, #tpu.memory_space<vmem>>)
        tpu.yield
      }) : () -> ()
      "tpu.region"() ({
        %run_scoped3A = tpu.sem_alloc : memref<!tpu.dma_semaphore, #tpu.memory_space<semaphore_mem>>
        %dma_start3A = arith.constant 0 : i32
        %dma_start3A_25 = arith.constant 0 : i32
        %dma_start3A_26 = tpu.memref_slice %arg6[%dma_start3A, %dma_start3A_25] : memref<80896x16xf32, #tpu.memory_space<vmem_shared>> -> memref<80896x16xf32, #tpu.memory_space<vmem_shared>>
        tpu.enqueue_indirect_dma source(%arg8 : memref<1024x16xf32, #tpu.memory_space<vmem>>) target(%dma_start3A_26 : memref<80896x16xf32, #tpu.memory_space<vmem_shared>>) offsets(%arg7 : memref<1024xi32, #tpu.memory_space<vmem>>) semaphore(%run_scoped3A : memref<!tpu.dma_semaphore, #tpu.memory_space<semaphore_mem>>) {add = true}
        %dma_wait3A = arith.constant 0 : i32
        %dma_wait3A_27 = arith.constant 0 : i32
        %dma_wait3A_28 = tpu.memref_slice %arg6[%dma_wait3A, %dma_wait3A_27] : memref<80896x16xf32, #tpu.memory_space<vmem_shared>> -> memref<80896x16xf32, #tpu.memory_space<vmem_shared>>
        tpu.wait_indirect_dma semaphore(%run_scoped3A : memref<!tpu.dma_semaphore, #tpu.memory_space<semaphore_mem>>) src(%arg8 : memref<1024x16xf32, #tpu.memory_space<vmem>>) dst(%dma_wait3A_28 : memref<80896x16xf32, #tpu.memory_space<vmem_shared>>)
        tpu.yield
      }) : () -> ()
    }
    %scan3A_8 = arith.constant 10 : i32
    %barrier3A_9 = arith.constant 0 : index
    tpu.barrier barrier_id(%barrier3A_9)
    %mul3A = arith.constant 5000 : i32
    %mul3A_10 = arith.muli %arg1, %mul3A : i32
    %mul3A_11 = arith.constant 5000 : i32
    %mul3A_12 = arith.muli %arg1, %mul3A_11 : i32
    "tpu.region"() ({
      %run_scoped3A = tpu.sem_alloc : memref<!tpu.dma_semaphore, #tpu.memory_space<semaphore_mem>>
      %dma_start3A = arith.constant 0 : i32
      %dma_start3A_13 = tpu.memref_slice %arg5[%arg0, %mul3A_12, %dma_start3A] : memref<2x80000x16xf32, #tpu.memory_space<hbm>> -> memref<1x5000x16xf32, #tpu.memory_space<hbm>>
      %dma_start3A_14 = tpu.memref_squeeze %dma_start3A_13 : memref<1x5000x16xf32, #tpu.memory_space<hbm>> -> memref<5000x16xf32, #tpu.memory_space<hbm>>
      %dma_start3A_15 = arith.constant 0 : i32
      %dma_start3A_16 = tpu.memref_slice %arg6[%mul3A_10, %dma_start3A_15] : memref<80896x16xf32, #tpu.memory_space<vmem_shared>> -> memref<5000x16xf32, #tpu.memory_space<vmem_shared>>
      tpu.enqueue_dma source(%dma_start3A_16 : memref<5000x16xf32, #tpu.memory_space<vmem_shared>>) target(%dma_start3A_14 : memref<5000x16xf32, #tpu.memory_space<hbm>>) target_semaphore(%run_scoped3A : memref<!tpu.dma_semaphore, #tpu.memory_space<semaphore_mem>>)
      %dma_wait3A = arith.constant 0 : i32
      %dma_wait3A_17 = tpu.memref_slice %arg5[%arg0, %mul3A_12, %dma_wait3A] : memref<2x80000x16xf32, #tpu.memory_space<hbm>> -> memref<1x5000x16xf32, #tpu.memory_space<hbm>>
      %dma_wait3A_18 = tpu.memref_squeeze %dma_wait3A_17 : memref<1x5000x16xf32, #tpu.memory_space<hbm>> -> memref<5000x16xf32, #tpu.memory_space<hbm>>
      %dma_wait3A_19 = arith.constant 0 : i32
      %dma_wait3A_20 = tpu.memref_slice %arg6[%mul3A_10, %dma_wait3A_19] : memref<80896x16xf32, #tpu.memory_space<vmem_shared>> -> memref<5000x16xf32, #tpu.memory_space<vmem_shared>>
      tpu.wait_dma2 semaphore(%run_scoped3A : memref<!tpu.dma_semaphore, #tpu.memory_space<semaphore_mem>>) src(%dma_wait3A_20 : memref<5000x16xf32, #tpu.memory_space<vmem_shared>>) dst(%dma_wait3A_18 : memref<5000x16xf32, #tpu.memory_space<hbm>>)
      tpu.yield
    }) : () -> ()
    return
  }
}

#map = affine_map<(d0, d1) -> (0, 0)>
#map1 = affine_map<(d0, d1) -> (0)>
#map2 = affine_map<(d0, d1) -> (0, 0, 0)>
module attributes {stable_mosaic.version = 14 : i64} {
  func.func @_sc_scatter(%arg0: i32, %arg1: i32, %arg2: memref<40000x32xbf16, #tpu.memory_space<hbm>>, %arg3: memref<4x327680xi32, #tpu.memory_space<hbm>>, %arg4: memref<327680xi32, #tpu.memory_space<hbm>>, %arg5: memref<1264x32xbf16, #tpu.memory_space<hbm>>, %arg6: memref<8x10000x128xbf16, #tpu.memory_space<hbm>>, %arg7: memref<80896x32xbf16, #tpu.memory_space<vmem_shared>>, %arg8: memref<1024xi32, #tpu.memory_space<vmem>>, %arg9: memref<1024xi32, #tpu.memory_space<vmem>>, %arg10: memref<1024xi32, #tpu.memory_space<vmem>>, %arg11: memref<1024xi32, #tpu.memory_space<vmem>>, %arg12: memref<1024x32xbf16, #tpu.memory_space<vmem>>, %arg13: memref<1024x32xbf16, #tpu.memory_space<vmem>>, %arg14: memref<!tpu.dma_semaphore, #tpu.memory_space<semaphore_mem>>, %arg15: memref<!tpu.dma_semaphore, #tpu.memory_space<semaphore_mem>>, %arg16: memref<!tpu.dma_semaphore, #tpu.memory_space<semaphore_mem>>, %arg17: memref<!tpu.dma_semaphore, #tpu.memory_space<semaphore_mem>>) attributes {dimension_semantics = [#tpu.dimension_semantics<core_parallel>, #tpu.dimension_semantics<subcore_parallel>], iteration_bounds = array<i64: 2, 16>, scalar_prefetch = 0 : i64, scratch_operands = 11 : i64, tpu.core_type = #tpu.core_type<sc_vector_subcore>, window_params = [{transform_indices = #map}, {transform_indices = #map}, {transform_indices = #map1}, {transform_indices = #map}, {transform_indices = #map2}]} {
    %scan3A = arith.constant 0 : i32
    %scan3A_0 = arith.constant 2 : i32
    %scan3A_1 = arith.addi %scan3A, %scan3A_0 : i32
    %scan3A_2 = arith.constant 1 : i32
    scf.for %scan3A_4 = %scan3A to %scan3A_1 step %scan3A_2  : i32 {
      %mul3A = arith.constant 1 : i32
      %mul3A_5 = arith.muli %scan3A_4, %mul3A : i32
      %add3A = arith.constant 0 : i32
      %add3A_6 = arith.addi %add3A, %mul3A_5 : i32
      %mul3A_7 = arith.constant 2 : i32
      %mul3A_8 = arith.muli %arg0, %mul3A_7 : i32
      %add3A_9 = arith.addi %mul3A_8, %add3A_6 : i32
      %scan3A_10 = arith.constant 0 : i32
      %scan3A_11 = arith.constant 4 : i32
      %scan3A_12 = arith.addi %scan3A_10, %scan3A_11 : i32
      %scan3A_13 = arith.constant 1 : i32
      scf.for %scan3A_75 = %scan3A_10 to %scan3A_12 step %scan3A_13  : i32 {
        %mul3A_76 = arith.constant 1 : i32
        %mul3A_77 = arith.muli %scan3A_75, %mul3A_76 : i32
        %add3A_78 = arith.constant 0 : i32
        %add3A_79 = arith.addi %add3A_78, %mul3A_77 : i32
        %mul3A_80 = arith.constant 4 : i32
        %mul3A_81 = arith.muli %arg1, %mul3A_80 : i32
        %add3A_82 = arith.addi %mul3A_81, %add3A_79 : i32
        %mul3A_83 = arith.constant 1264 : i32
        %mul3A_84 = arith.muli %add3A_82, %mul3A_83 : i32
        "tpu.region"() ({
          %run_scoped3A = tpu.sem_alloc : memref<!tpu.dma_semaphore, #tpu.memory_space<semaphore_mem>>
          %dma_start3A_85 = arith.constant 0 : i32
          %dma_start3A_86 = tpu.memref_slice %arg7[%mul3A_84, %dma_start3A_85] : memref<80896x32xbf16, #tpu.memory_space<vmem_shared>> -> memref<1264x32xbf16, #tpu.memory_space<vmem_shared>>
          tpu.enqueue_dma source(%arg5 : memref<1264x32xbf16, #tpu.memory_space<hbm>>) target(%dma_start3A_86 : memref<1264x32xbf16, #tpu.memory_space<vmem_shared>>) target_semaphore(%run_scoped3A : memref<!tpu.dma_semaphore, #tpu.memory_space<semaphore_mem>>)
          %dma_wait3A_87 = arith.constant 0 : i32
          %dma_wait3A_88 = tpu.memref_slice %arg7[%mul3A_84, %dma_wait3A_87] : memref<80896x32xbf16, #tpu.memory_space<vmem_shared>> -> memref<1264x32xbf16, #tpu.memory_space<vmem_shared>>
          tpu.wait_dma2 semaphore(%run_scoped3A : memref<!tpu.dma_semaphore, #tpu.memory_space<semaphore_mem>>) src(%arg5 : memref<1264x32xbf16, #tpu.memory_space<hbm>>) dst(%dma_wait3A_88 : memref<1264x32xbf16, #tpu.memory_space<vmem_shared>>)
          tpu.yield
        }) : () -> ()
      }
      %scan3A_14 = arith.constant 4 : i32
      %barrier3A = arith.constant 0 : index
      tpu.barrier barrier_id(%barrier3A)
      %mul3A_15 = arith.constant 20480 : i32
      %mul3A_16 = arith.muli %arg1, %mul3A_15 : i32
      %add3A_17 = arith.constant 0 : i32
      %add3A_18 = arith.addi %mul3A_16, %add3A_17 : i32
      "tpu.region"() ({
        %run_scoped3A = tpu.sem_alloc : memref<!tpu.dma_semaphore, #tpu.memory_space<semaphore_mem>>
        %dma_start3A_75 = tpu.memref_slice %arg3[%add3A_9, %add3A_18] : memref<4x327680xi32, #tpu.memory_space<hbm>> -> memref<1x1024xi32, #tpu.memory_space<hbm>>
        %dma_start3A_76 = tpu.memref_squeeze %dma_start3A_75 : memref<1x1024xi32, #tpu.memory_space<hbm>> -> memref<1024xi32, #tpu.memory_space<hbm>>
        %dma_start3A_77 = tpu.memref_slice %arg3[%add3A_9, %add3A_18] : memref<4x327680xi32, #tpu.memory_space<hbm>> -> memref<1x1024xi32, #tpu.memory_space<hbm>>
        %dma_start3A_78 = tpu.memref_squeeze %dma_start3A_77 : memref<1x1024xi32, #tpu.memory_space<hbm>> -> memref<1024xi32, #tpu.memory_space<hbm>>
        tpu.enqueue_dma source(%dma_start3A_78 : memref<1024xi32, #tpu.memory_space<hbm>>) target(%arg8 : memref<1024xi32, #tpu.memory_space<vmem>>) target_semaphore(%run_scoped3A : memref<!tpu.dma_semaphore, #tpu.memory_space<semaphore_mem>>)
        %dma_wait3A_79 = tpu.memref_slice %arg3[%add3A_9, %add3A_18] : memref<4x327680xi32, #tpu.memory_space<hbm>> -> memref<1x1024xi32, #tpu.memory_space<hbm>>
        %dma_wait3A_80 = tpu.memref_squeeze %dma_wait3A_79 : memref<1x1024xi32, #tpu.memory_space<hbm>> -> memref<1024xi32, #tpu.memory_space<hbm>>
        %dma_wait3A_81 = tpu.memref_slice %arg3[%add3A_9, %add3A_18] : memref<4x327680xi32, #tpu.memory_space<hbm>> -> memref<1x1024xi32, #tpu.memory_space<hbm>>
        %dma_wait3A_82 = tpu.memref_squeeze %dma_wait3A_81 : memref<1x1024xi32, #tpu.memory_space<hbm>> -> memref<1024xi32, #tpu.memory_space<hbm>>
        tpu.wait_dma2 semaphore(%run_scoped3A : memref<!tpu.dma_semaphore, #tpu.memory_space<semaphore_mem>>) src(%dma_wait3A_82 : memref<1024xi32, #tpu.memory_space<hbm>>) dst(%arg8 : memref<1024xi32, #tpu.memory_space<vmem>>)
        tpu.yield
      }) : () -> ()
      "tpu.region"() ({
        %run_scoped3A = tpu.sem_alloc : memref<!tpu.dma_semaphore, #tpu.memory_space<semaphore_mem>>
        %dma_start3A_75 = tpu.memref_slice %arg4[%add3A_18] : memref<327680xi32, #tpu.memory_space<hbm>> -> memref<1024xi32, #tpu.memory_space<hbm>>
        %dma_start3A_76 = tpu.memref_slice %arg4[%add3A_18] : memref<327680xi32, #tpu.memory_space<hbm>> -> memref<1024xi32, #tpu.memory_space<hbm>>
        tpu.enqueue_dma source(%dma_start3A_76 : memref<1024xi32, #tpu.memory_space<hbm>>) target(%arg10 : memref<1024xi32, #tpu.memory_space<vmem>>) target_semaphore(%run_scoped3A : memref<!tpu.dma_semaphore, #tpu.memory_space<semaphore_mem>>)
        %dma_wait3A_77 = tpu.memref_slice %arg4[%add3A_18] : memref<327680xi32, #tpu.memory_space<hbm>> -> memref<1024xi32, #tpu.memory_space<hbm>>
        %dma_wait3A_78 = tpu.memref_slice %arg4[%add3A_18] : memref<327680xi32, #tpu.memory_space<hbm>> -> memref<1024xi32, #tpu.memory_space<hbm>>
        tpu.wait_dma2 semaphore(%run_scoped3A : memref<!tpu.dma_semaphore, #tpu.memory_space<semaphore_mem>>) src(%dma_wait3A_78 : memref<1024xi32, #tpu.memory_space<hbm>>) dst(%arg10 : memref<1024xi32, #tpu.memory_space<vmem>>)
        tpu.yield
      }) : () -> ()
      %dma_start3A = arith.constant 0 : i32
      %dma_start3A_19 = arith.constant 0 : i32
      %dma_start3A_20 = tpu.memref_slice %arg2[%dma_start3A, %dma_start3A_19] : memref<40000x32xbf16, #tpu.memory_space<hbm>> -> memref<40000x32xbf16, #tpu.memory_space<hbm>>
      tpu.enqueue_indirect_dma source(%dma_start3A_20 : memref<40000x32xbf16, #tpu.memory_space<hbm>>) target(%arg12 : memref<1024x32xbf16, #tpu.memory_space<vmem>>) offsets(%arg8 : memref<1024xi32, #tpu.memory_space<vmem>>) semaphore(%arg14 : memref<!tpu.dma_semaphore, #tpu.memory_space<semaphore_mem>>)
      %scan3A_21 = arith.constant 0 : i32
      %scan3A_22 = arith.constant 10 : i32
      %scan3A_23 = arith.addi %scan3A_21, %scan3A_22 : i32
      %scan3A_24 = arith.constant 1 : i32
      scf.for %scan3A_75 = %scan3A_21 to %scan3A_23 step %scan3A_24  : i32 {
        %mul3A_76 = arith.constant 1 : i32
        %mul3A_77 = arith.muli %scan3A_75, %mul3A_76 : i32
        %add3A_78 = arith.constant 0 : i32
        %add3A_79 = arith.addi %add3A_78, %mul3A_77 : i32
        %gt3A = arith.constant 0 : i32
        %gt3A_80 = arith.cmpi sgt, %add3A_79, %gt3A : i32
        %convert_element_type3A = arith.extui %gt3A_80 : i1 to i32
        %cond3A = arith.constant 0 : i32
        %cond3A_81 = arith.cmpi ne, %convert_element_type3A, %cond3A : i32
        scf.if %cond3A_81 {
          %dma_wait3A_117 = arith.constant 0 : i32
          %dma_wait3A_118 = arith.constant 0 : i32
          %dma_wait3A_119 = tpu.memref_slice %arg2[%dma_wait3A_117, %dma_wait3A_118] : memref<40000x32xbf16, #tpu.memory_space<hbm>> -> memref<1024x32xbf16, #tpu.memory_space<hbm>>
          %dma_wait3A_120 = arith.constant 0 : i32
          %dma_wait3A_121 = arith.constant 0 : i32
          %dma_wait3A_122 = tpu.memref_slice %arg2[%dma_wait3A_120, %dma_wait3A_121] : memref<40000x32xbf16, #tpu.memory_space<hbm>> -> memref<1024x32xbf16, #tpu.memory_space<hbm>>
          tpu.wait_dma2 semaphore(%arg17 : memref<!tpu.dma_semaphore, #tpu.memory_space<semaphore_mem>>) src(%dma_wait3A_122 : memref<1024x32xbf16, #tpu.memory_space<hbm>>) dst(%arg13 : memref<1024x32xbf16, #tpu.memory_space<vmem>>)
        } else {
        }
        %mul3A_82 = arith.constant 2 : i32
        %mul3A_83 = arith.muli %mul3A_82, %add3A_79 : i32
        %add3A_84 = arith.constant 1 : i32
        %add3A_85 = arith.addi %mul3A_83, %add3A_84 : i32
        %mul3A_86 = arith.constant 20480 : i32
        %mul3A_87 = arith.muli %arg1, %mul3A_86 : i32
        %mul3A_88 = arith.constant 1024 : i32
        %mul3A_89 = arith.muli %add3A_85, %mul3A_88 : i32
        %add3A_90 = arith.addi %mul3A_87, %mul3A_89 : i32
        "tpu.region"() ({
          %run_scoped3A = tpu.sem_alloc : memref<!tpu.dma_semaphore, #tpu.memory_space<semaphore_mem>>
          %dma_start3A_117 = tpu.memref_slice %arg3[%add3A_9, %add3A_90] : memref<4x327680xi32, #tpu.memory_space<hbm>> -> memref<1x1024xi32, #tpu.memory_space<hbm>>
          %dma_start3A_118 = tpu.memref_squeeze %dma_start3A_117 : memref<1x1024xi32, #tpu.memory_space<hbm>> -> memref<1024xi32, #tpu.memory_space<hbm>>
          %dma_start3A_119 = tpu.memref_slice %arg3[%add3A_9, %add3A_90] : memref<4x327680xi32, #tpu.memory_space<hbm>> -> memref<1x1024xi32, #tpu.memory_space<hbm>>
          %dma_start3A_120 = tpu.memref_squeeze %dma_start3A_119 : memref<1x1024xi32, #tpu.memory_space<hbm>> -> memref<1024xi32, #tpu.memory_space<hbm>>
          tpu.enqueue_dma source(%dma_start3A_120 : memref<1024xi32, #tpu.memory_space<hbm>>) target(%arg9 : memref<1024xi32, #tpu.memory_space<vmem>>) target_semaphore(%run_scoped3A : memref<!tpu.dma_semaphore, #tpu.memory_space<semaphore_mem>>)
          %dma_wait3A_121 = tpu.memref_slice %arg3[%add3A_9, %add3A_90] : memref<4x327680xi32, #tpu.memory_space<hbm>> -> memref<1x1024xi32, #tpu.memory_space<hbm>>
          %dma_wait3A_122 = tpu.memref_squeeze %dma_wait3A_121 : memref<1x1024xi32, #tpu.memory_space<hbm>> -> memref<1024xi32, #tpu.memory_space<hbm>>
          %dma_wait3A_123 = tpu.memref_slice %arg3[%add3A_9, %add3A_90] : memref<4x327680xi32, #tpu.memory_space<hbm>> -> memref<1x1024xi32, #tpu.memory_space<hbm>>
          %dma_wait3A_124 = tpu.memref_squeeze %dma_wait3A_123 : memref<1x1024xi32, #tpu.memory_space<hbm>> -> memref<1024xi32, #tpu.memory_space<hbm>>
          tpu.wait_dma2 semaphore(%run_scoped3A : memref<!tpu.dma_semaphore, #tpu.memory_space<semaphore_mem>>) src(%dma_wait3A_124 : memref<1024xi32, #tpu.memory_space<hbm>>) dst(%arg9 : memref<1024xi32, #tpu.memory_space<vmem>>)
          tpu.yield
        }) : () -> ()
        "tpu.region"() ({
          %run_scoped3A = tpu.sem_alloc : memref<!tpu.dma_semaphore, #tpu.memory_space<semaphore_mem>>
          %dma_start3A_117 = tpu.memref_slice %arg4[%add3A_90] : memref<327680xi32, #tpu.memory_space<hbm>> -> memref<1024xi32, #tpu.memory_space<hbm>>
          %dma_start3A_118 = tpu.memref_slice %arg4[%add3A_90] : memref<327680xi32, #tpu.memory_space<hbm>> -> memref<1024xi32, #tpu.memory_space<hbm>>
          tpu.enqueue_dma source(%dma_start3A_118 : memref<1024xi32, #tpu.memory_space<hbm>>) target(%arg11 : memref<1024xi32, #tpu.memory_space<vmem>>) target_semaphore(%run_scoped3A : memref<!tpu.dma_semaphore, #tpu.memory_space<semaphore_mem>>)
          %dma_wait3A_119 = tpu.memref_slice %arg4[%add3A_90] : memref<327680xi32, #tpu.memory_space<hbm>> -> memref<1024xi32, #tpu.memory_space<hbm>>
          %dma_wait3A_120 = tpu.memref_slice %arg4[%add3A_90] : memref<327680xi32, #tpu.memory_space<hbm>> -> memref<1024xi32, #tpu.memory_space<hbm>>
          tpu.wait_dma2 semaphore(%run_scoped3A : memref<!tpu.dma_semaphore, #tpu.memory_space<semaphore_mem>>) src(%dma_wait3A_120 : memref<1024xi32, #tpu.memory_space<hbm>>) dst(%arg11 : memref<1024xi32, #tpu.memory_space<vmem>>)
          tpu.yield
        }) : () -> ()
        %dma_start3A_91 = arith.constant 0 : i32
        %dma_start3A_92 = arith.constant 0 : i32
        %dma_start3A_93 = tpu.memref_slice %arg2[%dma_start3A_91, %dma_start3A_92] : memref<40000x32xbf16, #tpu.memory_space<hbm>> -> memref<40000x32xbf16, #tpu.memory_space<hbm>>
        tpu.enqueue_indirect_dma source(%dma_start3A_93 : memref<40000x32xbf16, #tpu.memory_space<hbm>>) target(%arg13 : memref<1024x32xbf16, #tpu.memory_space<vmem>>) offsets(%arg9 : memref<1024xi32, #tpu.memory_space<vmem>>) semaphore(%arg15 : memref<!tpu.dma_semaphore, #tpu.memory_space<semaphore_mem>>)
        %dma_wait3A_94 = arith.constant 0 : i32
        %dma_wait3A_95 = arith.constant 0 : i32
        %dma_wait3A_96 = tpu.memref_slice %arg2[%dma_wait3A_94, %dma_wait3A_95] : memref<40000x32xbf16, #tpu.memory_space<hbm>> -> memref<1024x32xbf16, #tpu.memory_space<hbm>>
        %dma_wait3A_97 = arith.constant 0 : i32
        %dma_wait3A_98 = arith.constant 0 : i32
        %dma_wait3A_99 = tpu.memref_slice %arg2[%dma_wait3A_97, %dma_wait3A_98] : memref<40000x32xbf16, #tpu.memory_space<hbm>> -> memref<1024x32xbf16, #tpu.memory_space<hbm>>
        tpu.wait_dma2 semaphore(%arg14 : memref<!tpu.dma_semaphore, #tpu.memory_space<semaphore_mem>>) src(%dma_wait3A_99 : memref<1024x32xbf16, #tpu.memory_space<hbm>>) dst(%arg12 : memref<1024x32xbf16, #tpu.memory_space<vmem>>)
        %dma_start3A_100 = arith.constant 0 : i32
        %dma_start3A_101 = arith.constant 0 : i32
        %dma_start3A_102 = tpu.memref_slice %arg7[%dma_start3A_100, %dma_start3A_101] : memref<80896x32xbf16, #tpu.memory_space<vmem_shared>> -> memref<80896x32xbf16, #tpu.memory_space<vmem_shared>>
        tpu.enqueue_indirect_dma source(%arg12 : memref<1024x32xbf16, #tpu.memory_space<vmem>>) target(%dma_start3A_102 : memref<80896x32xbf16, #tpu.memory_space<vmem_shared>>) offsets(%arg10 : memref<1024xi32, #tpu.memory_space<vmem>>) semaphore(%arg16 : memref<!tpu.dma_semaphore, #tpu.memory_space<semaphore_mem>>) {add = true}
        %lt3A_103 = arith.constant 9 : i32
        %lt3A_104 = arith.cmpi slt, %add3A_79, %lt3A_103 : i32
        %convert_element_type3A_105 = arith.extui %lt3A_104 : i1 to i32
        %cond3A_106 = arith.constant 0 : i32
        %cond3A_107 = arith.cmpi ne, %convert_element_type3A_105, %cond3A_106 : i32
        scf.if %cond3A_107 {
          %dma_wait3A_117 = arith.constant 0 : i32
          %dma_wait3A_118 = arith.constant 0 : i32
          %dma_wait3A_119 = tpu.memref_slice %arg2[%dma_wait3A_117, %dma_wait3A_118] : memref<40000x32xbf16, #tpu.memory_space<hbm>> -> memref<1024x32xbf16, #tpu.memory_space<hbm>>
          %dma_wait3A_120 = arith.constant 0 : i32
          %dma_wait3A_121 = arith.constant 0 : i32
          %dma_wait3A_122 = tpu.memref_slice %arg2[%dma_wait3A_120, %dma_wait3A_121] : memref<40000x32xbf16, #tpu.memory_space<hbm>> -> memref<1024x32xbf16, #tpu.memory_space<hbm>>
          tpu.wait_dma2 semaphore(%arg16 : memref<!tpu.dma_semaphore, #tpu.memory_space<semaphore_mem>>) src(%dma_wait3A_122 : memref<1024x32xbf16, #tpu.memory_space<hbm>>) dst(%arg12 : memref<1024x32xbf16, #tpu.memory_space<vmem>>)
          %mul3A_123 = arith.constant 2 : i32
          %mul3A_124 = arith.muli %mul3A_123, %add3A_79 : i32
          %add3A_125 = arith.constant 2 : i32
          %add3A_126 = arith.addi %mul3A_124, %add3A_125 : i32
          %mul3A_127 = arith.constant 20480 : i32
          %mul3A_128 = arith.muli %arg1, %mul3A_127 : i32
          %mul3A_129 = arith.constant 1024 : i32
          %mul3A_130 = arith.muli %add3A_126, %mul3A_129 : i32
          %add3A_131 = arith.addi %mul3A_128, %mul3A_130 : i32
          "tpu.region"() ({
            %run_scoped3A = tpu.sem_alloc : memref<!tpu.dma_semaphore, #tpu.memory_space<semaphore_mem>>
            %dma_start3A_135 = tpu.memref_slice %arg3[%add3A_9, %add3A_131] : memref<4x327680xi32, #tpu.memory_space<hbm>> -> memref<1x1024xi32, #tpu.memory_space<hbm>>
            %dma_start3A_136 = tpu.memref_squeeze %dma_start3A_135 : memref<1x1024xi32, #tpu.memory_space<hbm>> -> memref<1024xi32, #tpu.memory_space<hbm>>
            %dma_start3A_137 = tpu.memref_slice %arg3[%add3A_9, %add3A_131] : memref<4x327680xi32, #tpu.memory_space<hbm>> -> memref<1x1024xi32, #tpu.memory_space<hbm>>
            %dma_start3A_138 = tpu.memref_squeeze %dma_start3A_137 : memref<1x1024xi32, #tpu.memory_space<hbm>> -> memref<1024xi32, #tpu.memory_space<hbm>>
            tpu.enqueue_dma source(%dma_start3A_138 : memref<1024xi32, #tpu.memory_space<hbm>>) target(%arg8 : memref<1024xi32, #tpu.memory_space<vmem>>) target_semaphore(%run_scoped3A : memref<!tpu.dma_semaphore, #tpu.memory_space<semaphore_mem>>)
            %dma_wait3A_139 = tpu.memref_slice %arg3[%add3A_9, %add3A_131] : memref<4x327680xi32, #tpu.memory_space<hbm>> -> memref<1x1024xi32, #tpu.memory_space<hbm>>
            %dma_wait3A_140 = tpu.memref_squeeze %dma_wait3A_139 : memref<1x1024xi32, #tpu.memory_space<hbm>> -> memref<1024xi32, #tpu.memory_space<hbm>>
            %dma_wait3A_141 = tpu.memref_slice %arg3[%add3A_9, %add3A_131] : memref<4x327680xi32, #tpu.memory_space<hbm>> -> memref<1x1024xi32, #tpu.memory_space<hbm>>
            %dma_wait3A_142 = tpu.memref_squeeze %dma_wait3A_141 : memref<1x1024xi32, #tpu.memory_space<hbm>> -> memref<1024xi32, #tpu.memory_space<hbm>>
            tpu.wait_dma2 semaphore(%run_scoped3A : memref<!tpu.dma_semaphore, #tpu.memory_space<semaphore_mem>>) src(%dma_wait3A_142 : memref<1024xi32, #tpu.memory_space<hbm>>) dst(%arg8 : memref<1024xi32, #tpu.memory_space<vmem>>)
            tpu.yield
          }) : () -> ()
          "tpu.region"() ({
            %run_scoped3A = tpu.sem_alloc : memref<!tpu.dma_semaphore, #tpu.memory_space<semaphore_mem>>
            %dma_start3A_135 = tpu.memref_slice %arg4[%add3A_131] : memref<327680xi32, #tpu.memory_space<hbm>> -> memref<1024xi32, #tpu.memory_space<hbm>>
            %dma_start3A_136 = tpu.memref_slice %arg4[%add3A_131] : memref<327680xi32, #tpu.memory_space<hbm>> -> memref<1024xi32, #tpu.memory_space<hbm>>
            tpu.enqueue_dma source(%dma_start3A_136 : memref<1024xi32, #tpu.memory_space<hbm>>) target(%arg10 : memref<1024xi32, #tpu.memory_space<vmem>>) target_semaphore(%run_scoped3A : memref<!tpu.dma_semaphore, #tpu.memory_space<semaphore_mem>>)
            %dma_wait3A_137 = tpu.memref_slice %arg4[%add3A_131] : memref<327680xi32, #tpu.memory_space<hbm>> -> memref<1024xi32, #tpu.memory_space<hbm>>
            %dma_wait3A_138 = tpu.memref_slice %arg4[%add3A_131] : memref<327680xi32, #tpu.memory_space<hbm>> -> memref<1024xi32, #tpu.memory_space<hbm>>
            tpu.wait_dma2 semaphore(%run_scoped3A : memref<!tpu.dma_semaphore, #tpu.memory_space<semaphore_mem>>) src(%dma_wait3A_138 : memref<1024xi32, #tpu.memory_space<hbm>>) dst(%arg10 : memref<1024xi32, #tpu.memory_space<vmem>>)
            tpu.yield
          }) : () -> ()
          %dma_start3A_132 = arith.constant 0 : i32
          %dma_start3A_133 = arith.constant 0 : i32
          %dma_start3A_134 = tpu.memref_slice %arg2[%dma_start3A_132, %dma_start3A_133] : memref<40000x32xbf16, #tpu.memory_space<hbm>> -> memref<40000x32xbf16, #tpu.memory_space<hbm>>
          tpu.enqueue_indirect_dma source(%dma_start3A_134 : memref<40000x32xbf16, #tpu.memory_space<hbm>>) target(%arg12 : memref<1024x32xbf16, #tpu.memory_space<vmem>>) offsets(%arg8 : memref<1024xi32, #tpu.memory_space<vmem>>) semaphore(%arg14 : memref<!tpu.dma_semaphore, #tpu.memory_space<semaphore_mem>>)
        } else {
        }
        %dma_wait3A_108 = arith.constant 0 : i32
        %dma_wait3A_109 = arith.constant 0 : i32
        %dma_wait3A_110 = tpu.memref_slice %arg2[%dma_wait3A_108, %dma_wait3A_109] : memref<40000x32xbf16, #tpu.memory_space<hbm>> -> memref<1024x32xbf16, #tpu.memory_space<hbm>>
        %dma_wait3A_111 = arith.constant 0 : i32
        %dma_wait3A_112 = arith.constant 0 : i32
        %dma_wait3A_113 = tpu.memref_slice %arg2[%dma_wait3A_111, %dma_wait3A_112] : memref<40000x32xbf16, #tpu.memory_space<hbm>> -> memref<1024x32xbf16, #tpu.memory_space<hbm>>
        tpu.wait_dma2 semaphore(%arg15 : memref<!tpu.dma_semaphore, #tpu.memory_space<semaphore_mem>>) src(%dma_wait3A_113 : memref<1024x32xbf16, #tpu.memory_space<hbm>>) dst(%arg13 : memref<1024x32xbf16, #tpu.memory_space<vmem>>)
        %dma_start3A_114 = arith.constant 0 : i32
        %dma_start3A_115 = arith.constant 0 : i32
        %dma_start3A_116 = tpu.memref_slice %arg7[%dma_start3A_114, %dma_start3A_115] : memref<80896x32xbf16, #tpu.memory_space<vmem_shared>> -> memref<80896x32xbf16, #tpu.memory_space<vmem_shared>>
        tpu.enqueue_indirect_dma source(%arg13 : memref<1024x32xbf16, #tpu.memory_space<vmem>>) target(%dma_start3A_116 : memref<80896x32xbf16, #tpu.memory_space<vmem_shared>>) offsets(%arg11 : memref<1024xi32, #tpu.memory_space<vmem>>) semaphore(%arg17 : memref<!tpu.dma_semaphore, #tpu.memory_space<semaphore_mem>>) {add = true}
      }
      %scan3A_25 = arith.constant 10 : i32
      %dma_wait3A = arith.constant 0 : i32
      %dma_wait3A_26 = arith.constant 0 : i32
      %dma_wait3A_27 = tpu.memref_slice %arg2[%dma_wait3A, %dma_wait3A_26] : memref<40000x32xbf16, #tpu.memory_space<hbm>> -> memref<1024x32xbf16, #tpu.memory_space<hbm>>
      %dma_wait3A_28 = arith.constant 0 : i32
      %dma_wait3A_29 = arith.constant 0 : i32
      %dma_wait3A_30 = tpu.memref_slice %arg2[%dma_wait3A_28, %dma_wait3A_29] : memref<40000x32xbf16, #tpu.memory_space<hbm>> -> memref<1024x32xbf16, #tpu.memory_space<hbm>>
      tpu.wait_dma2 semaphore(%arg16 : memref<!tpu.dma_semaphore, #tpu.memory_space<semaphore_mem>>) src(%dma_wait3A_30 : memref<1024x32xbf16, #tpu.memory_space<hbm>>) dst(%arg12 : memref<1024x32xbf16, #tpu.memory_space<vmem>>)
      %dma_wait3A_31 = arith.constant 0 : i32
      %dma_wait3A_32 = arith.constant 0 : i32
      %dma_wait3A_33 = tpu.memref_slice %arg2[%dma_wait3A_31, %dma_wait3A_32] : memref<40000x32xbf16, #tpu.memory_space<hbm>> -> memref<1024x32xbf16, #tpu.memory_space<hbm>>
      %dma_wait3A_34 = arith.constant 0 : i32
      %dma_wait3A_35 = arith.constant 0 : i32
      %dma_wait3A_36 = tpu.memref_slice %arg2[%dma_wait3A_34, %dma_wait3A_35] : memref<40000x32xbf16, #tpu.memory_space<hbm>> -> memref<1024x32xbf16, #tpu.memory_space<hbm>>
      tpu.wait_dma2 semaphore(%arg17 : memref<!tpu.dma_semaphore, #tpu.memory_space<semaphore_mem>>) src(%dma_wait3A_36 : memref<1024x32xbf16, #tpu.memory_space<hbm>>) dst(%arg13 : memref<1024x32xbf16, #tpu.memory_space<vmem>>)
      %barrier3A_37 = arith.constant 0 : index
      tpu.barrier barrier_id(%barrier3A_37)
      %mul3A_38 = arith.constant 5000 : i32
      %mul3A_39 = arith.muli %arg1, %mul3A_38 : i32
      %jit3A = arith.constant 2 : i32
      %div3A = arith.divsi %arg1, %jit3A : i32
      %sign3A = arith.constant 0 : i32
      %sign3A_40 = arith.cmpi sgt, %arg1, %sign3A : i32
      %sign3A_41 = arith.extui %sign3A_40 : i1 to i32
      %sign3A_42 = arith.constant 0 : i32
      %sign3A_43 = arith.cmpi slt, %arg1, %sign3A_42 : i32
      %sign3A_44 = arith.extui %sign3A_43 : i1 to i32
      %sign3A_45 = arith.subi %sign3A_41, %sign3A_44 : i32
      %sign3A_46 = arith.constant 0 : i32
      %sign3A_47 = arith.cmpi sgt, %jit3A, %sign3A_46 : i32
      %sign3A_48 = arith.extui %sign3A_47 : i1 to i32
      %sign3A_49 = arith.constant 0 : i32
      %sign3A_50 = arith.cmpi slt, %jit3A, %sign3A_49 : i32
      %sign3A_51 = arith.extui %sign3A_50 : i1 to i32
      %sign3A_52 = arith.subi %sign3A_48, %sign3A_51 : i32
      %ne3A = arith.cmpi ne, %sign3A_45, %sign3A_52 : i32
      %rem3A = arith.remsi %arg1, %jit3A : i32
      %ne3A_53 = arith.constant 0 : i32
      %ne3A_54 = arith.cmpi ne, %rem3A, %ne3A_53 : i32
      %and3A = arith.andi %ne3A, %ne3A_54 : i1
      %sub3A = arith.constant 1 : i32
      %sub3A_55 = arith.subi %div3A, %sub3A : i32
      %select_n3A = arith.select %and3A, %sub3A_55, %div3A : i32
      %jit3A_56 = arith.constant 2 : i32
      %eq3A = arith.constant 0 : i32
      %eq3A_57 = arith.cmpi eq, %jit3A_56, %eq3A : i32
      %jit3A_58 = arith.constant 1 : i32
      %select_n3A_59 = arith.select %eq3A_57, %jit3A_58, %jit3A_56 : i32
      %rem3A_60 = arith.remsi %arg1, %select_n3A_59 : i32
      %ne3A_61 = arith.constant 0 : i32
      %ne3A_62 = arith.cmpi ne, %rem3A_60, %ne3A_61 : i32
      %lt3A = arith.constant 0 : i32
      %lt3A_63 = arith.cmpi slt, %rem3A_60, %lt3A : i32
      %lt3A_64 = arith.constant 0 : i32
      %lt3A_65 = arith.cmpi slt, %select_n3A_59, %lt3A_64 : i32
      %ne3A_66 = arith.xori %lt3A_63, %lt3A_65 : i1
      %and3A_67 = arith.andi %ne3A_66, %ne3A_62 : i1
      %add3A_68 = arith.addi %rem3A_60, %select_n3A_59 : i32
      %select_n3A_69 = arith.select %and3A_67, %add3A_68, %rem3A_60 : i32
      %mul3A_70 = arith.constant 5000 : i32
      %mul3A_71 = arith.muli %select_n3A_69, %mul3A_70 : i32
      %mul3A_72 = arith.constant 32 : i32
      %mul3A_73 = arith.muli %add3A_9, %mul3A_72 : i32
      "tpu.region"() ({
        %run_scoped3A = tpu.sem_alloc : memref<!tpu.dma_semaphore, #tpu.memory_space<semaphore_mem>>
        %dma_start3A_75 = tpu.memref_slice %arg6[%select_n3A, %mul3A_71, %mul3A_73] : memref<8x10000x128xbf16, #tpu.memory_space<hbm>> -> memref<1x5000x32xbf16, #tpu.memory_space<hbm>>
        %dma_start3A_76 = tpu.memref_squeeze %dma_start3A_75 : memref<1x5000x32xbf16, #tpu.memory_space<hbm>> -> memref<5000x32xbf16, #tpu.memory_space<hbm>>
        %dma_start3A_77 = arith.constant 0 : i32
        %dma_start3A_78 = tpu.memref_slice %arg7[%mul3A_39, %dma_start3A_77] : memref<80896x32xbf16, #tpu.memory_space<vmem_shared>> -> memref<5000x32xbf16, #tpu.memory_space<vmem_shared>>
        tpu.enqueue_dma source(%dma_start3A_78 : memref<5000x32xbf16, #tpu.memory_space<vmem_shared>>) target(%dma_start3A_76 : memref<5000x32xbf16, #tpu.memory_space<hbm>>) target_semaphore(%run_scoped3A : memref<!tpu.dma_semaphore, #tpu.memory_space<semaphore_mem>>)
        %dma_wait3A_79 = tpu.memref_slice %arg6[%select_n3A, %mul3A_71, %mul3A_73] : memref<8x10000x128xbf16, #tpu.memory_space<hbm>> -> memref<1x5000x32xbf16, #tpu.memory_space<hbm>>
        %dma_wait3A_80 = tpu.memref_squeeze %dma_wait3A_79 : memref<1x5000x32xbf16, #tpu.memory_space<hbm>> -> memref<5000x32xbf16, #tpu.memory_space<hbm>>
        %dma_wait3A_81 = arith.constant 0 : i32
        %dma_wait3A_82 = tpu.memref_slice %arg7[%mul3A_39, %dma_wait3A_81] : memref<80896x32xbf16, #tpu.memory_space<vmem_shared>> -> memref<5000x32xbf16, #tpu.memory_space<vmem_shared>>
        tpu.wait_dma2 semaphore(%run_scoped3A : memref<!tpu.dma_semaphore, #tpu.memory_space<semaphore_mem>>) src(%dma_wait3A_82 : memref<5000x32xbf16, #tpu.memory_space<vmem_shared>>) dst(%dma_wait3A_80 : memref<5000x32xbf16, #tpu.memory_space<hbm>>)
        tpu.yield
      }) : () -> ()
      %barrier3A_74 = arith.constant 0 : index
      tpu.barrier barrier_id(%barrier3A_74)
    }
    %scan3A_3 = arith.constant 2 : i32
    return
  }
}

#map = affine_map<(d0, d1) -> (0, 0)>
#map1 = affine_map<(d0, d1) -> (0)>
#map2 = affine_map<(d0, d1) -> (0, 0, 0)>
module attributes {stable_mosaic.version = 14 : i64} {
  func.func @_sc_scatter(%arg0: i32, %arg1: i32, %arg2: memref<40000x32xbf16, #tpu.memory_space<hbm>>, %arg3: memref<4x327680xi32, #tpu.memory_space<hbm>>, %arg4: memref<327680xi32, #tpu.memory_space<hbm>>, %arg5: memref<1264x32xbf16, #tpu.memory_space<hbm>>, %arg6: memref<8x10000x128xbf16, #tpu.memory_space<hbm>>, %arg7: memref<80896x32xbf16, #tpu.memory_space<vmem_shared>>, %arg8: memref<1024xi32, #tpu.memory_space<vmem>>, %arg9: memref<1024xi32, #tpu.memory_space<vmem>>, %arg10: memref<1024xi32, #tpu.memory_space<vmem>>, %arg11: memref<1024xi32, #tpu.memory_space<vmem>>, %arg12: memref<1024x32xbf16, #tpu.memory_space<vmem>>, %arg13: memref<1024x32xbf16, #tpu.memory_space<vmem>>, %arg14: memref<!tpu.dma_semaphore, #tpu.memory_space<semaphore_mem>>, %arg15: memref<!tpu.dma_semaphore, #tpu.memory_space<semaphore_mem>>, %arg16: memref<!tpu.dma_semaphore, #tpu.memory_space<semaphore_mem>>, %arg17: memref<!tpu.dma_semaphore, #tpu.memory_space<semaphore_mem>>) attributes {dimension_semantics = [#tpu.dimension_semantics<core_parallel>, #tpu.dimension_semantics<subcore_parallel>], iteration_bounds = array<i64: 2, 16>, scalar_prefetch = 0 : i64, scratch_operands = 11 : i64, tpu.core_type = #tpu.core_type<sc_vector_subcore>, window_params = [{transform_indices = #map}, {transform_indices = #map}, {transform_indices = #map1}, {transform_indices = #map}, {transform_indices = #map2}]} {
    %scan3A = arith.constant 0 : i32
    %scan3A_0 = arith.constant 2 : i32
    %scan3A_1 = arith.addi %scan3A, %scan3A_0 : i32
    %scan3A_2 = arith.constant 1 : i32
    scf.for %scan3A_4 = %scan3A to %scan3A_1 step %scan3A_2  : i32 {
      %mul3A = arith.constant 1 : i32
      %mul3A_5 = arith.muli %scan3A_4, %mul3A : i32
      %add3A = arith.constant 0 : i32
      %add3A_6 = arith.addi %add3A, %mul3A_5 : i32
      %mul3A_7 = arith.constant 2 : i32
      %mul3A_8 = arith.muli %arg0, %mul3A_7 : i32
      %add3A_9 = arith.addi %mul3A_8, %add3A_6 : i32
      %scan3A_10 = arith.constant 0 : i32
      %scan3A_11 = arith.constant 4 : i32
      %scan3A_12 = arith.addi %scan3A_10, %scan3A_11 : i32
      %scan3A_13 = arith.constant 1 : i32
      scf.for %scan3A_75 = %scan3A_10 to %scan3A_12 step %scan3A_13  : i32 {
        %mul3A_76 = arith.constant 1 : i32
        %mul3A_77 = arith.muli %scan3A_75, %mul3A_76 : i32
        %add3A_78 = arith.constant 0 : i32
        %add3A_79 = arith.addi %add3A_78, %mul3A_77 : i32
        %mul3A_80 = arith.constant 4 : i32
        %mul3A_81 = arith.muli %arg1, %mul3A_80 : i32
        %add3A_82 = arith.addi %mul3A_81, %add3A_79 : i32
        %mul3A_83 = arith.constant 1264 : i32
        %mul3A_84 = arith.muli %add3A_82, %mul3A_83 : i32
        "tpu.region"() ({
          %run_scoped3A = tpu.sem_alloc : memref<!tpu.dma_semaphore, #tpu.memory_space<semaphore_mem>>
          %dma_start3A_85 = arith.constant 0 : i32
          %dma_start3A_86 = tpu.memref_slice %arg7[%mul3A_84, %dma_start3A_85] : memref<80896x32xbf16, #tpu.memory_space<vmem_shared>> -> memref<1264x32xbf16, #tpu.memory_space<vmem_shared>>
          tpu.enqueue_dma source(%arg5 : memref<1264x32xbf16, #tpu.memory_space<hbm>>) target(%dma_start3A_86 : memref<1264x32xbf16, #tpu.memory_space<vmem_shared>>) target_semaphore(%run_scoped3A : memref<!tpu.dma_semaphore, #tpu.memory_space<semaphore_mem>>)
          %dma_wait3A_87 = arith.constant 0 : i32
          %dma_wait3A_88 = tpu.memref_slice %arg7[%mul3A_84, %dma_wait3A_87] : memref<80896x32xbf16, #tpu.memory_space<vmem_shared>> -> memref<1264x32xbf16, #tpu.memory_space<vmem_shared>>
          tpu.wait_dma2 semaphore(%run_scoped3A : memref<!tpu.dma_semaphore, #tpu.memory_space<semaphore_mem>>) src(%arg5 : memref<1264x32xbf16, #tpu.memory_space<hbm>>) dst(%dma_wait3A_88 : memref<1264x32xbf16, #tpu.memory_space<vmem_shared>>)
          tpu.yield
        }) : () -> ()
      }
      %scan3A_14 = arith.constant 4 : i32
      %barrier3A = arith.constant 0 : index
      tpu.barrier barrier_id(%barrier3A)
      %mul3A_15 = arith.constant 20480 : i32
      %mul3A_16 = arith.muli %arg1, %mul3A_15 : i32
      %add3A_17 = arith.constant 0 : i32
      %add3A_18 = arith.addi %mul3A_16, %add3A_17 : i32
      "tpu.region"() ({
        %run_scoped3A = tpu.sem_alloc : memref<!tpu.dma_semaphore, #tpu.memory_space<semaphore_mem>>
        %dma_start3A_75 = tpu.memref_slice %arg3[%add3A_9, %add3A_18] : memref<4x327680xi32, #tpu.memory_space<hbm>> -> memref<1x1024xi32, #tpu.memory_space<hbm>>
        %dma_start3A_76 = tpu.memref_squeeze %dma_start3A_75 : memref<1x1024xi32, #tpu.memory_space<hbm>> -> memref<1024xi32, #tpu.memory_space<hbm>>
        %dma_start3A_77 = tpu.memref_slice %arg3[%add3A_9, %add3A_18] : memref<4x327680xi32, #tpu.memory_space<hbm>> -> memref<1x1024xi32, #tpu.memory_space<hbm>>
        %dma_start3A_78 = tpu.memref_squeeze %dma_start3A_77 : memref<1x1024xi32, #tpu.memory_space<hbm>> -> memref<1024xi32, #tpu.memory_space<hbm>>
        tpu.enqueue_dma source(%dma_start3A_78 : memref<1024xi32, #tpu.memory_space<hbm>>) target(%arg8 : memref<1024xi32, #tpu.memory_space<vmem>>) target_semaphore(%run_scoped3A : memref<!tpu.dma_semaphore, #tpu.memory_space<semaphore_mem>>)
        %dma_wait3A_79 = tpu.memref_slice %arg3[%add3A_9, %add3A_18] : memref<4x327680xi32, #tpu.memory_space<hbm>> -> memref<1x1024xi32, #tpu.memory_space<hbm>>
        %dma_wait3A_80 = tpu.memref_squeeze %dma_wait3A_79 : memref<1x1024xi32, #tpu.memory_space<hbm>> -> memref<1024xi32, #tpu.memory_space<hbm>>
        %dma_wait3A_81 = tpu.memref_slice %arg3[%add3A_9, %add3A_18] : memref<4x327680xi32, #tpu.memory_space<hbm>> -> memref<1x1024xi32, #tpu.memory_space<hbm>>
        %dma_wait3A_82 = tpu.memref_squeeze %dma_wait3A_81 : memref<1x1024xi32, #tpu.memory_space<hbm>> -> memref<1024xi32, #tpu.memory_space<hbm>>
        tpu.wait_dma2 semaphore(%run_scoped3A : memref<!tpu.dma_semaphore, #tpu.memory_space<semaphore_mem>>) src(%dma_wait3A_82 : memref<1024xi32, #tpu.memory_space<hbm>>) dst(%arg8 : memref<1024xi32, #tpu.memory_space<vmem>>)
        tpu.yield
      }) : () -> ()
      "tpu.region"() ({
        %run_scoped3A = tpu.sem_alloc : memref<!tpu.dma_semaphore, #tpu.memory_space<semaphore_mem>>
        %dma_start3A_75 = tpu.memref_slice %arg4[%add3A_18] : memref<327680xi32, #tpu.memory_space<hbm>> -> memref<1024xi32, #tpu.memory_space<hbm>>
        %dma_start3A_76 = tpu.memref_slice %arg4[%add3A_18] : memref<327680xi32, #tpu.memory_space<hbm>> -> memref<1024xi32, #tpu.memory_space<hbm>>
        tpu.enqueue_dma source(%dma_start3A_76 : memref<1024xi32, #tpu.memory_space<hbm>>) target(%arg10 : memref<1024xi32, #tpu.memory_space<vmem>>) target_semaphore(%run_scoped3A : memref<!tpu.dma_semaphore, #tpu.memory_space<semaphore_mem>>)
        %dma_wait3A_77 = tpu.memref_slice %arg4[%add3A_18] : memref<327680xi32, #tpu.memory_space<hbm>> -> memref<1024xi32, #tpu.memory_space<hbm>>
        %dma_wait3A_78 = tpu.memref_slice %arg4[%add3A_18] : memref<327680xi32, #tpu.memory_space<hbm>> -> memref<1024xi32, #tpu.memory_space<hbm>>
        tpu.wait_dma2 semaphore(%run_scoped3A : memref<!tpu.dma_semaphore, #tpu.memory_space<semaphore_mem>>) src(%dma_wait3A_78 : memref<1024xi32, #tpu.memory_space<hbm>>) dst(%arg10 : memref<1024xi32, #tpu.memory_space<vmem>>)
        tpu.yield
      }) : () -> ()
      %dma_start3A = arith.constant 0 : i32
      %dma_start3A_19 = arith.constant 0 : i32
      %dma_start3A_20 = tpu.memref_slice %arg2[%dma_start3A, %dma_start3A_19] : memref<40000x32xbf16, #tpu.memory_space<hbm>> -> memref<40000x32xbf16, #tpu.memory_space<hbm>>
      tpu.enqueue_indirect_dma source(%dma_start3A_20 : memref<40000x32xbf16, #tpu.memory_space<hbm>>) target(%arg12 : memref<1024x32xbf16, #tpu.memory_space<vmem>>) offsets(%arg8 : memref<1024xi32, #tpu.memory_space<vmem>>) semaphore(%arg14 : memref<!tpu.dma_semaphore, #tpu.memory_space<semaphore_mem>>)
      %scan3A_21 = arith.constant 0 : i32
      %scan3A_22 = arith.constant 10 : i32
      %scan3A_23 = arith.addi %scan3A_21, %scan3A_22 : i32
      %scan3A_24 = arith.constant 1 : i32
      scf.for %scan3A_75 = %scan3A_21 to %scan3A_23 step %scan3A_24  : i32 {
        %mul3A_76 = arith.constant 1 : i32
        %mul3A_77 = arith.muli %scan3A_75, %mul3A_76 : i32
        %add3A_78 = arith.constant 0 : i32
        %add3A_79 = arith.addi %add3A_78, %mul3A_77 : i32
        %gt3A = arith.constant 0 : i32
        %gt3A_80 = arith.cmpi sgt, %add3A_79, %gt3A : i32
        %convert_element_type3A = arith.extui %gt3A_80 : i1 to i32
        %cond3A = arith.constant 0 : i32
        %cond3A_81 = arith.cmpi ne, %convert_element_type3A, %cond3A : i32
        scf.if %cond3A_81 {
          %dma_wait3A_117 = arith.constant 0 : i32
          %dma_wait3A_118 = arith.constant 0 : i32
          %dma_wait3A_119 = tpu.memref_slice %arg2[%dma_wait3A_117, %dma_wait3A_118] : memref<40000x32xbf16, #tpu.memory_space<hbm>> -> memref<1024x32xbf16, #tpu.memory_space<hbm>>
          %dma_wait3A_120 = arith.constant 0 : i32
          %dma_wait3A_121 = arith.constant 0 : i32
          %dma_wait3A_122 = tpu.memref_slice %arg2[%dma_wait3A_120, %dma_wait3A_121] : memref<40000x32xbf16, #tpu.memory_space<hbm>> -> memref<1024x32xbf16, #tpu.memory_space<hbm>>
          tpu.wait_dma2 semaphore(%arg17 : memref<!tpu.dma_semaphore, #tpu.memory_space<semaphore_mem>>) src(%dma_wait3A_122 : memref<1024x32xbf16, #tpu.memory_space<hbm>>) dst(%arg13 : memref<1024x32xbf16, #tpu.memory_space<vmem>>)
        } else {
        }
        %mul3A_82 = arith.constant 2 : i32
        %mul3A_83 = arith.muli %mul3A_82, %add3A_79 : i32
        %add3A_84 = arith.constant 1 : i32
        %add3A_85 = arith.addi %mul3A_83, %add3A_84 : i32
        %mul3A_86 = arith.constant 20480 : i32
        %mul3A_87 = arith.muli %arg1, %mul3A_86 : i32
        %mul3A_88 = arith.constant 1024 : i32
        %mul3A_89 = arith.muli %add3A_85, %mul3A_88 : i32
        %add3A_90 = arith.addi %mul3A_87, %mul3A_89 : i32
        "tpu.region"() ({
          %run_scoped3A = tpu.sem_alloc : memref<!tpu.dma_semaphore, #tpu.memory_space<semaphore_mem>>
          %dma_start3A_117 = tpu.memref_slice %arg3[%add3A_9, %add3A_90] : memref<4x327680xi32, #tpu.memory_space<hbm>> -> memref<1x1024xi32, #tpu.memory_space<hbm>>
          %dma_start3A_118 = tpu.memref_squeeze %dma_start3A_117 : memref<1x1024xi32, #tpu.memory_space<hbm>> -> memref<1024xi32, #tpu.memory_space<hbm>>
          %dma_start3A_119 = tpu.memref_slice %arg3[%add3A_9, %add3A_90] : memref<4x327680xi32, #tpu.memory_space<hbm>> -> memref<1x1024xi32, #tpu.memory_space<hbm>>
          %dma_start3A_120 = tpu.memref_squeeze %dma_start3A_119 : memref<1x1024xi32, #tpu.memory_space<hbm>> -> memref<1024xi32, #tpu.memory_space<hbm>>
          tpu.enqueue_dma source(%dma_start3A_120 : memref<1024xi32, #tpu.memory_space<hbm>>) target(%arg9 : memref<1024xi32, #tpu.memory_space<vmem>>) target_semaphore(%run_scoped3A : memref<!tpu.dma_semaphore, #tpu.memory_space<semaphore_mem>>)
          %dma_wait3A_121 = tpu.memref_slice %arg3[%add3A_9, %add3A_90] : memref<4x327680xi32, #tpu.memory_space<hbm>> -> memref<1x1024xi32, #tpu.memory_space<hbm>>
          %dma_wait3A_122 = tpu.memref_squeeze %dma_wait3A_121 : memref<1x1024xi32, #tpu.memory_space<hbm>> -> memref<1024xi32, #tpu.memory_space<hbm>>
          %dma_wait3A_123 = tpu.memref_slice %arg3[%add3A_9, %add3A_90] : memref<4x327680xi32, #tpu.memory_space<hbm>> -> memref<1x1024xi32, #tpu.memory_space<hbm>>
          %dma_wait3A_124 = tpu.memref_squeeze %dma_wait3A_123 : memref<1x1024xi32, #tpu.memory_space<hbm>> -> memref<1024xi32, #tpu.memory_space<hbm>>
          tpu.wait_dma2 semaphore(%run_scoped3A : memref<!tpu.dma_semaphore, #tpu.memory_space<semaphore_mem>>) src(%dma_wait3A_124 : memref<1024xi32, #tpu.memory_space<hbm>>) dst(%arg9 : memref<1024xi32, #tpu.memory_space<vmem>>)
          tpu.yield
        }) : () -> ()
        "tpu.region"() ({
          %run_scoped3A = tpu.sem_alloc : memref<!tpu.dma_semaphore, #tpu.memory_space<semaphore_mem>>
          %dma_start3A_117 = tpu.memref_slice %arg4[%add3A_90] : memref<327680xi32, #tpu.memory_space<hbm>> -> memref<1024xi32, #tpu.memory_space<hbm>>
          %dma_start3A_118 = tpu.memref_slice %arg4[%add3A_90] : memref<327680xi32, #tpu.memory_space<hbm>> -> memref<1024xi32, #tpu.memory_space<hbm>>
          tpu.enqueue_dma source(%dma_start3A_118 : memref<1024xi32, #tpu.memory_space<hbm>>) target(%arg11 : memref<1024xi32, #tpu.memory_space<vmem>>) target_semaphore(%run_scoped3A : memref<!tpu.dma_semaphore, #tpu.memory_space<semaphore_mem>>)
          %dma_wait3A_119 = tpu.memref_slice %arg4[%add3A_90] : memref<327680xi32, #tpu.memory_space<hbm>> -> memref<1024xi32, #tpu.memory_space<hbm>>
          %dma_wait3A_120 = tpu.memref_slice %arg4[%add3A_90] : memref<327680xi32, #tpu.memory_space<hbm>> -> memref<1024xi32, #tpu.memory_space<hbm>>
          tpu.wait_dma2 semaphore(%run_scoped3A : memref<!tpu.dma_semaphore, #tpu.memory_space<semaphore_mem>>) src(%dma_wait3A_120 : memref<1024xi32, #tpu.memory_space<hbm>>) dst(%arg11 : memref<1024xi32, #tpu.memory_space<vmem>>)
          tpu.yield
        }) : () -> ()
        %dma_start3A_91 = arith.constant 0 : i32
        %dma_start3A_92 = arith.constant 0 : i32
        %dma_start3A_93 = tpu.memref_slice %arg2[%dma_start3A_91, %dma_start3A_92] : memref<40000x32xbf16, #tpu.memory_space<hbm>> -> memref<40000x32xbf16, #tpu.memory_space<hbm>>
        tpu.enqueue_indirect_dma source(%dma_start3A_93 : memref<40000x32xbf16, #tpu.memory_space<hbm>>) target(%arg13 : memref<1024x32xbf16, #tpu.memory_space<vmem>>) offsets(%arg9 : memref<1024xi32, #tpu.memory_space<vmem>>) semaphore(%arg15 : memref<!tpu.dma_semaphore, #tpu.memory_space<semaphore_mem>>)
        %dma_wait3A_94 = arith.constant 0 : i32
        %dma_wait3A_95 = arith.constant 0 : i32
        %dma_wait3A_96 = tpu.memref_slice %arg2[%dma_wait3A_94, %dma_wait3A_95] : memref<40000x32xbf16, #tpu.memory_space<hbm>> -> memref<1024x32xbf16, #tpu.memory_space<hbm>>
        %dma_wait3A_97 = arith.constant 0 : i32
        %dma_wait3A_98 = arith.constant 0 : i32
        %dma_wait3A_99 = tpu.memref_slice %arg2[%dma_wait3A_97, %dma_wait3A_98] : memref<40000x32xbf16, #tpu.memory_space<hbm>> -> memref<1024x32xbf16, #tpu.memory_space<hbm>>
        tpu.wait_dma2 semaphore(%arg14 : memref<!tpu.dma_semaphore, #tpu.memory_space<semaphore_mem>>) src(%dma_wait3A_99 : memref<1024x32xbf16, #tpu.memory_space<hbm>>) dst(%arg12 : memref<1024x32xbf16, #tpu.memory_space<vmem>>)
        %dma_start3A_100 = arith.constant 0 : i32
        %dma_start3A_101 = arith.constant 0 : i32
        %dma_start3A_102 = tpu.memref_slice %arg7[%dma_start3A_100, %dma_start3A_101] : memref<80896x32xbf16, #tpu.memory_space<vmem_shared>> -> memref<80896x32xbf16, #tpu.memory_space<vmem_shared>>
        tpu.enqueue_indirect_dma source(%arg12 : memref<1024x32xbf16, #tpu.memory_space<vmem>>) target(%dma_start3A_102 : memref<80896x32xbf16, #tpu.memory_space<vmem_shared>>) offsets(%arg10 : memref<1024xi32, #tpu.memory_space<vmem>>) semaphore(%arg16 : memref<!tpu.dma_semaphore, #tpu.memory_space<semaphore_mem>>) {add = true}
        %lt3A_103 = arith.constant 9 : i32
        %lt3A_104 = arith.cmpi slt, %add3A_79, %lt3A_103 : i32
        %convert_element_type3A_105 = arith.extui %lt3A_104 : i1 to i32
        %cond3A_106 = arith.constant 0 : i32
        %cond3A_107 = arith.cmpi ne, %convert_element_type3A_105, %cond3A_106 : i32
        scf.if %cond3A_107 {
          %dma_wait3A_117 = arith.constant 0 : i32
          %dma_wait3A_118 = arith.constant 0 : i32
          %dma_wait3A_119 = tpu.memref_slice %arg2[%dma_wait3A_117, %dma_wait3A_118] : memref<40000x32xbf16, #tpu.memory_space<hbm>> -> memref<1024x32xbf16, #tpu.memory_space<hbm>>
          %dma_wait3A_120 = arith.constant 0 : i32
          %dma_wait3A_121 = arith.constant 0 : i32
          %dma_wait3A_122 = tpu.memref_slice %arg2[%dma_wait3A_120, %dma_wait3A_121] : memref<40000x32xbf16, #tpu.memory_space<hbm>> -> memref<1024x32xbf16, #tpu.memory_space<hbm>>
          tpu.wait_dma2 semaphore(%arg16 : memref<!tpu.dma_semaphore, #tpu.memory_space<semaphore_mem>>) src(%dma_wait3A_122 : memref<1024x32xbf16, #tpu.memory_space<hbm>>) dst(%arg12 : memref<1024x32xbf16, #tpu.memory_space<vmem>>)
          %mul3A_123 = arith.constant 2 : i32
          %mul3A_124 = arith.muli %mul3A_123, %add3A_79 : i32
          %add3A_125 = arith.constant 2 : i32
          %add3A_126 = arith.addi %mul3A_124, %add3A_125 : i32
          %mul3A_127 = arith.constant 20480 : i32
          %mul3A_128 = arith.muli %arg1, %mul3A_127 : i32
          %mul3A_129 = arith.constant 1024 : i32
          %mul3A_130 = arith.muli %add3A_126, %mul3A_129 : i32
          %add3A_131 = arith.addi %mul3A_128, %mul3A_130 : i32
          "tpu.region"() ({
            %run_scoped3A = tpu.sem_alloc : memref<!tpu.dma_semaphore, #tpu.memory_space<semaphore_mem>>
            %dma_start3A_135 = tpu.memref_slice %arg3[%add3A_9, %add3A_131] : memref<4x327680xi32, #tpu.memory_space<hbm>> -> memref<1x1024xi32, #tpu.memory_space<hbm>>
            %dma_start3A_136 = tpu.memref_squeeze %dma_start3A_135 : memref<1x1024xi32, #tpu.memory_space<hbm>> -> memref<1024xi32, #tpu.memory_space<hbm>>
            %dma_start3A_137 = tpu.memref_slice %arg3[%add3A_9, %add3A_131] : memref<4x327680xi32, #tpu.memory_space<hbm>> -> memref<1x1024xi32, #tpu.memory_space<hbm>>
            %dma_start3A_138 = tpu.memref_squeeze %dma_start3A_137 : memref<1x1024xi32, #tpu.memory_space<hbm>> -> memref<1024xi32, #tpu.memory_space<hbm>>
            tpu.enqueue_dma source(%dma_start3A_138 : memref<1024xi32, #tpu.memory_space<hbm>>) target(%arg8 : memref<1024xi32, #tpu.memory_space<vmem>>) target_semaphore(%run_scoped3A : memref<!tpu.dma_semaphore, #tpu.memory_space<semaphore_mem>>)
            %dma_wait3A_139 = tpu.memref_slice %arg3[%add3A_9, %add3A_131] : memref<4x327680xi32, #tpu.memory_space<hbm>> -> memref<1x1024xi32, #tpu.memory_space<hbm>>
            %dma_wait3A_140 = tpu.memref_squeeze %dma_wait3A_139 : memref<1x1024xi32, #tpu.memory_space<hbm>> -> memref<1024xi32, #tpu.memory_space<hbm>>
            %dma_wait3A_141 = tpu.memref_slice %arg3[%add3A_9, %add3A_131] : memref<4x327680xi32, #tpu.memory_space<hbm>> -> memref<1x1024xi32, #tpu.memory_space<hbm>>
            %dma_wait3A_142 = tpu.memref_squeeze %dma_wait3A_141 : memref<1x1024xi32, #tpu.memory_space<hbm>> -> memref<1024xi32, #tpu.memory_space<hbm>>
            tpu.wait_dma2 semaphore(%run_scoped3A : memref<!tpu.dma_semaphore, #tpu.memory_space<semaphore_mem>>) src(%dma_wait3A_142 : memref<1024xi32, #tpu.memory_space<hbm>>) dst(%arg8 : memref<1024xi32, #tpu.memory_space<vmem>>)
            tpu.yield
          }) : () -> ()
          "tpu.region"() ({
            %run_scoped3A = tpu.sem_alloc : memref<!tpu.dma_semaphore, #tpu.memory_space<semaphore_mem>>
            %dma_start3A_135 = tpu.memref_slice %arg4[%add3A_131] : memref<327680xi32, #tpu.memory_space<hbm>> -> memref<1024xi32, #tpu.memory_space<hbm>>
            %dma_start3A_136 = tpu.memref_slice %arg4[%add3A_131] : memref<327680xi32, #tpu.memory_space<hbm>> -> memref<1024xi32, #tpu.memory_space<hbm>>
            tpu.enqueue_dma source(%dma_start3A_136 : memref<1024xi32, #tpu.memory_space<hbm>>) target(%arg10 : memref<1024xi32, #tpu.memory_space<vmem>>) target_semaphore(%run_scoped3A : memref<!tpu.dma_semaphore, #tpu.memory_space<semaphore_mem>>)
            %dma_wait3A_137 = tpu.memref_slice %arg4[%add3A_131] : memref<327680xi32, #tpu.memory_space<hbm>> -> memref<1024xi32, #tpu.memory_space<hbm>>
            %dma_wait3A_138 = tpu.memref_slice %arg4[%add3A_131] : memref<327680xi32, #tpu.memory_space<hbm>> -> memref<1024xi32, #tpu.memory_space<hbm>>
            tpu.wait_dma2 semaphore(%run_scoped3A : memref<!tpu.dma_semaphore, #tpu.memory_space<semaphore_mem>>) src(%dma_wait3A_138 : memref<1024xi32, #tpu.memory_space<hbm>>) dst(%arg10 : memref<1024xi32, #tpu.memory_space<vmem>>)
            tpu.yield
          }) : () -> ()
          %dma_start3A_132 = arith.constant 0 : i32
          %dma_start3A_133 = arith.constant 0 : i32
          %dma_start3A_134 = tpu.memref_slice %arg2[%dma_start3A_132, %dma_start3A_133] : memref<40000x32xbf16, #tpu.memory_space<hbm>> -> memref<40000x32xbf16, #tpu.memory_space<hbm>>
          tpu.enqueue_indirect_dma source(%dma_start3A_134 : memref<40000x32xbf16, #tpu.memory_space<hbm>>) target(%arg12 : memref<1024x32xbf16, #tpu.memory_space<vmem>>) offsets(%arg8 : memref<1024xi32, #tpu.memory_space<vmem>>) semaphore(%arg14 : memref<!tpu.dma_semaphore, #tpu.memory_space<semaphore_mem>>)
        } else {
        }
        %dma_wait3A_108 = arith.constant 0 : i32
        %dma_wait3A_109 = arith.constant 0 : i32
        %dma_wait3A_110 = tpu.memref_slice %arg2[%dma_wait3A_108, %dma_wait3A_109] : memref<40000x32xbf16, #tpu.memory_space<hbm>> -> memref<1024x32xbf16, #tpu.memory_space<hbm>>
        %dma_wait3A_111 = arith.constant 0 : i32
        %dma_wait3A_112 = arith.constant 0 : i32
        %dma_wait3A_113 = tpu.memref_slice %arg2[%dma_wait3A_111, %dma_wait3A_112] : memref<40000x32xbf16, #tpu.memory_space<hbm>> -> memref<1024x32xbf16, #tpu.memory_space<hbm>>
        tpu.wait_dma2 semaphore(%arg15 : memref<!tpu.dma_semaphore, #tpu.memory_space<semaphore_mem>>) src(%dma_wait3A_113 : memref<1024x32xbf16, #tpu.memory_space<hbm>>) dst(%arg13 : memref<1024x32xbf16, #tpu.memory_space<vmem>>)
        %dma_start3A_114 = arith.constant 0 : i32
        %dma_start3A_115 = arith.constant 0 : i32
        %dma_start3A_116 = tpu.memref_slice %arg7[%dma_start3A_114, %dma_start3A_115] : memref<80896x32xbf16, #tpu.memory_space<vmem_shared>> -> memref<80896x32xbf16, #tpu.memory_space<vmem_shared>>
        tpu.enqueue_indirect_dma source(%arg13 : memref<1024x32xbf16, #tpu.memory_space<vmem>>) target(%dma_start3A_116 : memref<80896x32xbf16, #tpu.memory_space<vmem_shared>>) offsets(%arg11 : memref<1024xi32, #tpu.memory_space<vmem>>) semaphore(%arg17 : memref<!tpu.dma_semaphore, #tpu.memory_space<semaphore_mem>>) {add = true}
      }
      %scan3A_25 = arith.constant 10 : i32
      %dma_wait3A = arith.constant 0 : i32
      %dma_wait3A_26 = arith.constant 0 : i32
      %dma_wait3A_27 = tpu.memref_slice %arg2[%dma_wait3A, %dma_wait3A_26] : memref<40000x32xbf16, #tpu.memory_space<hbm>> -> memref<1024x32xbf16, #tpu.memory_space<hbm>>
      %dma_wait3A_28 = arith.constant 0 : i32
      %dma_wait3A_29 = arith.constant 0 : i32
      %dma_wait3A_30 = tpu.memref_slice %arg2[%dma_wait3A_28, %dma_wait3A_29] : memref<40000x32xbf16, #tpu.memory_space<hbm>> -> memref<1024x32xbf16, #tpu.memory_space<hbm>>
      tpu.wait_dma2 semaphore(%arg16 : memref<!tpu.dma_semaphore, #tpu.memory_space<semaphore_mem>>) src(%dma_wait3A_30 : memref<1024x32xbf16, #tpu.memory_space<hbm>>) dst(%arg12 : memref<1024x32xbf16, #tpu.memory_space<vmem>>)
      %dma_wait3A_31 = arith.constant 0 : i32
      %dma_wait3A_32 = arith.constant 0 : i32
      %dma_wait3A_33 = tpu.memref_slice %arg2[%dma_wait3A_31, %dma_wait3A_32] : memref<40000x32xbf16, #tpu.memory_space<hbm>> -> memref<1024x32xbf16, #tpu.memory_space<hbm>>
      %dma_wait3A_34 = arith.constant 0 : i32
      %dma_wait3A_35 = arith.constant 0 : i32
      %dma_wait3A_36 = tpu.memref_slice %arg2[%dma_wait3A_34, %dma_wait3A_35] : memref<40000x32xbf16, #tpu.memory_space<hbm>> -> memref<1024x32xbf16, #tpu.memory_space<hbm>>
      tpu.wait_dma2 semaphore(%arg17 : memref<!tpu.dma_semaphore, #tpu.memory_space<semaphore_mem>>) src(%dma_wait3A_36 : memref<1024x32xbf16, #tpu.memory_space<hbm>>) dst(%arg13 : memref<1024x32xbf16, #tpu.memory_space<vmem>>)
      %barrier3A_37 = arith.constant 0 : index
      tpu.barrier barrier_id(%barrier3A_37)
      %mul3A_38 = arith.constant 5000 : i32
      %mul3A_39 = arith.muli %arg1, %mul3A_38 : i32
      %jit3A = arith.constant 2 : i32
      %div3A = arith.divsi %arg1, %jit3A : i32
      %sign3A = arith.constant 0 : i32
      %sign3A_40 = arith.cmpi sgt, %arg1, %sign3A : i32
      %sign3A_41 = arith.extui %sign3A_40 : i1 to i32
      %sign3A_42 = arith.constant 0 : i32
      %sign3A_43 = arith.cmpi slt, %arg1, %sign3A_42 : i32
      %sign3A_44 = arith.extui %sign3A_43 : i1 to i32
      %sign3A_45 = arith.subi %sign3A_41, %sign3A_44 : i32
      %sign3A_46 = arith.constant 0 : i32
      %sign3A_47 = arith.cmpi sgt, %jit3A, %sign3A_46 : i32
      %sign3A_48 = arith.extui %sign3A_47 : i1 to i32
      %sign3A_49 = arith.constant 0 : i32
      %sign3A_50 = arith.cmpi slt, %jit3A, %sign3A_49 : i32
      %sign3A_51 = arith.extui %sign3A_50 : i1 to i32
      %sign3A_52 = arith.subi %sign3A_48, %sign3A_51 : i32
      %ne3A = arith.cmpi ne, %sign3A_45, %sign3A_52 : i32
      %rem3A = arith.remsi %arg1, %jit3A : i32
      %ne3A_53 = arith.constant 0 : i32
      %ne3A_54 = arith.cmpi ne, %rem3A, %ne3A_53 : i32
      %and3A = arith.andi %ne3A, %ne3A_54 : i1
      %sub3A = arith.constant 1 : i32
      %sub3A_55 = arith.subi %div3A, %sub3A : i32
      %select_n3A = arith.select %and3A, %sub3A_55, %div3A : i32
      %jit3A_56 = arith.constant 2 : i32
      %eq3A = arith.constant 0 : i32
      %eq3A_57 = arith.cmpi eq, %jit3A_56, %eq3A : i32
      %jit3A_58 = arith.constant 1 : i32
      %select_n3A_59 = arith.select %eq3A_57, %jit3A_58, %jit3A_56 : i32
      %rem3A_60 = arith.remsi %arg1, %select_n3A_59 : i32
      %ne3A_61 = arith.constant 0 : i32
      %ne3A_62 = arith.cmpi ne, %rem3A_60, %ne3A_61 : i32
      %lt3A = arith.constant 0 : i32
      %lt3A_63 = arith.cmpi slt, %rem3A_60, %lt3A : i32
      %lt3A_64 = arith.constant 0 : i32
      %lt3A_65 = arith.cmpi slt, %select_n3A_59, %lt3A_64 : i32
      %ne3A_66 = arith.xori %lt3A_63, %lt3A_65 : i1
      %and3A_67 = arith.andi %ne3A_66, %ne3A_62 : i1
      %add3A_68 = arith.addi %rem3A_60, %select_n3A_59 : i32
      %select_n3A_69 = arith.select %and3A_67, %add3A_68, %rem3A_60 : i32
      %mul3A_70 = arith.constant 5000 : i32
      %mul3A_71 = arith.muli %select_n3A_69, %mul3A_70 : i32
      %mul3A_72 = arith.constant 32 : i32
      %mul3A_73 = arith.muli %add3A_9, %mul3A_72 : i32
      "tpu.region"() ({
        %run_scoped3A = tpu.sem_alloc : memref<!tpu.dma_semaphore, #tpu.memory_space<semaphore_mem>>
        %dma_start3A_75 = tpu.memref_slice %arg6[%select_n3A, %mul3A_71, %mul3A_73] : memref<8x10000x128xbf16, #tpu.memory_space<hbm>> -> memref<1x5000x32xbf16, #tpu.memory_space<hbm>>
        %dma_start3A_76 = tpu.memref_squeeze %dma_start3A_75 : memref<1x5000x32xbf16, #tpu.memory_space<hbm>> -> memref<5000x32xbf16, #tpu.memory_space<hbm>>
        %dma_start3A_77 = arith.constant 0 : i32
        %dma_start3A_78 = tpu.memref_slice %arg7[%mul3A_39, %dma_start3A_77] : memref<80896x32xbf16, #tpu.memory_space<vmem_shared>> -> memref<5000x32xbf16, #tpu.memory_space<vmem_shared>>
        tpu.enqueue_dma source(%dma_start3A_78 : memref<5000x32xbf16, #tpu.memory_space<vmem_shared>>) target(%dma_start3A_76 : memref<5000x32xbf16, #tpu.memory_space<hbm>>) target_semaphore(%run_scoped3A : memref<!tpu.dma_semaphore, #tpu.memory_space<semaphore_mem>>)
        %dma_wait3A_79 = tpu.memref_slice %arg6[%select_n3A, %mul3A_71, %mul3A_73] : memref<8x10000x128xbf16, #tpu.memory_space<hbm>> -> memref<1x5000x32xbf16, #tpu.memory_space<hbm>>
        %dma_wait3A_80 = tpu.memref_squeeze %dma_wait3A_79 : memref<1x5000x32xbf16, #tpu.memory_space<hbm>> -> memref<5000x32xbf16, #tpu.memory_space<hbm>>
        %dma_wait3A_81 = arith.constant 0 : i32
        %dma_wait3A_82 = tpu.memref_slice %arg7[%mul3A_39, %dma_wait3A_81] : memref<80896x32xbf16, #tpu.memory_space<vmem_shared>> -> memref<5000x32xbf16, #tpu.memory_space<vmem_shared>>
        tpu.wait_dma2 semaphore(%run_scoped3A : memref<!tpu.dma_semaphore, #tpu.memory_space<semaphore_mem>>) src(%dma_wait3A_82 : memref<5000x32xbf16, #tpu.memory_space<vmem_shared>>) dst(%dma_wait3A_80 : memref<5000x32xbf16, #tpu.memory_space<hbm>>)
        tpu.yield
      }) : () -> ()
      %barrier3A_74 = arith.constant 0 : index
      tpu.barrier barrier_id(%barrier3A_74)
    }
    %scan3A_3 = arith.constant 2 : i32
    return
  }
}

module attributes {stable_mosaic.version = 14 : i64} {
  func.func @_combine_body(%arg0: i32, %arg1: memref<8x1000x128xbf16, #tpu.memory_space<vmem>>, %arg2: memref<1000x8xf32, #tpu.memory_space<vmem>>, %arg3: memref<1000x128xbf16, #tpu.memory_space<vmem>>, %arg4: memref<8x128x128xbf16, #tpu.memory_space<vmem>>, %arg5: memref<128x128xbf16, #tpu.memory_space<vmem>>, %arg6: memref<1x128xf32, #tpu.memory_space<vmem>>, %arg7: memref<1000x128xbf16, #tpu.memory_space<vmem>>) attributes {dimension_semantics = [#tpu.dimension_semantics<arbitrary>], iteration_bounds = array<i64: 10>, scalar_prefetch = 0 : i64, scratch_operands = 0 : i64, tpu.core_type = #tpu.core_type<tc>, window_params = [{transform_indices = @transform_0, window_bounds = array<i64: 8, 1000, 128>}, {transform_indices = @transform_1, window_bounds = array<i64: 1000, 8>}, {transform_indices = @transform_2, window_bounds = array<i64: 1000, 128>}, {pipeline_mode = #tpu.pipeline_mode<synchronous>, transform_indices = @transform_3, window_bounds = array<i64: 8, 128, 128>}, {pipeline_mode = #tpu.pipeline_mode<synchronous>, transform_indices = @transform_4, window_bounds = array<i64: 128, 128>}, {pipeline_mode = #tpu.pipeline_mode<synchronous>, transform_indices = @transform_5, window_bounds = array<i64: 1, 128>}, {transform_indices = @transform_6, window_bounds = array<i64: 1000, 128>}]} {
    %get3A = arith.constant 0 : index
    %get3A_0 = arith.constant 0 : index
    %get3A_1 = vector.load %arg3[%get3A, %get3A_0] : memref<1000x128xbf16, #tpu.memory_space<vmem>>, vector<1000x128xbf16>
    %get3A_2 = arith.constant 0 : index
    %get3A_3 = arith.constant 0 : index
    %get3A_4 = vector.load %arg5[%get3A_2, %get3A_3] : memref<128x128xbf16, #tpu.memory_space<vmem>>, vector<128x128xbf16>
    %dot_general3A = arith.constant dense<0.000000e+00> : vector<1000x128xf32>
    %dot_general3A_5 = tpu.matmul %get3A_1, %get3A_4, %dot_general3A {dimension_numbers = #tpu.dot_dimension_numbers<[1], [0], [0], [1], [0, 0, 1, 1], [], []>, transpose_lhs_hint = false} : vector<1000x128xbf16>, vector<128x128xbf16>, vector<1000x128xf32> -> vector<1000x128xf32>
    %get3A_6 = arith.constant 0 : index
    %get3A_7 = arith.constant 0 : index
    %get3A_8 = vector.load %arg6[%get3A_6, %get3A_7] : memref<1x128xf32, #tpu.memory_space<vmem>>, vector<1x128xf32>
    %add3A = vector.broadcast %get3A_8 : vector<1x128xf32> to vector<1000x128xf32>
    %add3A_9 = arith.addf %dot_general3A_5, %add3A : vector<1000x128xf32>
    %get3A_10 = arith.constant 0 : index
    %get3A_11 = arith.constant 0 : index
    %get3A_12 = arith.constant 0 : index
    %get3A_13 = vector.load %arg1[%get3A_10, %get3A_11, %get3A_12] : memref<8x1000x128xbf16, #tpu.memory_space<vmem>>, vector<1x1000x128xbf16>
    %get3A_14 = vector.shape_cast %get3A_13 : vector<1x1000x128xbf16> to vector<1000x128xbf16>
    %convert_element_type3A = arith.extf %get3A_14 : vector<1000x128xbf16> to vector<1000x128xf32>
    %get3A_15 = arith.constant 0 : index
    %get3A_16 = arith.constant 0 : index
    %get3A_17 = vector.load %arg2[%get3A_15, %get3A_16] : memref<1000x8xf32, #tpu.memory_space<vmem>>, vector<1000x1xf32>
    %mul3A = vector.broadcast %get3A_17 : vector<1000x1xf32> to vector<1000x128xf32>
    %mul3A_18 = arith.mulf %convert_element_type3A, %mul3A : vector<1000x128xf32>
    %convert_element_type3A_19 = arith.truncf %mul3A_18 : vector<1000x128xf32> to vector<1000x128xbf16>
    %get3A_20 = arith.constant 0 : index
    %get3A_21 = arith.constant 0 : index
    %get3A_22 = arith.constant 0 : index
    %get3A_23 = vector.load %arg4[%get3A_20, %get3A_21, %get3A_22] : memref<8x128x128xbf16, #tpu.memory_space<vmem>>, vector<1x128x128xbf16>
    %get3A_24 = vector.shape_cast %get3A_23 : vector<1x128x128xbf16> to vector<128x128xbf16>
    %dot_general3A_25 = arith.constant dense<0.000000e+00> : vector<1000x128xf32>
    %dot_general3A_26 = tpu.matmul %convert_element_type3A_19, %get3A_24, %dot_general3A_25 {dimension_numbers = #tpu.dot_dimension_numbers<[1], [0], [0], [1], [0, 0, 1, 1], [], []>, transpose_lhs_hint = false} : vector<1000x128xbf16>, vector<128x128xbf16>, vector<1000x128xf32> -> vector<1000x128xf32>
    %add3A_27 = arith.addf %add3A_9, %dot_general3A_26 : vector<1000x128xf32>
    %get3A_28 = arith.constant 1 : index
    %get3A_29 = arith.constant 0 : index
    %get3A_30 = arith.constant 0 : index
    %get3A_31 = vector.load %arg1[%get3A_28, %get3A_29, %get3A_30] : memref<8x1000x128xbf16, #tpu.memory_space<vmem>>, vector<1x1000x128xbf16>
    %get3A_32 = vector.shape_cast %get3A_31 : vector<1x1000x128xbf16> to vector<1000x128xbf16>
    %convert_element_type3A_33 = arith.extf %get3A_32 : vector<1000x128xbf16> to vector<1000x128xf32>
    %get3A_34 = arith.constant 0 : index
    %get3A_35 = arith.constant 1 : index
    %get3A_36 = vector.load %arg2[%get3A_34, %get3A_35] : memref<1000x8xf32, #tpu.memory_space<vmem>>, vector<1000x1xf32>
    %mul3A_37 = vector.broadcast %get3A_36 : vector<1000x1xf32> to vector<1000x128xf32>
    %mul3A_38 = arith.mulf %convert_element_type3A_33, %mul3A_37 : vector<1000x128xf32>
    %convert_element_type3A_39 = arith.truncf %mul3A_38 : vector<1000x128xf32> to vector<1000x128xbf16>
    %get3A_40 = arith.constant 1 : index
    %get3A_41 = arith.constant 0 : index
    %get3A_42 = arith.constant 0 : index
    %get3A_43 = vector.load %arg4[%get3A_40, %get3A_41, %get3A_42] : memref<8x128x128xbf16, #tpu.memory_space<vmem>>, vector<1x128x128xbf16>
    %get3A_44 = vector.shape_cast %get3A_43 : vector<1x128x128xbf16> to vector<128x128xbf16>
    %dot_general3A_45 = arith.constant dense<0.000000e+00> : vector<1000x128xf32>
    %dot_general3A_46 = tpu.matmul %convert_element_type3A_39, %get3A_44, %dot_general3A_45 {dimension_numbers = #tpu.dot_dimension_numbers<[1], [0], [0], [1], [0, 0, 1, 1], [], []>, transpose_lhs_hint = false} : vector<1000x128xbf16>, vector<128x128xbf16>, vector<1000x128xf32> -> vector<1000x128xf32>
    %add3A_47 = arith.addf %add3A_27, %dot_general3A_46 : vector<1000x128xf32>
    %get3A_48 = arith.constant 2 : index
    %get3A_49 = arith.constant 0 : index
    %get3A_50 = arith.constant 0 : index
    %get3A_51 = vector.load %arg1[%get3A_48, %get3A_49, %get3A_50] : memref<8x1000x128xbf16, #tpu.memory_space<vmem>>, vector<1x1000x128xbf16>
    %get3A_52 = vector.shape_cast %get3A_51 : vector<1x1000x128xbf16> to vector<1000x128xbf16>
    %convert_element_type3A_53 = arith.extf %get3A_52 : vector<1000x128xbf16> to vector<1000x128xf32>
    %get3A_54 = arith.constant 0 : index
    %get3A_55 = arith.constant 2 : index
    %get3A_56 = vector.load %arg2[%get3A_54, %get3A_55] : memref<1000x8xf32, #tpu.memory_space<vmem>>, vector<1000x1xf32>
    %mul3A_57 = vector.broadcast %get3A_56 : vector<1000x1xf32> to vector<1000x128xf32>
    %mul3A_58 = arith.mulf %convert_element_type3A_53, %mul3A_57 : vector<1000x128xf32>
    %convert_element_type3A_59 = arith.truncf %mul3A_58 : vector<1000x128xf32> to vector<1000x128xbf16>
    %get3A_60 = arith.constant 2 : index
    %get3A_61 = arith.constant 0 : index
    %get3A_62 = arith.constant 0 : index
    %get3A_63 = vector.load %arg4[%get3A_60, %get3A_61, %get3A_62] : memref<8x128x128xbf16, #tpu.memory_space<vmem>>, vector<1x128x128xbf16>
    %get3A_64 = vector.shape_cast %get3A_63 : vector<1x128x128xbf16> to vector<128x128xbf16>
    %dot_general3A_65 = arith.constant dense<0.000000e+00> : vector<1000x128xf32>
    %dot_general3A_66 = tpu.matmul %convert_element_type3A_59, %get3A_64, %dot_general3A_65 {dimension_numbers = #tpu.dot_dimension_numbers<[1], [0], [0], [1], [0, 0, 1, 1], [], []>, transpose_lhs_hint = false} : vector<1000x128xbf16>, vector<128x128xbf16>, vector<1000x128xf32> -> vector<1000x128xf32>
    %add3A_67 = arith.addf %add3A_47, %dot_general3A_66 : vector<1000x128xf32>
    %get3A_68 = arith.constant 3 : index
    %get3A_69 = arith.constant 0 : index
    %get3A_70 = arith.constant 0 : index
    %get3A_71 = vector.load %arg1[%get3A_68, %get3A_69, %get3A_70] : memref<8x1000x128xbf16, #tpu.memory_space<vmem>>, vector<1x1000x128xbf16>
    %get3A_72 = vector.shape_cast %get3A_71 : vector<1x1000x128xbf16> to vector<1000x128xbf16>
    %convert_element_type3A_73 = arith.extf %get3A_72 : vector<1000x128xbf16> to vector<1000x128xf32>
    %get3A_74 = arith.constant 0 : index
    %get3A_75 = arith.constant 3 : index
    %get3A_76 = vector.load %arg2[%get3A_74, %get3A_75] : memref<1000x8xf32, #tpu.memory_space<vmem>>, vector<1000x1xf32>
    %mul3A_77 = vector.broadcast %get3A_76 : vector<1000x1xf32> to vector<1000x128xf32>
    %mul3A_78 = arith.mulf %convert_element_type3A_73, %mul3A_77 : vector<1000x128xf32>
    %convert_element_type3A_79 = arith.truncf %mul3A_78 : vector<1000x128xf32> to vector<1000x128xbf16>
    %get3A_80 = arith.constant 3 : index
    %get3A_81 = arith.constant 0 : index
    %get3A_82 = arith.constant 0 : index
    %get3A_83 = vector.load %arg4[%get3A_80, %get3A_81, %get3A_82] : memref<8x128x128xbf16, #tpu.memory_space<vmem>>, vector<1x128x128xbf16>
    %get3A_84 = vector.shape_cast %get3A_83 : vector<1x128x128xbf16> to vector<128x128xbf16>
    %dot_general3A_85 = arith.constant dense<0.000000e+00> : vector<1000x128xf32>
    %dot_general3A_86 = tpu.matmul %convert_element_type3A_79, %get3A_84, %dot_general3A_85 {dimension_numbers = #tpu.dot_dimension_numbers<[1], [0], [0], [1], [0, 0, 1, 1], [], []>, transpose_lhs_hint = false} : vector<1000x128xbf16>, vector<128x128xbf16>, vector<1000x128xf32> -> vector<1000x128xf32>
    %add3A_87 = arith.addf %add3A_67, %dot_general3A_86 : vector<1000x128xf32>
    %get3A_88 = arith.constant 4 : index
    %get3A_89 = arith.constant 0 : index
    %get3A_90 = arith.constant 0 : index
    %get3A_91 = vector.load %arg1[%get3A_88, %get3A_89, %get3A_90] : memref<8x1000x128xbf16, #tpu.memory_space<vmem>>, vector<1x1000x128xbf16>
    %get3A_92 = vector.shape_cast %get3A_91 : vector<1x1000x128xbf16> to vector<1000x128xbf16>
    %convert_element_type3A_93 = arith.extf %get3A_92 : vector<1000x128xbf16> to vector<1000x128xf32>
    %get3A_94 = arith.constant 0 : index
    %get3A_95 = arith.constant 4 : index
    %get3A_96 = vector.load %arg2[%get3A_94, %get3A_95] : memref<1000x8xf32, #tpu.memory_space<vmem>>, vector<1000x1xf32>
    %mul3A_97 = vector.broadcast %get3A_96 : vector<1000x1xf32> to vector<1000x128xf32>
    %mul3A_98 = arith.mulf %convert_element_type3A_93, %mul3A_97 : vector<1000x128xf32>
    %convert_element_type3A_99 = arith.truncf %mul3A_98 : vector<1000x128xf32> to vector<1000x128xbf16>
    %get3A_100 = arith.constant 4 : index
    %get3A_101 = arith.constant 0 : index
    %get3A_102 = arith.constant 0 : index
    %get3A_103 = vector.load %arg4[%get3A_100, %get3A_101, %get3A_102] : memref<8x128x128xbf16, #tpu.memory_space<vmem>>, vector<1x128x128xbf16>
    %get3A_104 = vector.shape_cast %get3A_103 : vector<1x128x128xbf16> to vector<128x128xbf16>
    %dot_general3A_105 = arith.constant dense<0.000000e+00> : vector<1000x128xf32>
    %dot_general3A_106 = tpu.matmul %convert_element_type3A_99, %get3A_104, %dot_general3A_105 {dimension_numbers = #tpu.dot_dimension_numbers<[1], [0], [0], [1], [0, 0, 1, 1], [], []>, transpose_lhs_hint = false} : vector<1000x128xbf16>, vector<128x128xbf16>, vector<1000x128xf32> -> vector<1000x128xf32>
    %add3A_107 = arith.addf %add3A_87, %dot_general3A_106 : vector<1000x128xf32>
    %get3A_108 = arith.constant 5 : index
    %get3A_109 = arith.constant 0 : index
    %get3A_110 = arith.constant 0 : index
    %get3A_111 = vector.load %arg1[%get3A_108, %get3A_109, %get3A_110] : memref<8x1000x128xbf16, #tpu.memory_space<vmem>>, vector<1x1000x128xbf16>
    %get3A_112 = vector.shape_cast %get3A_111 : vector<1x1000x128xbf16> to vector<1000x128xbf16>
    %convert_element_type3A_113 = arith.extf %get3A_112 : vector<1000x128xbf16> to vector<1000x128xf32>
    %get3A_114 = arith.constant 0 : index
    %get3A_115 = arith.constant 5 : index
    %get3A_116 = vector.load %arg2[%get3A_114, %get3A_115] : memref<1000x8xf32, #tpu.memory_space<vmem>>, vector<1000x1xf32>
    %mul3A_117 = vector.broadcast %get3A_116 : vector<1000x1xf32> to vector<1000x128xf32>
    %mul3A_118 = arith.mulf %convert_element_type3A_113, %mul3A_117 : vector<1000x128xf32>
    %convert_element_type3A_119 = arith.truncf %mul3A_118 : vector<1000x128xf32> to vector<1000x128xbf16>
    %get3A_120 = arith.constant 5 : index
    %get3A_121 = arith.constant 0 : index
    %get3A_122 = arith.constant 0 : index
    %get3A_123 = vector.load %arg4[%get3A_120, %get3A_121, %get3A_122] : memref<8x128x128xbf16, #tpu.memory_space<vmem>>, vector<1x128x128xbf16>
    %get3A_124 = vector.shape_cast %get3A_123 : vector<1x128x128xbf16> to vector<128x128xbf16>
    %dot_general3A_125 = arith.constant dense<0.000000e+00> : vector<1000x128xf32>
    %dot_general3A_126 = tpu.matmul %convert_element_type3A_119, %get3A_124, %dot_general3A_125 {dimension_numbers = #tpu.dot_dimension_numbers<[1], [0], [0], [1], [0, 0, 1, 1], [], []>, transpose_lhs_hint = false} : vector<1000x128xbf16>, vector<128x128xbf16>, vector<1000x128xf32> -> vector<1000x128xf32>
    %add3A_127 = arith.addf %add3A_107, %dot_general3A_126 : vector<1000x128xf32>
    %get3A_128 = arith.constant 6 : index
    %get3A_129 = arith.constant 0 : index
    %get3A_130 = arith.constant 0 : index
    %get3A_131 = vector.load %arg1[%get3A_128, %get3A_129, %get3A_130] : memref<8x1000x128xbf16, #tpu.memory_space<vmem>>, vector<1x1000x128xbf16>
    %get3A_132 = vector.shape_cast %get3A_131 : vector<1x1000x128xbf16> to vector<1000x128xbf16>
    %convert_element_type3A_133 = arith.extf %get3A_132 : vector<1000x128xbf16> to vector<1000x128xf32>
    %get3A_134 = arith.constant 0 : index
    %get3A_135 = arith.constant 6 : index
    %get3A_136 = vector.load %arg2[%get3A_134, %get3A_135] : memref<1000x8xf32, #tpu.memory_space<vmem>>, vector<1000x1xf32>
    %mul3A_137 = vector.broadcast %get3A_136 : vector<1000x1xf32> to vector<1000x128xf32>
    %mul3A_138 = arith.mulf %convert_element_type3A_133, %mul3A_137 : vector<1000x128xf32>
    %convert_element_type3A_139 = arith.truncf %mul3A_138 : vector<1000x128xf32> to vector<1000x128xbf16>
    %get3A_140 = arith.constant 6 : index
    %get3A_141 = arith.constant 0 : index
    %get3A_142 = arith.constant 0 : index
    %get3A_143 = vector.load %arg4[%get3A_140, %get3A_141, %get3A_142] : memref<8x128x128xbf16, #tpu.memory_space<vmem>>, vector<1x128x128xbf16>
    %get3A_144 = vector.shape_cast %get3A_143 : vector<1x128x128xbf16> to vector<128x128xbf16>
    %dot_general3A_145 = arith.constant dense<0.000000e+00> : vector<1000x128xf32>
    %dot_general3A_146 = tpu.matmul %convert_element_type3A_139, %get3A_144, %dot_general3A_145 {dimension_numbers = #tpu.dot_dimension_numbers<[1], [0], [0], [1], [0, 0, 1, 1], [], []>, transpose_lhs_hint = false} : vector<1000x128xbf16>, vector<128x128xbf16>, vector<1000x128xf32> -> vector<1000x128xf32>
    %add3A_147 = arith.addf %add3A_127, %dot_general3A_146 : vector<1000x128xf32>
    %get3A_148 = arith.constant 7 : index
    %get3A_149 = arith.constant 0 : index
    %get3A_150 = arith.constant 0 : index
    %get3A_151 = vector.load %arg1[%get3A_148, %get3A_149, %get3A_150] : memref<8x1000x128xbf16, #tpu.memory_space<vmem>>, vector<1x1000x128xbf16>
    %get3A_152 = vector.shape_cast %get3A_151 : vector<1x1000x128xbf16> to vector<1000x128xbf16>
    %convert_element_type3A_153 = arith.extf %get3A_152 : vector<1000x128xbf16> to vector<1000x128xf32>
    %get3A_154 = arith.constant 0 : index
    %get3A_155 = arith.constant 7 : index
    %get3A_156 = vector.load %arg2[%get3A_154, %get3A_155] : memref<1000x8xf32, #tpu.memory_space<vmem>>, vector<1000x1xf32>
    %mul3A_157 = vector.broadcast %get3A_156 : vector<1000x1xf32> to vector<1000x128xf32>
    %mul3A_158 = arith.mulf %convert_element_type3A_153, %mul3A_157 : vector<1000x128xf32>
    %convert_element_type3A_159 = arith.truncf %mul3A_158 : vector<1000x128xf32> to vector<1000x128xbf16>
    %get3A_160 = arith.constant 7 : index
    %get3A_161 = arith.constant 0 : index
    %get3A_162 = arith.constant 0 : index
    %get3A_163 = vector.load %arg4[%get3A_160, %get3A_161, %get3A_162] : memref<8x128x128xbf16, #tpu.memory_space<vmem>>, vector<1x128x128xbf16>
    %get3A_164 = vector.shape_cast %get3A_163 : vector<1x128x128xbf16> to vector<128x128xbf16>
    %dot_general3A_165 = arith.constant dense<0.000000e+00> : vector<1000x128xf32>
    %dot_general3A_166 = tpu.matmul %convert_element_type3A_159, %get3A_164, %dot_general3A_165 {dimension_numbers = #tpu.dot_dimension_numbers<[1], [0], [0], [1], [0, 0, 1, 1], [], []>, transpose_lhs_hint = false} : vector<1000x128xbf16>, vector<128x128xbf16>, vector<1000x128xf32> -> vector<1000x128xf32>
    %add3A_167 = arith.addf %add3A_147, %dot_general3A_166 : vector<1000x128xf32>
    %max3A = arith.constant 0.000000e+00 : f32
    %max3A_168 = vector.broadcast %max3A : f32 to vector<1000x128xf32>
    %max3A_169 = arith.maximumf %add3A_167, %max3A_168 : vector<1000x128xf32>
    %convert_element_type3A_170 = arith.truncf %max3A_169 : vector<1000x128xf32> to vector<1000x128xbf16>
    %swap3A = arith.constant 0 : index
    %swap3A_171 = arith.constant 0 : index
    %swap3A_172 = vector.load %arg7[%swap3A, %swap3A_171] : memref<1000x128xbf16, #tpu.memory_space<vmem>>, vector<1000x128xbf16>
    tpu.vector_store %arg7[%swap3A, %swap3A_171], %convert_element_type3A_170 {strides = array<i32>} : memref<1000x128xbf16, #tpu.memory_space<vmem>>, vector<1000x128xbf16>,
    return
  }
  func.func @transform_0(%arg0: i32) -> (i32, i32, i32) {
    %c0_i32 = arith.constant 0 : i32
    %c0_i32_0 = arith.constant 0 : i32
    %c0_i32_1 = arith.constant 0 : i32
    return %c0_i32, %arg0, %c0_i32_0 : i32, i32, i32
  }
  func.func @transform_1(%arg0: i32) -> (i32, i32) {
    %c0_i32 = arith.constant 0 : i32
    %c0_i32_0 = arith.constant 0 : i32
    return %arg0, %c0_i32 : i32, i32
  }
  func.func @transform_2(%arg0: i32) -> (i32, i32) {
    %c0_i32 = arith.constant 0 : i32
    %c0_i32_0 = arith.constant 0 : i32
    return %arg0, %c0_i32 : i32, i32
  }
  func.func @transform_3(%arg0: i32) -> (i32, i32, i32) {
    %c0_i32 = arith.constant 0 : i32
    %c0_i32_0 = arith.constant 0 : i32
    %c0_i32_1 = arith.constant 0 : i32
    %c0_i32_2 = arith.constant 0 : i32
    return %c0_i32, %c0_i32_0, %c0_i32_1 : i32, i32, i32
  }
  func.func @transform_4(%arg0: i32) -> (i32, i32) {
    %c0_i32 = arith.constant 0 : i32
    %c0_i32_0 = arith.constant 0 : i32
    %c0_i32_1 = arith.constant 0 : i32
    return %c0_i32, %c0_i32_0 : i32, i32
  }
  func.func @transform_5(%arg0: i32) -> (i32, i32) {
    %c0_i32 = arith.constant 0 : i32
    %c0_i32_0 = arith.constant 0 : i32
    %c0_i32_1 = arith.constant 0 : i32
    return %c0_i32, %c0_i32_0 : i32, i32
  }
  func.func @transform_6(%arg0: i32) -> (i32, i32) {
    %c0_i32 = arith.constant 0 : i32
    %c0_i32_0 = arith.constant 0 : i32
    return %arg0, %c0_i32 : i32, i32
  }
}

module attributes {stable_mosaic.version = 14 : i64} {
  func.func @_combine_body(%arg0: i32, %arg1: memref<8x1000x128xbf16, #tpu.memory_space<vmem>>, %arg2: memref<1000x8xf32, #tpu.memory_space<vmem>>, %arg3: memref<1000x128xbf16, #tpu.memory_space<vmem>>, %arg4: memref<8x128x128xbf16, #tpu.memory_space<vmem>>, %arg5: memref<128x128xbf16, #tpu.memory_space<vmem>>, %arg6: memref<1x128xf32, #tpu.memory_space<vmem>>, %arg7: memref<1000x128xf32, #tpu.memory_space<vmem>>) attributes {dimension_semantics = [#tpu.dimension_semantics<arbitrary>], iteration_bounds = array<i64: 10>, scalar_prefetch = 0 : i64, scratch_operands = 0 : i64, tpu.core_type = #tpu.core_type<tc>, window_params = [{transform_indices = @transform_0, window_bounds = array<i64: 8, 1000, 128>}, {transform_indices = @transform_1, window_bounds = array<i64: 1000, 8>}, {transform_indices = @transform_2, window_bounds = array<i64: 1000, 128>}, {pipeline_mode = #tpu.pipeline_mode<synchronous>, transform_indices = @transform_3, window_bounds = array<i64: 8, 128, 128>}, {pipeline_mode = #tpu.pipeline_mode<synchronous>, transform_indices = @transform_4, window_bounds = array<i64: 128, 128>}, {pipeline_mode = #tpu.pipeline_mode<synchronous>, transform_indices = @transform_5, window_bounds = array<i64: 1, 128>}, {transform_indices = @transform_6, window_bounds = array<i64: 1000, 128>}]} {
    %get3A = arith.constant 0 : index
    %get3A_0 = arith.constant 0 : index
    %get3A_1 = vector.load %arg3[%get3A, %get3A_0] : memref<1000x128xbf16, #tpu.memory_space<vmem>>, vector<1000x128xbf16>
    %get3A_2 = arith.constant 0 : index
    %get3A_3 = arith.constant 0 : index
    %get3A_4 = vector.load %arg5[%get3A_2, %get3A_3] : memref<128x128xbf16, #tpu.memory_space<vmem>>, vector<128x128xbf16>
    %dot_general3A = arith.constant dense<0.000000e+00> : vector<1000x128xf32>
    %dot_general3A_5 = tpu.matmul %get3A_1, %get3A_4, %dot_general3A {dimension_numbers = #tpu.dot_dimension_numbers<[1], [0], [0], [1], [0, 0, 1, 1], [], []>, transpose_lhs_hint = false} : vector<1000x128xbf16>, vector<128x128xbf16>, vector<1000x128xf32> -> vector<1000x128xf32>
    %get3A_6 = arith.constant 0 : index
    %get3A_7 = arith.constant 0 : index
    %get3A_8 = vector.load %arg6[%get3A_6, %get3A_7] : memref<1x128xf32, #tpu.memory_space<vmem>>, vector<1x128xf32>
    %add3A = vector.broadcast %get3A_8 : vector<1x128xf32> to vector<1000x128xf32>
    %add3A_9 = arith.addf %dot_general3A_5, %add3A : vector<1000x128xf32>
    %get3A_10 = arith.constant 0 : index
    %get3A_11 = arith.constant 0 : index
    %get3A_12 = arith.constant 0 : index
    %get3A_13 = vector.load %arg1[%get3A_10, %get3A_11, %get3A_12] : memref<8x1000x128xbf16, #tpu.memory_space<vmem>>, vector<1x1000x128xbf16>
    %get3A_14 = vector.shape_cast %get3A_13 : vector<1x1000x128xbf16> to vector<1000x128xbf16>
    %convert_element_type3A = arith.extf %get3A_14 : vector<1000x128xbf16> to vector<1000x128xf32>
    %get3A_15 = arith.constant 0 : index
    %get3A_16 = arith.constant 0 : index
    %get3A_17 = vector.load %arg2[%get3A_15, %get3A_16] : memref<1000x8xf32, #tpu.memory_space<vmem>>, vector<1000x1xf32>
    %mul3A = vector.broadcast %get3A_17 : vector<1000x1xf32> to vector<1000x128xf32>
    %mul3A_18 = arith.mulf %convert_element_type3A, %mul3A : vector<1000x128xf32>
    %convert_element_type3A_19 = arith.truncf %mul3A_18 : vector<1000x128xf32> to vector<1000x128xbf16>
    %get3A_20 = arith.constant 0 : index
    %get3A_21 = arith.constant 0 : index
    %get3A_22 = arith.constant 0 : index
    %get3A_23 = vector.load %arg4[%get3A_20, %get3A_21, %get3A_22] : memref<8x128x128xbf16, #tpu.memory_space<vmem>>, vector<1x128x128xbf16>
    %get3A_24 = vector.shape_cast %get3A_23 : vector<1x128x128xbf16> to vector<128x128xbf16>
    %dot_general3A_25 = arith.constant dense<0.000000e+00> : vector<1000x128xf32>
    %dot_general3A_26 = tpu.matmul %convert_element_type3A_19, %get3A_24, %dot_general3A_25 {dimension_numbers = #tpu.dot_dimension_numbers<[1], [0], [0], [1], [0, 0, 1, 1], [], []>, transpose_lhs_hint = false} : vector<1000x128xbf16>, vector<128x128xbf16>, vector<1000x128xf32> -> vector<1000x128xf32>
    %add3A_27 = arith.addf %add3A_9, %dot_general3A_26 : vector<1000x128xf32>
    %get3A_28 = arith.constant 1 : index
    %get3A_29 = arith.constant 0 : index
    %get3A_30 = arith.constant 0 : index
    %get3A_31 = vector.load %arg1[%get3A_28, %get3A_29, %get3A_30] : memref<8x1000x128xbf16, #tpu.memory_space<vmem>>, vector<1x1000x128xbf16>
    %get3A_32 = vector.shape_cast %get3A_31 : vector<1x1000x128xbf16> to vector<1000x128xbf16>
    %convert_element_type3A_33 = arith.extf %get3A_32 : vector<1000x128xbf16> to vector<1000x128xf32>
    %get3A_34 = arith.constant 0 : index
    %get3A_35 = arith.constant 1 : index
    %get3A_36 = vector.load %arg2[%get3A_34, %get3A_35] : memref<1000x8xf32, #tpu.memory_space<vmem>>, vector<1000x1xf32>
    %mul3A_37 = vector.broadcast %get3A_36 : vector<1000x1xf32> to vector<1000x128xf32>
    %mul3A_38 = arith.mulf %convert_element_type3A_33, %mul3A_37 : vector<1000x128xf32>
    %convert_element_type3A_39 = arith.truncf %mul3A_38 : vector<1000x128xf32> to vector<1000x128xbf16>
    %get3A_40 = arith.constant 1 : index
    %get3A_41 = arith.constant 0 : index
    %get3A_42 = arith.constant 0 : index
    %get3A_43 = vector.load %arg4[%get3A_40, %get3A_41, %get3A_42] : memref<8x128x128xbf16, #tpu.memory_space<vmem>>, vector<1x128x128xbf16>
    %get3A_44 = vector.shape_cast %get3A_43 : vector<1x128x128xbf16> to vector<128x128xbf16>
    %dot_general3A_45 = arith.constant dense<0.000000e+00> : vector<1000x128xf32>
    %dot_general3A_46 = tpu.matmul %convert_element_type3A_39, %get3A_44, %dot_general3A_45 {dimension_numbers = #tpu.dot_dimension_numbers<[1], [0], [0], [1], [0, 0, 1, 1], [], []>, transpose_lhs_hint = false} : vector<1000x128xbf16>, vector<128x128xbf16>, vector<1000x128xf32> -> vector<1000x128xf32>
    %add3A_47 = arith.addf %add3A_27, %dot_general3A_46 : vector<1000x128xf32>
    %get3A_48 = arith.constant 2 : index
    %get3A_49 = arith.constant 0 : index
    %get3A_50 = arith.constant 0 : index
    %get3A_51 = vector.load %arg1[%get3A_48, %get3A_49, %get3A_50] : memref<8x1000x128xbf16, #tpu.memory_space<vmem>>, vector<1x1000x128xbf16>
    %get3A_52 = vector.shape_cast %get3A_51 : vector<1x1000x128xbf16> to vector<1000x128xbf16>
    %convert_element_type3A_53 = arith.extf %get3A_52 : vector<1000x128xbf16> to vector<1000x128xf32>
    %get3A_54 = arith.constant 0 : index
    %get3A_55 = arith.constant 2 : index
    %get3A_56 = vector.load %arg2[%get3A_54, %get3A_55] : memref<1000x8xf32, #tpu.memory_space<vmem>>, vector<1000x1xf32>
    %mul3A_57 = vector.broadcast %get3A_56 : vector<1000x1xf32> to vector<1000x128xf32>
    %mul3A_58 = arith.mulf %convert_element_type3A_53, %mul3A_57 : vector<1000x128xf32>
    %convert_element_type3A_59 = arith.truncf %mul3A_58 : vector<1000x128xf32> to vector<1000x128xbf16>
    %get3A_60 = arith.constant 2 : index
    %get3A_61 = arith.constant 0 : index
    %get3A_62 = arith.constant 0 : index
    %get3A_63 = vector.load %arg4[%get3A_60, %get3A_61, %get3A_62] : memref<8x128x128xbf16, #tpu.memory_space<vmem>>, vector<1x128x128xbf16>
    %get3A_64 = vector.shape_cast %get3A_63 : vector<1x128x128xbf16> to vector<128x128xbf16>
    %dot_general3A_65 = arith.constant dense<0.000000e+00> : vector<1000x128xf32>
    %dot_general3A_66 = tpu.matmul %convert_element_type3A_59, %get3A_64, %dot_general3A_65 {dimension_numbers = #tpu.dot_dimension_numbers<[1], [0], [0], [1], [0, 0, 1, 1], [], []>, transpose_lhs_hint = false} : vector<1000x128xbf16>, vector<128x128xbf16>, vector<1000x128xf32> -> vector<1000x128xf32>
    %add3A_67 = arith.addf %add3A_47, %dot_general3A_66 : vector<1000x128xf32>
    %get3A_68 = arith.constant 3 : index
    %get3A_69 = arith.constant 0 : index
    %get3A_70 = arith.constant 0 : index
    %get3A_71 = vector.load %arg1[%get3A_68, %get3A_69, %get3A_70] : memref<8x1000x128xbf16, #tpu.memory_space<vmem>>, vector<1x1000x128xbf16>
    %get3A_72 = vector.shape_cast %get3A_71 : vector<1x1000x128xbf16> to vector<1000x128xbf16>
    %convert_element_type3A_73 = arith.extf %get3A_72 : vector<1000x128xbf16> to vector<1000x128xf32>
    %get3A_74 = arith.constant 0 : index
    %get3A_75 = arith.constant 3 : index
    %get3A_76 = vector.load %arg2[%get3A_74, %get3A_75] : memref<1000x8xf32, #tpu.memory_space<vmem>>, vector<1000x1xf32>
    %mul3A_77 = vector.broadcast %get3A_76 : vector<1000x1xf32> to vector<1000x128xf32>
    %mul3A_78 = arith.mulf %convert_element_type3A_73, %mul3A_77 : vector<1000x128xf32>
    %convert_element_type3A_79 = arith.truncf %mul3A_78 : vector<1000x128xf32> to vector<1000x128xbf16>
    %get3A_80 = arith.constant 3 : index
    %get3A_81 = arith.constant 0 : index
    %get3A_82 = arith.constant 0 : index
    %get3A_83 = vector.load %arg4[%get3A_80, %get3A_81, %get3A_82] : memref<8x128x128xbf16, #tpu.memory_space<vmem>>, vector<1x128x128xbf16>
    %get3A_84 = vector.shape_cast %get3A_83 : vector<1x128x128xbf16> to vector<128x128xbf16>
    %dot_general3A_85 = arith.constant dense<0.000000e+00> : vector<1000x128xf32>
    %dot_general3A_86 = tpu.matmul %convert_element_type3A_79, %get3A_84, %dot_general3A_85 {dimension_numbers = #tpu.dot_dimension_numbers<[1], [0], [0], [1], [0, 0, 1, 1], [], []>, transpose_lhs_hint = false} : vector<1000x128xbf16>, vector<128x128xbf16>, vector<1000x128xf32> -> vector<1000x128xf32>
    %add3A_87 = arith.addf %add3A_67, %dot_general3A_86 : vector<1000x128xf32>
    %get3A_88 = arith.constant 4 : index
    %get3A_89 = arith.constant 0 : index
    %get3A_90 = arith.constant 0 : index
    %get3A_91 = vector.load %arg1[%get3A_88, %get3A_89, %get3A_90] : memref<8x1000x128xbf16, #tpu.memory_space<vmem>>, vector<1x1000x128xbf16>
    %get3A_92 = vector.shape_cast %get3A_91 : vector<1x1000x128xbf16> to vector<1000x128xbf16>
    %convert_element_type3A_93 = arith.extf %get3A_92 : vector<1000x128xbf16> to vector<1000x128xf32>
    %get3A_94 = arith.constant 0 : index
    %get3A_95 = arith.constant 4 : index
    %get3A_96 = vector.load %arg2[%get3A_94, %get3A_95] : memref<1000x8xf32, #tpu.memory_space<vmem>>, vector<1000x1xf32>
    %mul3A_97 = vector.broadcast %get3A_96 : vector<1000x1xf32> to vector<1000x128xf32>
    %mul3A_98 = arith.mulf %convert_element_type3A_93, %mul3A_97 : vector<1000x128xf32>
    %convert_element_type3A_99 = arith.truncf %mul3A_98 : vector<1000x128xf32> to vector<1000x128xbf16>
    %get3A_100 = arith.constant 4 : index
    %get3A_101 = arith.constant 0 : index
    %get3A_102 = arith.constant 0 : index
    %get3A_103 = vector.load %arg4[%get3A_100, %get3A_101, %get3A_102] : memref<8x128x128xbf16, #tpu.memory_space<vmem>>, vector<1x128x128xbf16>
    %get3A_104 = vector.shape_cast %get3A_103 : vector<1x128x128xbf16> to vector<128x128xbf16>
    %dot_general3A_105 = arith.constant dense<0.000000e+00> : vector<1000x128xf32>
    %dot_general3A_106 = tpu.matmul %convert_element_type3A_99, %get3A_104, %dot_general3A_105 {dimension_numbers = #tpu.dot_dimension_numbers<[1], [0], [0], [1], [0, 0, 1, 1], [], []>, transpose_lhs_hint = false} : vector<1000x128xbf16>, vector<128x128xbf16>, vector<1000x128xf32> -> vector<1000x128xf32>
    %add3A_107 = arith.addf %add3A_87, %dot_general3A_106 : vector<1000x128xf32>
    %get3A_108 = arith.constant 5 : index
    %get3A_109 = arith.constant 0 : index
    %get3A_110 = arith.constant 0 : index
    %get3A_111 = vector.load %arg1[%get3A_108, %get3A_109, %get3A_110] : memref<8x1000x128xbf16, #tpu.memory_space<vmem>>, vector<1x1000x128xbf16>
    %get3A_112 = vector.shape_cast %get3A_111 : vector<1x1000x128xbf16> to vector<1000x128xbf16>
    %convert_element_type3A_113 = arith.extf %get3A_112 : vector<1000x128xbf16> to vector<1000x128xf32>
    %get3A_114 = arith.constant 0 : index
    %get3A_115 = arith.constant 5 : index
    %get3A_116 = vector.load %arg2[%get3A_114, %get3A_115] : memref<1000x8xf32, #tpu.memory_space<vmem>>, vector<1000x1xf32>
    %mul3A_117 = vector.broadcast %get3A_116 : vector<1000x1xf32> to vector<1000x128xf32>
    %mul3A_118 = arith.mulf %convert_element_type3A_113, %mul3A_117 : vector<1000x128xf32>
    %convert_element_type3A_119 = arith.truncf %mul3A_118 : vector<1000x128xf32> to vector<1000x128xbf16>
    %get3A_120 = arith.constant 5 : index
    %get3A_121 = arith.constant 0 : index
    %get3A_122 = arith.constant 0 : index
    %get3A_123 = vector.load %arg4[%get3A_120, %get3A_121, %get3A_122] : memref<8x128x128xbf16, #tpu.memory_space<vmem>>, vector<1x128x128xbf16>
    %get3A_124 = vector.shape_cast %get3A_123 : vector<1x128x128xbf16> to vector<128x128xbf16>
    %dot_general3A_125 = arith.constant dense<0.000000e+00> : vector<1000x128xf32>
    %dot_general3A_126 = tpu.matmul %convert_element_type3A_119, %get3A_124, %dot_general3A_125 {dimension_numbers = #tpu.dot_dimension_numbers<[1], [0], [0], [1], [0, 0, 1, 1], [], []>, transpose_lhs_hint = false} : vector<1000x128xbf16>, vector<128x128xbf16>, vector<1000x128xf32> -> vector<1000x128xf32>
    %add3A_127 = arith.addf %add3A_107, %dot_general3A_126 : vector<1000x128xf32>
    %get3A_128 = arith.constant 6 : index
    %get3A_129 = arith.constant 0 : index
    %get3A_130 = arith.constant 0 : index
    %get3A_131 = vector.load %arg1[%get3A_128, %get3A_129, %get3A_130] : memref<8x1000x128xbf16, #tpu.memory_space<vmem>>, vector<1x1000x128xbf16>
    %get3A_132 = vector.shape_cast %get3A_131 : vector<1x1000x128xbf16> to vector<1000x128xbf16>
    %convert_element_type3A_133 = arith.extf %get3A_132 : vector<1000x128xbf16> to vector<1000x128xf32>
    %get3A_134 = arith.constant 0 : index
    %get3A_135 = arith.constant 6 : index
    %get3A_136 = vector.load %arg2[%get3A_134, %get3A_135] : memref<1000x8xf32, #tpu.memory_space<vmem>>, vector<1000x1xf32>
    %mul3A_137 = vector.broadcast %get3A_136 : vector<1000x1xf32> to vector<1000x128xf32>
    %mul3A_138 = arith.mulf %convert_element_type3A_133, %mul3A_137 : vector<1000x128xf32>
    %convert_element_type3A_139 = arith.truncf %mul3A_138 : vector<1000x128xf32> to vector<1000x128xbf16>
    %get3A_140 = arith.constant 6 : index
    %get3A_141 = arith.constant 0 : index
    %get3A_142 = arith.constant 0 : index
    %get3A_143 = vector.load %arg4[%get3A_140, %get3A_141, %get3A_142] : memref<8x128x128xbf16, #tpu.memory_space<vmem>>, vector<1x128x128xbf16>
    %get3A_144 = vector.shape_cast %get3A_143 : vector<1x128x128xbf16> to vector<128x128xbf16>
    %dot_general3A_145 = arith.constant dense<0.000000e+00> : vector<1000x128xf32>
    %dot_general3A_146 = tpu.matmul %convert_element_type3A_139, %get3A_144, %dot_general3A_145 {dimension_numbers = #tpu.dot_dimension_numbers<[1], [0], [0], [1], [0, 0, 1, 1], [], []>, transpose_lhs_hint = false} : vector<1000x128xbf16>, vector<128x128xbf16>, vector<1000x128xf32> -> vector<1000x128xf32>
    %add3A_147 = arith.addf %add3A_127, %dot_general3A_146 : vector<1000x128xf32>
    %get3A_148 = arith.constant 7 : index
    %get3A_149 = arith.constant 0 : index
    %get3A_150 = arith.constant 0 : index
    %get3A_151 = vector.load %arg1[%get3A_148, %get3A_149, %get3A_150] : memref<8x1000x128xbf16, #tpu.memory_space<vmem>>, vector<1x1000x128xbf16>
    %get3A_152 = vector.shape_cast %get3A_151 : vector<1x1000x128xbf16> to vector<1000x128xbf16>
    %convert_element_type3A_153 = arith.extf %get3A_152 : vector<1000x128xbf16> to vector<1000x128xf32>
    %get3A_154 = arith.constant 0 : index
    %get3A_155 = arith.constant 7 : index
    %get3A_156 = vector.load %arg2[%get3A_154, %get3A_155] : memref<1000x8xf32, #tpu.memory_space<vmem>>, vector<1000x1xf32>
    %mul3A_157 = vector.broadcast %get3A_156 : vector<1000x1xf32> to vector<1000x128xf32>
    %mul3A_158 = arith.mulf %convert_element_type3A_153, %mul3A_157 : vector<1000x128xf32>
    %convert_element_type3A_159 = arith.truncf %mul3A_158 : vector<1000x128xf32> to vector<1000x128xbf16>
    %get3A_160 = arith.constant 7 : index
    %get3A_161 = arith.constant 0 : index
    %get3A_162 = arith.constant 0 : index
    %get3A_163 = vector.load %arg4[%get3A_160, %get3A_161, %get3A_162] : memref<8x128x128xbf16, #tpu.memory_space<vmem>>, vector<1x128x128xbf16>
    %get3A_164 = vector.shape_cast %get3A_163 : vector<1x128x128xbf16> to vector<128x128xbf16>
    %dot_general3A_165 = arith.constant dense<0.000000e+00> : vector<1000x128xf32>
    %dot_general3A_166 = tpu.matmul %convert_element_type3A_159, %get3A_164, %dot_general3A_165 {dimension_numbers = #tpu.dot_dimension_numbers<[1], [0], [0], [1], [0, 0, 1, 1], [], []>, transpose_lhs_hint = false} : vector<1000x128xbf16>, vector<128x128xbf16>, vector<1000x128xf32> -> vector<1000x128xf32>
    %add3A_167 = arith.addf %add3A_147, %dot_general3A_166 : vector<1000x128xf32>
    %swap3A = arith.constant 0 : index
    %swap3A_168 = arith.constant 0 : index
    %swap3A_169 = vector.load %arg7[%swap3A, %swap3A_168] : memref<1000x128xf32, #tpu.memory_space<vmem>>, vector<1000x128xf32>
    tpu.vector_store %arg7[%swap3A, %swap3A_168], %add3A_167 {strides = array<i32>} : memref<1000x128xf32, #tpu.memory_space<vmem>>, vector<1000x128xf32>,
    return
  }
  func.func @transform_0(%arg0: i32) -> (i32, i32, i32) {
    %c0_i32 = arith.constant 0 : i32
    %c0_i32_0 = arith.constant 0 : i32
    %c0_i32_1 = arith.constant 0 : i32
    return %c0_i32, %arg0, %c0_i32_0 : i32, i32, i32
  }
  func.func @transform_1(%arg0: i32) -> (i32, i32) {
    %c0_i32 = arith.constant 0 : i32
    %c0_i32_0 = arith.constant 0 : i32
    return %arg0, %c0_i32 : i32, i32
  }
  func.func @transform_2(%arg0: i32) -> (i32, i32) {
    %c0_i32 = arith.constant 0 : i32
    %c0_i32_0 = arith.constant 0 : i32
    return %arg0, %c0_i32 : i32, i32
  }
  func.func @transform_3(%arg0: i32) -> (i32, i32, i32) {
    %c0_i32 = arith.constant 0 : i32
    %c0_i32_0 = arith.constant 0 : i32
    %c0_i32_1 = arith.constant 0 : i32
    %c0_i32_2 = arith.constant 0 : i32
    return %c0_i32, %c0_i32_0, %c0_i32_1 : i32, i32, i32
  }
  func.func @transform_4(%arg0: i32) -> (i32, i32) {
    %c0_i32 = arith.constant 0 : i32
    %c0_i32_0 = arith.constant 0 : i32
    %c0_i32_1 = arith.constant 0 : i32
    return %c0_i32, %c0_i32_0 : i32, i32
  }
  func.func @transform_5(%arg0: i32) -> (i32, i32) {
    %c0_i32 = arith.constant 0 : i32
    %c0_i32_0 = arith.constant 0 : i32
    %c0_i32_1 = arith.constant 0 : i32
    return %c0_i32, %c0_i32_0 : i32, i32
  }
  func.func @transform_6(%arg0: i32) -> (i32, i32) {
    %c0_i32 = arith.constant 0 : i32
    %c0_i32_0 = arith.constant 0 : i32
    return %arg0, %c0_i32 : i32, i32
  }
}

</mosaic_0001>

<sc_bundles>
// kernel: kernel.12.cloned.1.call-start
scs
__scs_entry_jumppad:
0x0: {  	(pc) =	sbr.rel $0x88, $3  }
0x1: {  	(tag) =	ssettag $0x0;
	lr =	simm.s32 $0x1  }
0x2: {  	[smem:$0x3F95] =	sst lr;
	_ =	strace $0xD0000000  }
0x3: {  	_ = 	snop  }
0x4: {  	_ = 	snop  }
0x5: {  	_ = 	snop  }
0x6: {  	_ = 	snop  }
0x7: {  	_ = 	snop  }
__scs_overlays_trampoline_lowered:
0x8: {  	[smem:$0x3FA4] =	sst s0  }
0x9: {  	[smem:$0x3FA5] =	sst s1  }
0xa: {  	[smem:$0x3FA6] =	sst s2  }
0xb: {  	[smem:$0x3FA7] =	sst s3  }
0xc: {  	[smem:$0x3FA8] =	sst s4  }
0xd: {  	[smem:$0x3FA9] =	sst s5  }
0xe: {  	[smem:$0x3FAA] =	sst s6  }
0xf: {  	[smem:$0x3FAB] =	sst s7  }
0x10: {  	[smem:$0x3FAC] =	sst s8  }
0x11: {  	[smem:$0x3FAD] =	sst s9;
	s0 =	simm.s32 @!p0 $0x0  }
0x12: {  	s1 =	sld [smem:$0x3F93];
	s0 =	simm.s32 @p0 $0x1  }
0x13: {  	[smem:$0x3FAE] =	sst s0;
	s0 =	simm.s32 @!p1 $0x0  }
0x14: {  	s2 =	sld [smem:$0x3F92];
	s0 =	simm.s32 @p1 $0x1  }
0x15: {  	[smem:$0x3FAF] =	sst s0;
	s0 =	simm.s32 @!p2 $0x0  }
0x16: {  	s3 =	sld [smem:$0x3FDB];
	s0 =	simm.s32 @p2 $0x1  }
0x17: {  	s4 =	simm.s32 $0x1BF5;
	[smem:$0x3FB1] =	sst s0  }
0x18: {  	s0 =	sld [smem:$0x3F94];
	_ =	swait.ge [sflag:s4], $0x0  }
0x19: {  	s7 =	sld [smem:$0x3F95]  }
0x1a: {  	s8 =	sadd.s32 $0xFFFFE003, lr  }
0x1b: {  	s9 =	sadd.s32 $0xFFFFFEF7, lr;
	s5 =	simm.s32 $0xFFFFFFFF;
	p2 =	slt.u32 s8, $0xFFFFF086  }
0x1c: {  	p1 =	slt.u32 s9, $0xF7A;
	s5 =	simm.s32 @!p2 $0x0  }
0x1d: {  	s5 =	simm.s32 @p1 $0x1;
	p0 =	seq.s32 s7, s2  }
0x1e: {  	s7 =	smul.u32 @!p0 $0xF7A, s2;
	p2 =	seq.s32 @!p0 s5, $0x0  }
0x1f: {  	s9 =	smul.u32 $0xF7A, s1;
	s8 =	simm.s32 @!p0 $0x1BF5;
	p2 =	por !p2, p0  }
0x20: {  	[sflag:s8] =	ssyncset.s32 @!p0 $0xFFFFF086;
	s6 =	sadd.s32 @!p0 s3, s7;
	s7 =	simm.s32 @!p0 $0x108  }
0x21: {  	s3 =	sadd.s32 s3, s9;
	s6 =	sadd.s32 @!p0 $0x88, s6;
	s7 =	simm.s32 @p2 $0x1082  }
0x22: {  	[simem:s7], [sflag:s8] =	dma.local @!p0 [hbm:s6], $0xF7A  }
0x23: {  	s9 =	sor.u32 $0xD0000000, s2;
	s6 =	simm.s32 $0x108;
	_ =	swait.ge @!p0 [sflag:s8], $0x0  }
0x24: {  	s3 =	sadd.s32 $0x88, s3;
	s6 =	simm.s32 @!p1 $0x1082;
	[sflag:s4] =	ssyncset.s32 $0xFFFFF086  }
0x25: {  	[simem:s6], [sflag:s4] =	dma.local [hbm:s3], $0xF7A  }
0x26: {  	[smem:$0x3F95] =	sst s1;
	(tag) =	ssettag s2;
	_ =	strace s9  }
0x27: {  	s1 =	sld [smem:$0x3FA5]  }
0x28: {  	s2 =	sld [smem:$0x3FA6]  }
0x29: {  	s4 =	sld [smem:$0x3FA8]  }
0x2a: {  	p0 =	seq.s32 s5, $0x0;
	s5 =	sld [smem:$0x3FA9]  }
0x2b: {  	s6 =	sld [smem:$0x3FAA]  }
0x2c: {  	s7 =	sld [smem:$0x3FAB]  }
0x2d: {  	s3 =	simm.s32 $0x108;
	s8 =	sld [smem:$0x3FAC]  }
0x2e: {  	s3 =	simm.s32 @!p0 $0x1082;
	s9 =	sld [smem:$0x3FAD]  }
0x2f: {  	lr =	sadd.s32 s0, s3;
	s0 =	sld [smem:$0x3FA4]  }
0x30: {  	s3 =	sld [smem:$0x3FA7]  }
0x31: {  	[smem:$0x3FB0] =	sst s10  }
0x32: {  	s10 =	sld [smem:$0x3FAE];
	_ =	sdelay $0x3  }
0x33: {  	p0 =	seq.s32 s10, $0x1;
	s10 =	sld [smem:$0x3FB0];
	_ =	sdelay $0x3  }
0x34: {  	[smem:$0x3FB0] =	sst s10  }
0x35: {  	s10 =	sld [smem:$0x3FAF];
	_ =	sdelay $0x3  }
0x36: {  	p1 =	seq.s32 s10, $0x1;
	s10 =	sld [smem:$0x3FB0];
	_ =	sdelay $0x3  }
0x37: {  	[smem:$0x3FB0] =	sst s10  }
0x38: {  	s10 =	sld [smem:$0x3FB1]  }
0x39: {  	_ = 	snop;
	(pc) =	sbr.ind lr, $3  }
0x3a: {  	_ = 	snop  }
0x3b: {  	_ = 	snop  }
0x3c: {  	p2 =	seq.s32 s10, $0x1;
	s10 =	sld [smem:$0x3FB0]  }
0x3d: {  	_ =	shalt  }
0x3e: {  	_ =	shalt  }
0x3f: {  	_ =	shalt  }
0x40: {  	_ =	shalt  }
0x41: {  	_ =	shalt  }
0x42: {  	_ =	shalt  }
0x43: {  	_ =	shalt  }
0x44: {  	_ =	shalt  }
0x45: {  	_ =	shalt  }
0x46: {  	_ =	shalt  }
0x47: {  	_ =	shalt  }
0x48: {  	_ =	shalt  }
0x49: {  	_ =	shalt  }
0x4a: {  	_ =	shalt  }
0x4b: {  	_ =	shalt  }
0x4c: {  	_ =	shalt  }
0x4d: {  	_ =	shalt  }
0x4e: {  	_ =	shalt  }
0x4f: {  	_ =	shalt  }
0x50: {  	_ =	shalt  }
0x51: {  	_ =	shalt  }
0x52: {  	_ =	shalt  }
0x53: {  	_ =	shalt  }
0x54: {  	_ =	shalt  }
0x55: {  	_ =	shalt  }
0x56: {  	_ =	shalt  }
0x57: {  	_ =	shalt  }
0x58: {  	_ =	shalt  }
0x59: {  	_ =	shalt  }
0x5a: {  	_ =	shalt  }
0x5b: {  	_ =	shalt  }
0x5c: {  	_ =	shalt  }
0x5d: {  	_ =	shalt  }
0x5e: {  	_ =	shalt  }
0x5f: {  	_ =	shalt  }
0x60: {  	_ =	shalt  }
0x61: {  	_ =	shalt  }
0x62: {  	_ =	shalt  }
0x63: {  	_ =	shalt  }
0x64: {  	_ =	shalt  }
0x65: {  	_ =	shalt  }
0x66: {  	_ =	shalt  }
0x67: {  	_ =	shalt  }
0x68: {  	_ =	shalt  }
0x69: {  	_ =	shalt  }
0x6a: {  	_ =	shalt  }
0x6b: {  	_ =	shalt  }
0x6c: {  	_ =	shalt  }
0x6d: {  	_ =	shalt  }
0x6e: {  	_ =	shalt  }
0x6f: {  	_ =	shalt  }
0x70: {  	_ =	shalt  }
0x71: {  	_ =	shalt  }
0x72: {  	_ =	shalt  }
0x73: {  	_ =	shalt  }
0x74: {  	_ =	shalt  }
0x75: {  	_ =	shalt  }
0x76: {  	_ =	shalt  }
0x77: {  	_ =	shalt  }
0x78: {  	_ =	shalt  }
0x79: {  	_ =	shalt  }
0x7a: {  	_ =	shalt  }
0x7b: {  	_ =	shalt  }
0x7c: {  	_ =	shalt  }
0x7d: {  	_ =	shalt  }
0x7e: {  	_ =	shalt  }
0x7f: {  	_ =	shalt  }
0x80: {  	_ =	shalt  }
0x81: {  	_ =	shalt  }
0x82: {  	_ =	shalt  }
0x83: {  	_ =	shalt  }
0x84: {  	_ =	shalt  }
0x85: {  	_ =	shalt  }
0x86: {  	_ =	shalt  }
0x87: {  	_ =	shalt  }
.Lfunc_end0:
.L_simem_size_0:
called_computation.1_lowered:
.L_overlay_start_0:
0x88: {  	s2 =	sld [smem:$0x3FD9]  }
0x89: {  	s3 =	sld [smem:$0x3FFE];
	_ =	sdelay $0x1  }
0x8a: {  	s1 =	srdreg.scid  }
0x8b: {  	s0 =	sand.u32 $0x1, s1  }
0x8c: {  	s17 =	sshll.u32 s0, $0xA;
	s2 =	sadd.s32 s3, s2  }
0x8d: {  	s2 =	sadd.s32 s2, s17  }
0x8e: {  	[smem:$0x3FBC] =	sst s2  }
0x8f: {  	_ = 	snop  }
0x90: {  	s2 =	sld [smem:$0x3FD0];
	(tm) =	ssettm $0x1  }
0x91: {  	s18 =	sld [smem:$0x3FFB];
	_ =	sdelay $0x3  }
0x92: {  	_ =	strace s18  }
0x93: {  	s3 =	sld [smem:$0x3FFC];
	_ =	sdelay $0x3  }
0x94: {  	_ =	strace s3  }
0x95: {  	s3 =	sld [smem:$0x3FFD];
	_ =	sdelay $0x3  }
0x96: {  	_ =	strace s3  }
0x97: {  	_ =	strace $0x8FFFFFFF  }
0x98: {  	s19 =	sld [smem:$0x3FDB];
	_ =	sdelay $0x1  }
0x99: {  	s4 =	simm.s32 $_scs_section_size  }
0x9a: {  	s5 =	simm.s32 $_size__tile_overlayer_lowered;
	s6 =	simm.s32 $_tile_overlayer_lowered  }
0x9b: {  	s22 =	simm.s32 $0x1BFF;
	s21 =	sshll.u32 s6, $0x1;
	s3 =	sadd.s32 s4, s19  }
0x9c: {  	s7 =	simm.s32 $0x0;
	s20 =	sshll.u32 s5, $0x1;
	s5 =	sadd.s32 s21, s3  }
0x9d: {  	[timem:s7], [sflag:s22] =	dma.local [hbm:s5], s20  }
0x9e: {  	_ =	swait.ge [sflag:s22], s20  }
0x9f: {  	s4 =	ssub.s32 $0x0, s20;
	[sflag:s22] =	ssyncset.done $0x0  }
0xa0: {  	[sflag:s22] =	ssyncadd.s32 s4;
	_ =	sdelay $0x1  }
0xa1: {  	s23 =	simm.s32 $0x1B8B  }
0xa2: {  	_ =	swait.ge [sflag:s23], $0x1  }
0xa3: {  	[sflag:s23] =	ssyncset.done $0x0  }
0xa4: {  	s25 =	simm.s32 $0x1B8E;
	s24 =	sld [smem:$0x3FFE];
	[sflag:s23] =	ssyncadd.s32 $0xFFFFFFFF  }
0xa5: {  	s26 =	simm.s32 $execute0_lowered;
	[smem:$0x3FD2] =	sst s25  }
0xa6: {  	s5 =	sshll.u32 s26, $0x1;
	_ =	strace $0x80000046;
	[dreg:$0x1] =	wrdreg $0xFFFFFFFF  }
0xa7: {  	s28 =	simm.s32 $_size_execute0_lowered;
	s3 =	sadd.s32 s3, s5;
	[dreg:$0x0] =	wrdreg $0x0  }
0xa8: {  	s5 =	sshll.u32 s28, $0x1;
	[dreg:$0x2] =	wrdreg s3  }
0xa9: {  	[dreg:$0x3] =	wrdreg s5  }
0xaa: {  	[dreg:$0x4] =	wrdreg $0xC0  }
0xab: {  	_ =	task [dreg:s7], $0x5FFFF  }
0xac: {  	[dreg:$0x1] =	wrdreg $0xFFFFFFFF  }
0xad: {  	[dreg:$0x0] =	wrdreg $0x60  }
0xae: {  	[dreg:$0x2] =	wrdreg s2  }
0xaf: {  	[dreg:$0x3] =	wrdreg s24  }
0xb0: {  	[dreg:$0x4] =	wrdreg $0x0  }
0xb1: {  	[dreg:$0x5] =	wrdreg $0xA  }
0xb2: {  	_ =	task.clear_ibuf [dreg:s7], $0x6FFFF;
	_ =	strace $0x90000046  }
0xb3: {  	s29 =	simm.s32 $0xA;
	_ =	strace $0x80000048  }
0xb4: {  	_ =	swait.ge [sflag:s29], $0x1  }
0xb5: {  	[sflag:s29] =	ssyncadd.s32 $0xFFFFFFFF  }
0xb6: {  	_ =	strace $0x90000048  }
0xb7: {  	_ =	sfence  }
0xb8: {  	s30 =	sld [smem:$0x0];
	_ =	sdelay $0x2  }
0xb9: {  	s31 =	sshll.u32 s1, $0xD;
	s1 =	sshrl.u32 s1, $0x2  }
0xba: {  	s3 =	sand.u32 $0x4000, s31;
	s1 =	sadd.s32 s1, s30  }
0xbb: {  	s0 =	sor.u32 s3, s0;
	s1 =	sshll.u32 s1, $0x11  }
0xbc: {  	s0 =	sor.u32 s1, s0  }
0xbd: {  	s0 =	sadd.s32 $0x8F2B, s0  }
0xbe: {  	[sflag:s0] =	ssyncadd.remote.s32 $0x1  }
0xbf: {  	_ =	sfence.sel $0xFFFF  }
0xc0: {  	[dreg:$0x0] =	wrdreg $0xFFFFFFFF;
	(pc) =	sbr.abs _section_cstart, $3  }
0xc1: {  	[dreg:$0x1] =	wrdreg $0xFFFFFFFF  }
0xc2: {  	_ =	task.clear_ibuf [dreg:s7], $0x2FFFF;
	_ =	strace $0x9FFFFFFF  }
0xc3: {  	(tm) =	ssettm $0x7FFFFFFF  }
tec
execute0_lowered:
.L_overlay_start_1:
0x0: {  	(tag) =	ssettag $0x1  }
0x1: {  	s1 =	rddreg [dreg:$0x0]  }
0x2: {  	s0 =	rddreg [dreg:$0x1]  }
0x3: {  	s2 =	rddreg [dreg:$0x2]  }
0x4: {  	s3 =	simm.s32 $0x0;
	s5 =	srdreg.scid;
	s13 =	stileid.u32  }
0x5: {  	s29 =	simm.s32 $0x5;
	s30 =	simm.s32 $0x13C00;
	s31 =	simm.s32 $0x14400  }
0x6: {  	[smem:$0x7FF] =	sst s3;
	s4 =	sadd.s32 $0x1C00, s0;
	s5 =	sand.u32 $0x1, s5  }
0x7: {  	s7 =	sadd.s32 $0x2A600, s0;
	s6 =	sadd.s32 $0x29C00, s0;
	s14 =	smul.u32 $0x5000, s13  }
0x8: {  	s0 =	sadd.s32 $0x34600, s0;
	s19 =	sshll.u32 s13, $0x6;
	s12 =	smul.u32 $0x4E200, s13  }
0x9: {  	s20 =	sshrl.u32 s13, $0x1;
	s11 =	sand.u32 $0x1, s13;
	s22 =	smul.u32 $0x4F000, s13  }
0xa: {  	_ =	strace $0x80000047;
	s8 =	ssub.s32 $0x2, s5;
	[dreg:$0x4] =	wrdreg s0  }
0xb: {  	s9 =	sshll.u32 s5, $0x1;
	s10 =	sor.u32 $0x1C05, s19;
	p0 =	seq.s32 s11, $0x1  }
0xc: {  	s11 =	simm.s32 $0x9C400;
	s18 =	sshrl.u32 s8, $0x1;
	[dreg:$0x6] =	wrdreg s9  }
0xd: {  	s21 =	sshrl.u32 s14, $0x3;
	s11 =	simm.s32 @!p0 $0x0;
	s15 =	sor.u32 $0x800, s14  }
0xe: {  	s23 =	sshrl.u32 s12, $0x2;
	s24 =	sor.u32 $0x400, s14;
	s17 =	sadd.s32 $0x4C00, s14  }
0xf: {  	[dreg:$0x5] =	wrdreg s14;
	s12 =	simm.s32 $0x2;
	s0 =	ssub.s32 s8, s18  }
0x10: {  	s8 =	smul.u32 $0x138800, s20;
	s9 =	sadd.s32 s7, s21;
	[dreg:$0xa] =	wrdreg s24  }
0x11: {  	s26 =	sshrl.u32 s24, $0x3;
	[dreg:$0x8] =	wrdreg s15;
	s16 =	sshrl.u32 s15, $0x3  }
0x12: {  	s18 =	smul.u32 $0xA00, s13;
	[dreg:$0xd] =	wrdreg s17;
	s19 =	sshrl.u32 s17, $0x3  }
0x13: {  	s15 =	simm.s32 $0x14000;
	s13 =	simm.s32 $0x4;
	[dreg:$0x7] =	wrdreg s9  }
0x14: {  	s9 =	sshrl.u32 s22, $0x2;
	s0 =	smax.u32 s0, $0x1;
	s8 =	sadd.s32 s11, s8  }
0x15: {  	[dreg:$0xb] =	wrdreg s0;
	s25 =	sadd.s32 s9, s2;
	s0 =	sadd.s32 s7, s26  }
0x16: {  	s11 =	smul.u32 $0xA0000, s5;
	s5 =	sadd.s32 s7, s16;
	[dreg:$0x9] =	wrdreg s8  }
0x17: {  	s21 =	sadd.s32 s18, s7;
	s16 =	simm.s32 $0x0;
	[dreg:$0xc] =	wrdreg s0  }
0x18: {  	s8 =	sadd.s32 s23, s2;
	s9 =	sadd.s32 $0x4F00, s25;
	[dreg:$0xe] =	wrdreg s5  }
0x19: {  	s5 =	sadd.s32 s7, s19;
	s22 =	sadd.s32 $0x9E00, s25;
	s24 =	smov.u32 s25  }
0x1a: {  	s23 =	sadd.s32 $0xED00, s25;
	s7 =	simm.s32 $0x14800;
	s0 =	sadd.s32 s14, s11  }
0x1b: {  	[dreg:$0xf] =	wrdreg s5;
	s26 =	sshrl.u32 s9, $0x3;
	s25 =	sshrl.u32 s22, $0x3  }
0x1c: {  	s28 =	sshrl.u32 s8, $0x3;
	s5 =	simm.s32 $0x14C00;
	s9 =	simm.s32 $0x18C00  }
0x1d: {  	s8 =	simm.s32 $0x1;
	s20 =	sadd.s32 $0x1000, s0;
	[dreg:$0x12] =	wrdreg s26  }
0x1e: {  	s11 =	simm.s32 $0x3;
	s0 =	sor.u32 $0xC00, s0;
	[dreg:$0x10] =	wrdreg s20  }
0x1f: {  	s26 =	sshrl.u32 s23, $0x3;
	[dreg:$0x11] =	wrdreg s0;
	s0 =	simm.s32 $0x400  }
.LBB2_1:
0x20: {  	[dreg:$0x13] =	wrdreg s16;
	p1 =	por $0x1, $0x1;
	s17 =	simm.s32 $0x0  }
.LBB2_2:
0x21: {  	s14 =	sshrl.u32 s24, $0x3  }
0x22: {  	[spmem:s14], [sflag:s10] =	dma.local [hbm:s6], $0x9E0  }
0x23: {  	_ =	swait.ge [sflag:s29], $0x9E0  }
0x24: {  	[sflag:s29] =	ssyncset.done $0x0  }
0x25: {  	s18 =	rddreg [dreg:$0x12];
	[sflag:s29] =	ssyncadd.s32 $0xFFFFF620  }
0x26: {  	[spmem:s18], [sflag:s10] =	dma.local [hbm:s6], $0x9E0  }
0x27: {  	_ =	swait.ge [sflag:s29], $0x9E0  }
0x28: {  	[sflag:s29] =	ssyncset.done $0x0  }
0x29: {  	[sflag:s29] =	ssyncadd.s32 $0xFFFFF620  }
0x2a: {  	[spmem:s25], [sflag:s10] =	dma.local [hbm:s6], $0x9E0  }
0x2b: {  	_ =	swait.ge [sflag:s29], $0x9E0  }
0x2c: {  	[sflag:s29] =	ssyncset.done $0x0  }
0x2d: {  	[sflag:s29] =	ssyncadd.s32 $0xFFFFF620  }
0x2e: {  	[spmem:s26], [sflag:s10] =	dma.local [hbm:s6], $0x9E0  }
0x2f: {  	s19 =	rddreg [dreg:$0x6]  }
0x30: {  	s14 =	sor.u32 s19, s17  }
0x31: {  	_ =	swait.ge [sflag:s29], $0x9E0;
	s16 =	smul.u32 $0x50000, s14  }
0x32: {  	s18 =	rddreg [dreg:$0x5]  }
0x33: {  	[sflag:s29] =	ssyncset.done $0x0;
	s18 =	sadd.s32 s18, s16  }
0x34: {  	[sflag:s29] =	ssyncadd.s32 $0xFFFFF620;
	s18 =	sshrl.u32 s18, $0x3  }
0x35: {  	s19 =	simm.s32 $0x0;
	[bflag:$0x0] =	sbarrier.arrive $0xFFFF;
	s18 =	sadd.s32 s4, s18  }
0x36: {  	[tilespmem:s30], [sflag:$0x5] =	stream.linear.gather [hbm4b:s18+s19], $0x400, $0x38;
	[tilespmem:$0x1CC00] =	vst v63  }
0x37: {  	_ =	swait.ge [sflag:s29], $0x400  }
0x38: {  	[sflag:s29] =	ssyncset.done $0x0  }
0x39: {  	s20 =	rddreg [dreg:$0x7];
	[sflag:s29] =	ssyncadd.s32 $0xFFFFFC00  }
0x3a: {  	[tilespmem:s31], [sflag:$0x5] =	stream.linear.gather [hbm4b:s20+s19], $0x400, $0x38;
	[tilespmem:$0x1CC00] =	vst v63  }
0x3b: {  	_ =	swait.ge [sflag:s29], $0x400  }
0x3c: {  	[sflag:s29] =	ssyncset.done $0x0;
	s22 =	rddreg [dreg:$0xa]  }
0x3d: {  	[sflag:s29] =	ssyncadd.s32 $0xFFFFFC00;
	s18 =	sadd.s32 s16, s22  }
0x3e: {  	[tilespmem:s5], [sflag:$0x1] =	stream.indirect.gather [hbm4b:s1+s0], $0x10, s30, s0, $0xb8;
	[tilespmem:$0x1CC00] =	vst v63  }
0x3f: {  	s18 =	sshrl.u32 s18, $0x3  }
0x40: {  	s18 =	sadd.s32 s4, s18  }
0x41: {  	[tilespmem:s15], [sflag:$0x5] =	stream.linear.gather [hbm4b:s18+s19], $0x400, $0x38;
	[tilespmem:$0x1CC00] =	vst v63  }
0x42: {  	_ =	swait.ge [sflag:s29], $0x400  }
0x43: {  	[sflag:s29] =	ssyncset.done $0x0  }
0x44: {  	s23 =	rddreg [dreg:$0xc];
	[sflag:s29] =	ssyncadd.s32 $0xFFFFFC00  }
0x45: {  	[tilespmem:s7], [sflag:$0x5] =	stream.linear.gather [hbm4b:s23+s19], $0x400, $0x38;
	[tilespmem:$0x1CC00] =	vst v63  }
0x46: {  	_ =	swait.ge [sflag:s29], $0x400  }
0x47: {  	[sflag:s29] =	ssyncset.done $0x0  }
0x48: {  	[sflag:s29] =	ssyncadd.s32 $0xFFFFFC00  }
0x49: {  	[tilespmem:s9], [sflag:$0x2] =	stream.indirect.gather [hbm4b:s1+s0], $0x10, s15, s0, $0xb8;
	[tilespmem:$0x1CC00] =	vst v63  }
0x4a: {  	_ =	swait.ge [sflag:s8], $0x4000  }
0x4b: {  	[sflag:s8] =	ssyncset.done $0x0  }
0x4c: {  	[sflag:s8] =	ssyncadd.s32 $0xFFFFC000  }
0x4d: {  	[spmem:s2] =	stream.indirect.scatter.add.bf16 [tilespmem:s5], [sflag:$0x3], $0x10, s31, s0, $0xb8;
	[tilespmem:$0x1CC00] =	vst v63  }
0x4e: {  	_ =	swait.ge [sflag:s11], $0x4000  }
0x4f: {  	s20 =	rddreg [dreg:$0x8]  }
0x50: {  	s18 =	sadd.s32 s16, s20  }
0x51: {  	[sflag:s11] =	ssyncset.done $0x0;
	s18 =	sshrl.u32 s18, $0x3  }
0x52: {  	[sflag:s11] =	ssyncadd.s32 $0xFFFFC000;
	s18 =	sadd.s32 s4, s18  }
0x53: {  	[tilespmem:s30], [sflag:$0x5] =	stream.linear.gather [hbm4b:s18+s19], $0x400, $0x38;
	[tilespmem:$0x1CC00] =	vst v63  }
0x54: {  	_ =	swait.ge [sflag:s29], $0x400  }
0x55: {  	[sflag:s29] =	ssyncset.done $0x0  }
0x56: {  	s22 =	rddreg [dreg:$0xe];
	[sflag:s29] =	ssyncadd.s32 $0xFFFFFC00  }
0x57: {  	[tilespmem:s31], [sflag:$0x5] =	stream.linear.gather [hbm4b:s22+s19], $0x400, $0x38;
	[tilespmem:$0x1CC00] =	vst v63  }
0x58: {  	_ =	swait.ge [sflag:s29], $0x400  }
0x59: {  	[sflag:s29] =	ssyncset.done $0x0  }
0x5a: {  	[sflag:s29] =	ssyncadd.s32 $0xFFFFFC00  }
0x5b: {  	[tilespmem:s5], [sflag:$0x1] =	stream.indirect.gather [hbm4b:s1+s0], $0x10, s30, s0, $0xb8;
	[tilespmem:$0x1CC00] =	vst v63  }
0x5c: {  	s23 =	smul.u32 $0x50000, s17;
	_ =	swait.ge [sflag:s12], $0x4000  }
0x5d: {  	[sflag:s12] =	ssyncset.done $0x0;
	s19 =	rddreg [dreg:$0x11]  }
0x5e: {  	[sflag:s12] =	ssyncadd.s32 $0xFFFFC000;
	s17 =	sadd.s32 s23, s19  }
0x5f: {  	[spmem:s2] =	stream.indirect.scatter.add.bf16 [tilespmem:s9], [sflag:$0x4], $0x10, s7, s0, $0xb8;
	[tilespmem:$0x1CC00] =	vst v63  }
0x60: {  	s17 =	sshrl.u32 s17, $0x3;
	_ =	swait.ge [sflag:s13], $0x4000  }
0x61: {  	s17 =	sadd.s32 s17, s4;
	[sflag:s13] =	ssyncset.done $0x0  }
0x62: {  	s20 =	sadd.s32 $0x0, s17;
	[sflag:s13] =	ssyncadd.s32 $0xFFFFC000  }
0x63: {  	[tilespmem:s15], [sflag:$0x5] =	stream.linear.gather [hbm4b:s20+s3], $0x400, $0x38;
	[tilespmem:$0x1CC00] =	vst v63  }
0x64: {  	_ =	swait.ge [sflag:s29], $0x400  }
0x65: {  	s19 =	sadd.s32 $0x0, s21;
	[sflag:s29] =	ssyncset.done $0x0  }
0x66: {  	s20 =	sadd.s32 $0x180, s19;
	[sflag:s29] =	ssyncadd.s32 $0xFFFFFC00  }
0x67: {  	[tilespmem:s7], [sflag:$0x5] =	stream.linear.gather [hbm4b:s20+s3], $0x400, $0x38;
	[tilespmem:$0x1CC00] =	vst v63  }
0x68: {  	_ =	swait.ge [sflag:s29], $0x400  }
0x69: {  	[sflag:s29] =	ssyncset.done $0x0  }
0x6a: {  	[sflag:s29] =	ssyncadd.s32 $0xFFFFFC00  }
0x6b: {  	[tilespmem:s9], [sflag:$0x2] =	stream.indirect.gather [hbm4b:s1+s0], $0x10, s15, s0, $0xb8;
	[tilespmem:$0x1CC00] =	vst v63  }
0x6c: {  	_ =	swait.ge [sflag:s8], $0x4000  }
0x6d: {  	[sflag:s8] =	ssyncset.done $0x0;
	s22 =	rddreg [dreg:$0x10]  }
0x6e: {  	s18 =	sadd.s32 s23, s22;
	[sflag:s8] =	ssyncadd.s32 $0xFFFFC000  }
0x6f: {  	[spmem:s2] =	stream.indirect.scatter.add.bf16 [tilespmem:s5], [sflag:$0x3], $0x10, s31, s0, $0xb8;
	[tilespmem:$0x1CC00] =	vst v63  }
0x70: {  	s18 =	sshrl.u32 s18, $0x3;
	_ =	swait.ge [sflag:s11], $0x4000  }
0x71: {  	s18 =	sadd.s32 s18, s4;
	[sflag:s11] =	ssyncset.done $0x0  }
0x72: {  	s23 =	sadd.s32 $0x0, s18;
	[sflag:s11] =	ssyncadd.s32 $0xFFFFC000  }
0x73: {  	[tilespmem:s30], [sflag:$0x5] =	stream.linear.gather [hbm4b:s23+s3], $0x400, $0x38;
	[tilespmem:$0x1CC00] =	vst v63  }
0x74: {  	_ =	swait.ge [sflag:s29], $0x400  }
0x75: {  	[sflag:s29] =	ssyncset.done $0x0  }
0x76: {  	s19 =	sadd.s32 $0x200, s19;
	[sflag:s29] =	ssyncadd.s32 $0xFFFFFC00  }
0x77: {  	[tilespmem:s31], [sflag:$0x5] =	stream.linear.gather [hbm4b:s19+s3], $0x400, $0x38;
	[tilespmem:$0x1CC00] =	vst v63  }
0x78: {  	_ =	swait.ge [sflag:s29], $0x400  }
0x79: {  	[sflag:s29] =	ssyncset.done $0x0  }
0x7a: {  	[sflag:s29] =	ssyncadd.s32 $0xFFFFFC00  }
0x7b: {  	[tilespmem:s5], [sflag:$0x1] =	stream.indirect.gather [hbm4b:s1+s0], $0x10, s30, s0, $0xb8;
	[tilespmem:$0x1CC00] =	vst v63  }
0x7c: {  	_ =	swait.ge [sflag:s12], $0x4000  }
0x7d: {  	[sflag:s12] =	ssyncset.done $0x0  }
0x7e: {  	p0 =	por p1, p1;
	s19 =	simm.s32 $0x100;
	[sflag:s12] =	ssyncadd.s32 $0xFFFFC000  }
.LBB2_3:
0x7f: {  	[spmem:s2] =	stream.indirect.scatter.add.bf16 [tilespmem:s9], [sflag:$0x4], $0x10, s7, s0, $0xb8;
	[tilespmem:$0x1CC00] =	vst v63  }
0x80: {  	s20 =	smov.u32 s19  }
0x81: {  	p1 =	sne.s32 s19, $0x700;
	s19 =	sadd.s32 $0x100, s19;
	_ =	swait.ge [sflag:s13], $0x4000  }
0x82: {  	[sflag:s13] =	ssyncset.done $0x0  }
0x83: {  	s22 =	sadd.s32 s20, s17;
	[sflag:s13] =	ssyncadd.s32 $0xFFFFC000  }
0x84: {  	[tilespmem:s15], [sflag:$0x5] =	stream.linear.gather [hbm4b:s22+s3], $0x400, $0x38;
	[tilespmem:$0x1CC00] =	vst v63  }
0x85: {  	_ =	swait.ge [sflag:s29], $0x400  }
0x86: {  	s22 =	sadd.s32 s20, s21;
	[sflag:s29] =	ssyncset.done $0x0  }
0x87: {  	s23 =	sadd.s32 $0x180, s22;
	[sflag:s29] =	ssyncadd.s32 $0xFFFFFC00  }
0x88: {  	[tilespmem:s7], [sflag:$0x5] =	stream.linear.gather [hbm4b:s23+s3], $0x400, $0x38;
	[tilespmem:$0x1CC00] =	vst v63  }
0x89: {  	_ =	swait.ge [sflag:s29], $0x400  }
0x8a: {  	[sflag:s29] =	ssyncset.done $0x0  }
0x8b: {  	[sflag:s29] =	ssyncadd.s32 $0xFFFFFC00  }
0x8c: {  	[tilespmem:s9], [sflag:$0x2] =	stream.indirect.gather [hbm4b:s1+s0], $0x10, s15, s0, $0xb8;
	[tilespmem:$0x1CC00] =	vst v63  }
0x8d: {  	_ =	swait.ge [sflag:s8], $0x4000  }
0x8e: {  	[sflag:s8] =	ssyncset.done $0x0  }
0x8f: {  	[sflag:s8] =	ssyncadd.s32 $0xFFFFC000  }
0x90: {  	[spmem:s2] =	stream.indirect.scatter.add.bf16 [tilespmem:s5], [sflag:$0x3], $0x10, s31, s0, $0xb8;
	[tilespmem:$0x1CC00] =	vst v63  }
0x91: {  	_ =	swait.ge [sflag:s11], $0x4000  }
0x92: {  	[sflag:s11] =	ssyncset.done $0x0  }
0x93: {  	s20 =	sadd.s32 s20, s18;
	[sflag:s11] =	ssyncadd.s32 $0xFFFFC000  }
0x94: {  	[tilespmem:s30], [sflag:$0x5] =	stream.linear.gather [hbm4b:s20+s3], $0x400, $0x38;
	[tilespmem:$0x1CC00] =	vst v63  }
0x95: {  	_ =	swait.ge [sflag:s29], $0x400  }
0x96: {  	[sflag:s29] =	ssyncset.done $0x0  }
0x97: {  	s20 =	sadd.s32 $0x200, s22;
	[sflag:s29] =	ssyncadd.s32 $0xFFFFFC00  }
0x98: {  	[tilespmem:s31], [sflag:$0x5] =	stream.linear.gather [hbm4b:s20+s3], $0x400, $0x38;
	[tilespmem:$0x1CC00] =	vst v63  }
0x99: {  	_ =	swait.ge [sflag:s29], $0x400  }
0x9a: {  	[sflag:s29] =	ssyncset.done $0x0  }
.Ltmp0:
0x9b: {  	[sflag:s29] =	ssyncadd.s32 $0xFFFFFC00;
	(pc) =	sbr.rel @p1 .LBB2_3-.Ltmp0, $4  }
0x9c: {  	[tilespmem:s5], [sflag:$0x1] =	stream.indirect.gather [hbm4b:s1+s0], $0x10, s30, s0, $0xb8;
	[tilespmem:$0x1CC00] =	vst v63  }
0x9d: {  	_ =	swait.ge [sflag:s12], $0x4000  }
0x9e: {  	[sflag:s12] =	ssyncset.done $0x0  }
0x9f: {  	[sflag:s12] =	ssyncadd.s32 $0xFFFFC000  }
0xa0: {  	[spmem:s2] =	stream.indirect.scatter.add.bf16 [tilespmem:s9], [sflag:$0x4], $0x10, s7, s0, $0xb8;
	[tilespmem:$0x1CC00] =	vst v63  }
0xa1: {  	_ =	swait.ge [sflag:s13], $0x4000  }
0xa2: {  	s17 =	rddreg [dreg:$0xd]  }
0xa3: {  	s16 =	sadd.s32 s16, s17  }
0xa4: {  	[sflag:s13] =	ssyncset.done $0x0;
	s16 =	sshrl.u32 s16, $0x3  }
0xa5: {  	[sflag:s13] =	ssyncadd.s32 $0xFFFFC000;
	s16 =	sadd.s32 s4, s16  }
0xa6: {  	[tilespmem:s15], [sflag:$0x5] =	stream.linear.gather [hbm4b:s16+s3], $0x400, $0x38;
	[tilespmem:$0x1CC00] =	vst v63  }
0xa7: {  	_ =	swait.ge [sflag:s29], $0x400  }
0xa8: {  	[sflag:s29] =	ssyncset.done $0x0  }
0xa9: {  	s19 =	rddreg [dreg:$0xf];
	[sflag:s29] =	ssyncadd.s32 $0xFFFFFC00  }
0xaa: {  	[tilespmem:s7], [sflag:$0x5] =	stream.linear.gather [hbm4b:s19+s3], $0x400, $0x38;
	[tilespmem:$0x1CC00] =	vst v63  }
0xab: {  	_ =	swait.ge [sflag:s29], $0x400  }
0xac: {  	[sflag:s29] =	ssyncset.done $0x0  }
0xad: {  	s17 =	simm.s32 $0x1;
	[sflag:s29] =	ssyncadd.s32 $0xFFFFFC00  }
0xae: {  	[tilespmem:s9], [sflag:$0x2] =	stream.indirect.gather [hbm4b:s1+s0], $0x10, s15, s0, $0xb8;
	[tilespmem:$0x1CC00] =	vst v63  }
0xaf: {  	_ =	swait.ge [sflag:s17], $0x4000  }
0xb0: {  	[sflag:s17] =	ssyncset.done $0x0  }
0xb1: {  	[sflag:s17] =	ssyncadd.s32 $0xFFFFC000  }
0xb2: {  	[spmem:s2] =	stream.indirect.scatter.add.bf16 [tilespmem:s5], [sflag:$0x3], $0x10, s31, s0, $0xb8;
	[tilespmem:$0x1CC00] =	vst v63  }
0xb3: {  	_ =	swait.ge [sflag:s12], $0x4000  }
0xb4: {  	[sflag:s12] =	ssyncset.done $0x0  }
0xb5: {  	[sflag:s12] =	ssyncadd.s32 $0xFFFFC000  }
0xb6: {  	[spmem:s2] =	stream.indirect.scatter.add.bf16 [tilespmem:s9], [sflag:$0x4], $0x10, s7, s0, $0xb8;
	[tilespmem:$0x1CC00] =	vst v63  }
0xb7: {  	_ =	swait.ge [sflag:s11], $0x4000  }
0xb8: {  	[sflag:s11] =	ssyncset.done $0x0  }
0xb9: {  	[sflag:s11] =	ssyncadd.s32 $0xFFFFC000  }
0xba: {  	_ =	swait.ge [sflag:s13], $0x4000  }
0xbb: {  	[sflag:s13] =	ssyncset.done $0x0  }
0xbc: {  	s14 =	sshll.u32 s14, $0x5;
	s20 =	rddreg [dreg:$0x9];
	[sflag:s13] =	ssyncadd.s32 $0xFFFFC000  }
0xbd: {  	s14 =	sor.u32 s20, s14;
	[bflag:$0x0] =	sbarrier.arrive $0xFFFF  }
0xbe: {  	s14 =	sshrl.u32 s14, $0x4;
	s22 =	rddreg [dreg:$0x4]  }
0xbf: {  	s23 =	simm.s32 $0x8;
	s14 =	sadd.s32 s22, s14  }
0xc0: {  	[hbm:s14@s23], [sflag:s10] =	dma.strided [spmem:s28@s12], $0x2710, s17, $0x2   }
.Ltmp1:
0xc1: {  	_ =	swait.ge [sflag:s29], $0x2710;
	(pc) =	sbr.rel @p0 .LBB2_2-.Ltmp1, $4  }
0xc2: {  	[sflag:s29] =	ssyncset.done $0x0  }
0xc3: {  	[sflag:s29] =	ssyncadd.s32 $0xFFFFD8F0  }
0xc4: {  	[bflag:$0x0] =	sbarrier.arrive $0xFFFF  }
0xc5: {  	p1 =	por $0x0, $0x0  }
0xc6: {  	s16 =	rddreg [dreg:$0x13]  }
0xc7: {  	s14 =	rddreg [dreg:$0xb];
	s16 =	sadd.s32 $0x1, s16  }
0xc8: {  	p0 =	sne.s32 s16, s14  }
.Ltmp2:
0xc9: {  	_ = 	snop;
	(pc) =	sbr.rel @p0 .LBB2_1-.Ltmp2, $1  }
0xca: {  	_ =	sdelay $0x3  }
0xcb: {  	_ =	sfence.sel $0x180000  }
0xcc: {  	[bflag:$0x0] =	sbarrier.arrive $0xFFFF  }
0xcd: {  	_ =	strace $0x90000047  }
0xce: {  	s0 =	stileid.u32;
	[bflag:$0x2] =	sbarrier.arrive $0xFFFF  }
0xcf: {  	p0 =	sne.s32 s0, $0x0;
	s0 =	rddreg [dreg:$0x3]  }
0xd0: {  	s0 =	sadd.s32 @!p0 $0x100000, s0  }
0xd1: {  	[sflag:s0] =	ssyncadd.tile.s32 @!p0 $0x1;
	_ =	shalt  }
.Lfunc_end2:
_tile_overlayer_lowered:
.L_overlay_start_2:
0xd2: {  	(tag) =	ssettag $0x2  }
0xd3: {  	s0 =	rddreg [dreg:$0x0];
	s2 =	stileid.u32  }
0xd4: {  	s1 =	rddreg [dreg:$0x1];
	p0 =	sne.s32 s2, $0x0  }
0xd5: {  	s3 =	rddreg [dreg:$0x2];
	[bflag:$0x3] =	sbarrier.arrive $0xFFFF;
	s2 =	simm.s32 @!p0 $0x1C05  }
0xd6: {  	[timem:s3], [sflag:s2] =	dma.local @!p0 [hbm:s0], s1  }
0xd7: {  	s0 =	simm.s32 @!p0 $0x5  }
0xd8: {  	_ =	swait.ge @!p0 [sflag:s0], s1  }
0xd9: {  	s1 =	ssub.s32 @!p0 $0x0, s1;
	[sflag:s0] =	ssyncset.done @!p0 $0x0  }
0xda: {  	[sflag:s0] =	ssyncadd.s32 @!p0 s1  }
0xdb: {  	[bflag:$0x3] =	sbarrier.arrive $0xFFFF  }
0xdc: {  	_ =	shalt  }

// kernel: kernel.15.cloned.1.call-start
scs
__scs_entry_jumppad:
0x0: {  	(pc) =	sbr.rel $0x88, $3  }
0x1: {  	(tag) =	ssettag $0x0;
	lr =	simm.s32 $0x1  }
0x2: {  	[smem:$0x3F95] =	sst lr;
	_ =	strace $0xD0000000  }
0x3: {  	_ = 	snop  }
0x4: {  	_ = 	snop  }
0x5: {  	_ = 	snop  }
0x6: {  	_ = 	snop  }
0x7: {  	_ = 	snop  }
__scs_overlays_trampoline_lowered:
0x8: {  	[smem:$0x3FA4] =	sst s0  }
0x9: {  	[smem:$0x3FA5] =	sst s1  }
0xa: {  	[smem:$0x3FA6] =	sst s2  }
0xb: {  	[smem:$0x3FA7] =	sst s3  }
0xc: {  	[smem:$0x3FA8] =	sst s4  }
0xd: {  	[smem:$0x3FA9] =	sst s5  }
0xe: {  	[smem:$0x3FAA] =	sst s6  }
0xf: {  	[smem:$0x3FAB] =	sst s7  }
0x10: {  	[smem:$0x3FAC] =	sst s8  }
0x11: {  	[smem:$0x3FAD] =	sst s9;
	s0 =	simm.s32 @!p0 $0x0  }
0x12: {  	s1 =	sld [smem:$0x3F93];
	s0 =	simm.s32 @p0 $0x1  }
0x13: {  	[smem:$0x3FAE] =	sst s0;
	s0 =	simm.s32 @!p1 $0x0  }
0x14: {  	s2 =	sld [smem:$0x3F92];
	s0 =	simm.s32 @p1 $0x1  }
0x15: {  	[smem:$0x3FAF] =	sst s0;
	s0 =	simm.s32 @!p2 $0x0  }
0x16: {  	s3 =	sld [smem:$0x3FDB];
	s0 =	simm.s32 @p2 $0x1  }
0x17: {  	s4 =	simm.s32 $0x1BF5;
	[smem:$0x3FB1] =	sst s0  }
0x18: {  	s0 =	sld [smem:$0x3F94];
	_ =	swait.ge [sflag:s4], $0x0  }
0x19: {  	s7 =	sld [smem:$0x3F95]  }
0x1a: {  	s8 =	sadd.s32 $0xFFFFE003, lr  }
0x1b: {  	s9 =	sadd.s32 $0xFFFFFEF7, lr;
	s5 =	simm.s32 $0xFFFFFFFF;
	p2 =	slt.u32 s8, $0xFFFFF086  }
0x1c: {  	p1 =	slt.u32 s9, $0xF7A;
	s5 =	simm.s32 @!p2 $0x0  }
0x1d: {  	s5 =	simm.s32 @p1 $0x1;
	p0 =	seq.s32 s7, s2  }
0x1e: {  	s7 =	smul.u32 @!p0 $0xF7A, s2;
	p2 =	seq.s32 @!p0 s5, $0x0  }
0x1f: {  	s9 =	smul.u32 $0xF7A, s1;
	s8 =	simm.s32 @!p0 $0x1BF5;
	p2 =	por !p2, p0  }
0x20: {  	[sflag:s8] =	ssyncset.s32 @!p0 $0xFFFFF086;
	s6 =	sadd.s32 @!p0 s3, s7;
	s7 =	simm.s32 @!p0 $0x108  }
0x21: {  	s3 =	sadd.s32 s3, s9;
	s6 =	sadd.s32 @!p0 $0x88, s6;
	s7 =	simm.s32 @p2 $0x1082  }
0x22: {  	[simem:s7], [sflag:s8] =	dma.local @!p0 [hbm:s6], $0xF7A  }
0x23: {  	s9 =	sor.u32 $0xD0000000, s2;
	s6 =	simm.s32 $0x108;
	_ =	swait.ge @!p0 [sflag:s8], $0x0  }
0x24: {  	s3 =	sadd.s32 $0x88, s3;
	s6 =	simm.s32 @!p1 $0x1082;
	[sflag:s4] =	ssyncset.s32 $0xFFFFF086  }
0x25: {  	[simem:s6], [sflag:s4] =	dma.local [hbm:s3], $0xF7A  }
0x26: {  	[smem:$0x3F95] =	sst s1;
	(tag) =	ssettag s2;
	_ =	strace s9  }
0x27: {  	s1 =	sld [smem:$0x3FA5]  }
0x28: {  	s2 =	sld [smem:$0x3FA6]  }
0x29: {  	s4 =	sld [smem:$0x3FA8]  }
0x2a: {  	p0 =	seq.s32 s5, $0x0;
	s5 =	sld [smem:$0x3FA9]  }
0x2b: {  	s6 =	sld [smem:$0x3FAA]  }
0x2c: {  	s7 =	sld [smem:$0x3FAB]  }
0x2d: {  	s3 =	simm.s32 $0x108;
	s8 =	sld [smem:$0x3FAC]  }
0x2e: {  	s3 =	simm.s32 @!p0 $0x1082;
	s9 =	sld [smem:$0x3FAD]  }
0x2f: {  	lr =	sadd.s32 s0, s3;
	s0 =	sld [smem:$0x3FA4]  }
0x30: {  	s3 =	sld [smem:$0x3FA7]  }
0x31: {  	[smem:$0x3FB0] =	sst s10  }
0x32: {  	s10 =	sld [smem:$0x3FAE];
	_ =	sdelay $0x3  }
0x33: {  	p0 =	seq.s32 s10, $0x1;
	s10 =	sld [smem:$0x3FB0];
	_ =	sdelay $0x3  }
0x34: {  	[smem:$0x3FB0] =	sst s10  }
0x35: {  	s10 =	sld [smem:$0x3FAF];
	_ =	sdelay $0x3  }
0x36: {  	p1 =	seq.s32 s10, $0x1;
	s10 =	sld [smem:$0x3FB0];
	_ =	sdelay $0x3  }
0x37: {  	[smem:$0x3FB0] =	sst s10  }
0x38: {  	s10 =	sld [smem:$0x3FB1]  }
0x39: {  	_ = 	snop;
	(pc) =	sbr.ind lr, $3  }
0x3a: {  	_ = 	snop  }
0x3b: {  	_ = 	snop  }
0x3c: {  	p2 =	seq.s32 s10, $0x1;
	s10 =	sld [smem:$0x3FB0]  }
0x3d: {  	_ =	shalt  }
0x3e: {  	_ =	shalt  }
0x3f: {  	_ =	shalt  }
0x40: {  	_ =	shalt  }
0x41: {  	_ =	shalt  }
0x42: {  	_ =	shalt  }
0x43: {  	_ =	shalt  }
0x44: {  	_ =	shalt  }
0x45: {  	_ =	shalt  }
0x46: {  	_ =	shalt  }
0x47: {  	_ =	shalt  }
0x48: {  	_ =	shalt  }
0x49: {  	_ =	shalt  }
0x4a: {  	_ =	shalt  }
0x4b: {  	_ =	shalt  }
0x4c: {  	_ =	shalt  }
0x4d: {  	_ =	shalt  }
0x4e: {  	_ =	shalt  }
0x4f: {  	_ =	shalt  }
0x50: {  	_ =	shalt  }
0x51: {  	_ =	shalt  }
0x52: {  	_ =	shalt  }
0x53: {  	_ =	shalt  }
0x54: {  	_ =	shalt  }
0x55: {  	_ =	shalt  }
0x56: {  	_ =	shalt  }
0x57: {  	_ =	shalt  }
0x58: {  	_ =	shalt  }
0x59: {  	_ =	shalt  }
0x5a: {  	_ =	shalt  }
0x5b: {  	_ =	shalt  }
0x5c: {  	_ =	shalt  }
0x5d: {  	_ =	shalt  }
0x5e: {  	_ =	shalt  }
0x5f: {  	_ =	shalt  }
0x60: {  	_ =	shalt  }
0x61: {  	_ =	shalt  }
0x62: {  	_ =	shalt  }
0x63: {  	_ =	shalt  }
0x64: {  	_ =	shalt  }
0x65: {  	_ =	shalt  }
0x66: {  	_ =	shalt  }
0x67: {  	_ =	shalt  }
0x68: {  	_ =	shalt  }
0x69: {  	_ =	shalt  }
0x6a: {  	_ =	shalt  }
0x6b: {  	_ =	shalt  }
0x6c: {  	_ =	shalt  }
0x6d: {  	_ =	shalt  }
0x6e: {  	_ =	shalt  }
0x6f: {  	_ =	shalt  }
0x70: {  	_ =	shalt  }
0x71: {  	_ =	shalt  }
0x72: {  	_ =	shalt  }
0x73: {  	_ =	shalt  }
0x74: {  	_ =	shalt  }
0x75: {  	_ =	shalt  }
0x76: {  	_ =	shalt  }
0x77: {  	_ =	shalt  }
0x78: {  	_ =	shalt  }
0x79: {  	_ =	shalt  }
0x7a: {  	_ =	shalt  }
0x7b: {  	_ =	shalt  }
0x7c: {  	_ =	shalt  }
0x7d: {  	_ =	shalt  }
0x7e: {  	_ =	shalt  }
0x7f: {  	_ =	shalt  }
0x80: {  	_ =	shalt  }
0x81: {  	_ =	shalt  }
0x82: {  	_ =	shalt  }
0x83: {  	_ =	shalt  }
0x84: {  	_ =	shalt  }
0x85: {  	_ =	shalt  }
0x86: {  	_ =	shalt  }
0x87: {  	_ =	shalt  }
.Lfunc_end0:
.L_simem_size_0:
called_computation.2_lowered:
.L_overlay_start_0:
0x88: {  	s2 =	sld [smem:$0x3FD9]  }
0x89: {  	s3 =	sld [smem:$0x3FFE];
	_ =	sdelay $0x1  }
0x8a: {  	s1 =	srdreg.scid  }
0x8b: {  	s0 =	sand.u32 $0x1, s1  }
0x8c: {  	s17 =	sshll.u32 s0, $0xA;
	s2 =	sadd.s32 s3, s2  }
0x8d: {  	s2 =	sadd.s32 s2, s17  }
0x8e: {  	[smem:$0x3FBC] =	sst s2  }
0x8f: {  	_ = 	snop  }
0x90: {  	s2 =	sld [smem:$0x3FD0];
	(tm) =	ssettm $0x1  }
0x91: {  	s18 =	sld [smem:$0x3FFB];
	_ =	sdelay $0x3  }
0x92: {  	_ =	strace s18  }
0x93: {  	s3 =	sld [smem:$0x3FFC];
	_ =	sdelay $0x3  }
0x94: {  	_ =	strace s3  }
0x95: {  	s3 =	sld [smem:$0x3FFD];
	_ =	sdelay $0x3  }
0x96: {  	_ =	strace s3  }
0x97: {  	_ =	strace $0x8FFFFFFF  }
0x98: {  	s19 =	sld [smem:$0x3FDB];
	_ =	sdelay $0x1  }
0x99: {  	s4 =	simm.s32 $_scs_section_size  }
0x9a: {  	s5 =	simm.s32 $_size__tile_overlayer_lowered;
	s6 =	simm.s32 $_tile_overlayer_lowered  }
0x9b: {  	s22 =	simm.s32 $0x1BFF;
	s21 =	sshll.u32 s6, $0x1;
	s3 =	sadd.s32 s4, s19  }
0x9c: {  	s7 =	simm.s32 $0x0;
	s20 =	sshll.u32 s5, $0x1;
	s5 =	sadd.s32 s21, s3  }
0x9d: {  	[timem:s7], [sflag:s22] =	dma.local [hbm:s5], s20  }
0x9e: {  	_ =	swait.ge [sflag:s22], s20  }
0x9f: {  	s4 =	ssub.s32 $0x0, s20;
	[sflag:s22] =	ssyncset.done $0x0  }
0xa0: {  	[sflag:s22] =	ssyncadd.s32 s4;
	_ =	sdelay $0x1  }
0xa1: {  	s23 =	simm.s32 $0x1B8B  }
0xa2: {  	_ =	swait.ge [sflag:s23], $0x1  }
0xa3: {  	[sflag:s23] =	ssyncset.done $0x0  }
0xa4: {  	s25 =	simm.s32 $0x1B8E;
	s24 =	sld [smem:$0x3FFE];
	[sflag:s23] =	ssyncadd.s32 $0xFFFFFFFF  }
0xa5: {  	s26 =	simm.s32 $execute0_lowered;
	[smem:$0x3FD2] =	sst s25  }
0xa6: {  	s5 =	sshll.u32 s26, $0x1;
	_ =	strace $0x8000004C;
	[dreg:$0x1] =	wrdreg $0xFFFFFFFF  }
0xa7: {  	s28 =	simm.s32 $_size_execute0_lowered;
	s3 =	sadd.s32 s3, s5;
	[dreg:$0x0] =	wrdreg $0x0  }
0xa8: {  	s5 =	sshll.u32 s28, $0x1;
	[dreg:$0x2] =	wrdreg s3  }
0xa9: {  	[dreg:$0x3] =	wrdreg s5  }
0xaa: {  	[dreg:$0x4] =	wrdreg $0xC0  }
0xab: {  	_ =	task [dreg:s7], $0x5FFFF  }
0xac: {  	[dreg:$0x1] =	wrdreg $0xFFFFFFFF  }
0xad: {  	[dreg:$0x0] =	wrdreg $0x60  }
0xae: {  	[dreg:$0x2] =	wrdreg s2  }
0xaf: {  	[dreg:$0x3] =	wrdreg s24  }
0xb0: {  	[dreg:$0x4] =	wrdreg $0x0  }
0xb1: {  	[dreg:$0x5] =	wrdreg $0x9  }
0xb2: {  	_ =	task.clear_ibuf [dreg:s7], $0x6FFFF;
	_ =	strace $0x9000004C  }
0xb3: {  	s29 =	simm.s32 $0x9;
	_ =	strace $0x8000004E  }
0xb4: {  	_ =	swait.ge [sflag:s29], $0x1  }
0xb5: {  	[sflag:s29] =	ssyncadd.s32 $0xFFFFFFFF  }
0xb6: {  	_ =	strace $0x9000004E  }
0xb7: {  	_ =	sfence  }
0xb8: {  	s30 =	sld [smem:$0x0];
	_ =	sdelay $0x2  }
0xb9: {  	s31 =	sshll.u32 s1, $0xD;
	s1 =	sshrl.u32 s1, $0x2  }
0xba: {  	s3 =	sand.u32 $0x4000, s31;
	s1 =	sadd.s32 s1, s30  }
0xbb: {  	s0 =	sor.u32 s3, s0;
	s1 =	sshll.u32 s1, $0x11  }
0xbc: {  	s0 =	sor.u32 s1, s0  }
0xbd: {  	s0 =	sadd.s32 $0x8F2B, s0  }
0xbe: {  	[sflag:s0] =	ssyncadd.remote.s32 $0x1  }
0xbf: {  	_ =	sfence.sel $0xFFFF  }
0xc0: {  	[dreg:$0x0] =	wrdreg $0xFFFFFFFF;
	(pc) =	sbr.abs _section_cstart, $3  }
0xc1: {  	[dreg:$0x1] =	wrdreg $0xFFFFFFFF  }
0xc2: {  	_ =	task.clear_ibuf [dreg:s7], $0x2FFFF;
	_ =	strace $0x9FFFFFFF  }
0xc3: {  	(tm) =	ssettm $0x7FFFFFFF  }
tec
execute0_lowered:
.L_overlay_start_1:
0x0: {  	(tag) =	ssettag $0x1  }
0x1: {  	s1 =	rddreg [dreg:$0x0]  }
0x2: {  	s0 =	rddreg [dreg:$0x1]  }
0x3: {  	s2 =	rddreg [dreg:$0x2]  }
0x4: {  	s3 =	simm.s32 $0x0;
	s5 =	srdreg.scid;
	s13 =	stileid.u32  }
0x5: {  	s29 =	simm.s32 $0x5;
	s30 =	simm.s32 $0x13C00;
	s31 =	simm.s32 $0x14400  }
0x6: {  	[smem:$0x7FF] =	sst s3;
	s4 =	sadd.s32 $0x1C00, s0;
	s5 =	sand.u32 $0x1, s5  }
0x7: {  	s7 =	sadd.s32 $0x2A600, s0;
	s6 =	sadd.s32 $0x29C00, s0;
	s14 =	smul.u32 $0x5000, s13  }
0x8: {  	s0 =	sadd.s32 $0x34600, s0;
	s19 =	sshll.u32 s13, $0x6;
	s12 =	smul.u32 $0x4E200, s13  }
0x9: {  	s20 =	sshrl.u32 s13, $0x1;
	s11 =	sand.u32 $0x1, s13;
	s22 =	smul.u32 $0x4F000, s13  }
0xa: {  	_ =	strace $0x8000004D;
	s8 =	ssub.s32 $0x2, s5;
	[dreg:$0x4] =	wrdreg s0  }
0xb: {  	s9 =	sshll.u32 s5, $0x1;
	s10 =	sor.u32 $0x1C05, s19;
	p0 =	seq.s32 s11, $0x1  }
0xc: {  	s11 =	simm.s32 $0x9C400;
	s18 =	sshrl.u32 s8, $0x1;
	[dreg:$0x6] =	wrdreg s9  }
0xd: {  	s21 =	sshrl.u32 s14, $0x3;
	s11 =	simm.s32 @!p0 $0x0;
	s15 =	sor.u32 $0x800, s14  }
0xe: {  	s23 =	sshrl.u32 s12, $0x2;
	s24 =	sor.u32 $0x400, s14;
	s17 =	sadd.s32 $0x4C00, s14  }
0xf: {  	[dreg:$0x5] =	wrdreg s14;
	s12 =	simm.s32 $0x2;
	s0 =	ssub.s32 s8, s18  }
0x10: {  	s8 =	smul.u32 $0x138800, s20;
	s9 =	sadd.s32 s7, s21;
	[dreg:$0xa] =	wrdreg s24  }
0x11: {  	s26 =	sshrl.u32 s24, $0x3;
	[dreg:$0x8] =	wrdreg s15;
	s16 =	sshrl.u32 s15, $0x3  }
0x12: {  	s18 =	smul.u32 $0xA00, s13;
	[dreg:$0xd] =	wrdreg s17;
	s19 =	sshrl.u32 s17, $0x3  }
0x13: {  	s15 =	simm.s32 $0x14000;
	s13 =	simm.s32 $0x4;
	[dreg:$0x7] =	wrdreg s9  }
0x14: {  	s9 =	sshrl.u32 s22, $0x2;
	s0 =	smax.u32 s0, $0x1;
	s8 =	sadd.s32 s11, s8  }
0x15: {  	[dreg:$0xb] =	wrdreg s0;
	s25 =	sadd.s32 s9, s2;
	s0 =	sadd.s32 s7, s26  }
0x16: {  	s11 =	smul.u32 $0xA0000, s5;
	s5 =	sadd.s32 s7, s16;
	[dreg:$0x9] =	wrdreg s8  }
0x17: {  	s21 =	sadd.s32 s18, s7;
	s16 =	simm.s32 $0x0;
	[dreg:$0xc] =	wrdreg s0  }
0x18: {  	s8 =	sadd.s32 s23, s2;
	s9 =	sadd.s32 $0x4F00, s25;
	[dreg:$0xe] =	wrdreg s5  }
0x19: {  	s5 =	sadd.s32 s7, s19;
	s22 =	sadd.s32 $0x9E00, s25;
	s24 =	smov.u32 s25  }
0x1a: {  	s23 =	sadd.s32 $0xED00, s25;
	s7 =	simm.s32 $0x14800;
	s0 =	sadd.s32 s14, s11  }
0x1b: {  	[dreg:$0xf] =	wrdreg s5;
	s26 =	sshrl.u32 s9, $0x3;
	s25 =	sshrl.u32 s22, $0x3  }
0x1c: {  	s28 =	sshrl.u32 s8, $0x3;
	s5 =	simm.s32 $0x14C00;
	s9 =	simm.s32 $0x18C00  }
0x1d: {  	s8 =	simm.s32 $0x1;
	s20 =	sadd.s32 $0x1000, s0;
	[dreg:$0x12] =	wrdreg s26  }
0x1e: {  	s11 =	simm.s32 $0x3;
	s0 =	sor.u32 $0xC00, s0;
	[dreg:$0x10] =	wrdreg s20  }
0x1f: {  	s26 =	sshrl.u32 s23, $0x3;
	[dreg:$0x11] =	wrdreg s0;
	s0 =	simm.s32 $0x400  }
.LBB2_1:
0x20: {  	[dreg:$0x13] =	wrdreg s16;
	p1 =	por $0x1, $0x1;
	s17 =	simm.s32 $0x0  }
.LBB2_2:
0x21: {  	s14 =	sshrl.u32 s24, $0x3  }
0x22: {  	[spmem:s14], [sflag:s10] =	dma.local [hbm:s6], $0x9E0  }
0x23: {  	_ =	swait.ge [sflag:s29], $0x9E0  }
0x24: {  	[sflag:s29] =	ssyncset.done $0x0  }
0x25: {  	s18 =	rddreg [dreg:$0x12];
	[sflag:s29] =	ssyncadd.s32 $0xFFFFF620  }
0x26: {  	[spmem:s18], [sflag:s10] =	dma.local [hbm:s6], $0x9E0  }
0x27: {  	_ =	swait.ge [sflag:s29], $0x9E0  }
0x28: {  	[sflag:s29] =	ssyncset.done $0x0  }
0x29: {  	[sflag:s29] =	ssyncadd.s32 $0xFFFFF620  }
0x2a: {  	[spmem:s25], [sflag:s10] =	dma.local [hbm:s6], $0x9E0  }
0x2b: {  	_ =	swait.ge [sflag:s29], $0x9E0  }
0x2c: {  	[sflag:s29] =	ssyncset.done $0x0  }
0x2d: {  	[sflag:s29] =	ssyncadd.s32 $0xFFFFF620  }
0x2e: {  	[spmem:s26], [sflag:s10] =	dma.local [hbm:s6], $0x9E0  }
0x2f: {  	s19 =	rddreg [dreg:$0x6]  }
0x30: {  	s14 =	sor.u32 s19, s17  }
0x31: {  	_ =	swait.ge [sflag:s29], $0x9E0;
	s16 =	smul.u32 $0x50000, s14  }
0x32: {  	s18 =	rddreg [dreg:$0x5]  }
0x33: {  	[sflag:s29] =	ssyncset.done $0x0;
	s18 =	sadd.s32 s18, s16  }
0x34: {  	[sflag:s29] =	ssyncadd.s32 $0xFFFFF620;
	s18 =	sshrl.u32 s18, $0x3  }
0x35: {  	s19 =	simm.s32 $0x0;
	[bflag:$0x0] =	sbarrier.arrive $0xFFFF;
	s18 =	sadd.s32 s4, s18  }
0x36: {  	[tilespmem:s30], [sflag:$0x5] =	stream.linear.gather [hbm4b:s18+s19], $0x400, $0x38;
	[tilespmem:$0x1CC00] =	vst v63  }
0x37: {  	_ =	swait.ge [sflag:s29], $0x400  }
0x38: {  	[sflag:s29] =	ssyncset.done $0x0  }
0x39: {  	s20 =	rddreg [dreg:$0x7];
	[sflag:s29] =	ssyncadd.s32 $0xFFFFFC00  }
0x3a: {  	[tilespmem:s31], [sflag:$0x5] =	stream.linear.gather [hbm4b:s20+s19], $0x400, $0x38;
	[tilespmem:$0x1CC00] =	vst v63  }
0x3b: {  	_ =	swait.ge [sflag:s29], $0x400  }
0x3c: {  	[sflag:s29] =	ssyncset.done $0x0;
	s22 =	rddreg [dreg:$0xa]  }
0x3d: {  	[sflag:s29] =	ssyncadd.s32 $0xFFFFFC00;
	s18 =	sadd.s32 s16, s22  }
0x3e: {  	[tilespmem:s5], [sflag:$0x1] =	stream.indirect.gather [hbm4b:s1+s0], $0x10, s30, s0, $0xb8;
	[tilespmem:$0x1CC00] =	vst v63  }
0x3f: {  	s18 =	sshrl.u32 s18, $0x3  }
0x40: {  	s18 =	sadd.s32 s4, s18  }
0x41: {  	[tilespmem:s15], [sflag:$0x5] =	stream.linear.gather [hbm4b:s18+s19], $0x400, $0x38;
	[tilespmem:$0x1CC00] =	vst v63  }
0x42: {  	_ =	swait.ge [sflag:s29], $0x400  }
0x43: {  	[sflag:s29] =	ssyncset.done $0x0  }
0x44: {  	s23 =	rddreg [dreg:$0xc];
	[sflag:s29] =	ssyncadd.s32 $0xFFFFFC00  }
0x45: {  	[tilespmem:s7], [sflag:$0x5] =	stream.linear.gather [hbm4b:s23+s19], $0x400, $0x38;
	[tilespmem:$0x1CC00] =	vst v63  }
0x46: {  	_ =	swait.ge [sflag:s29], $0x400  }
0x47: {  	[sflag:s29] =	ssyncset.done $0x0  }
0x48: {  	[sflag:s29] =	ssyncadd.s32 $0xFFFFFC00  }
0x49: {  	[tilespmem:s9], [sflag:$0x2] =	stream.indirect.gather [hbm4b:s1+s0], $0x10, s15, s0, $0xb8;
	[tilespmem:$0x1CC00] =	vst v63  }
0x4a: {  	_ =	swait.ge [sflag:s8], $0x4000  }
0x4b: {  	[sflag:s8] =	ssyncset.done $0x0  }
0x4c: {  	[sflag:s8] =	ssyncadd.s32 $0xFFFFC000  }
0x4d: {  	[spmem:s2] =	stream.indirect.scatter.add.bf16 [tilespmem:s5], [sflag:$0x3], $0x10, s31, s0, $0xb8;
	[tilespmem:$0x1CC00] =	vst v63  }
0x4e: {  	_ =	swait.ge [sflag:s11], $0x4000  }
0x4f: {  	s20 =	rddreg [dreg:$0x8]  }
0x50: {  	s18 =	sadd.s32 s16, s20  }
0x51: {  	[sflag:s11] =	ssyncset.done $0x0;
	s18 =	sshrl.u32 s18, $0x3  }
0x52: {  	[sflag:s11] =	ssyncadd.s32 $0xFFFFC000;
	s18 =	sadd.s32 s4, s18  }
0x53: {  	[tilespmem:s30], [sflag:$0x5] =	stream.linear.gather [hbm4b:s18+s19], $0x400, $0x38;
	[tilespmem:$0x1CC00] =	vst v63  }
0x54: {  	_ =	swait.ge [sflag:s29], $0x400  }
0x55: {  	[sflag:s29] =	ssyncset.done $0x0  }
0x56: {  	s22 =	rddreg [dreg:$0xe];
	[sflag:s29] =	ssyncadd.s32 $0xFFFFFC00  }
0x57: {  	[tilespmem:s31], [sflag:$0x5] =	stream.linear.gather [hbm4b:s22+s19], $0x400, $0x38;
	[tilespmem:$0x1CC00] =	vst v63  }
0x58: {  	_ =	swait.ge [sflag:s29], $0x400  }
0x59: {  	[sflag:s29] =	ssyncset.done $0x0  }
0x5a: {  	[sflag:s29] =	ssyncadd.s32 $0xFFFFFC00  }
0x5b: {  	[tilespmem:s5], [sflag:$0x1] =	stream.indirect.gather [hbm4b:s1+s0], $0x10, s30, s0, $0xb8;
	[tilespmem:$0x1CC00] =	vst v63  }
0x5c: {  	s23 =	smul.u32 $0x50000, s17;
	_ =	swait.ge [sflag:s12], $0x4000  }
0x5d: {  	[sflag:s12] =	ssyncset.done $0x0;
	s19 =	rddreg [dreg:$0x11]  }
0x5e: {  	[sflag:s12] =	ssyncadd.s32 $0xFFFFC000;
	s17 =	sadd.s32 s23, s19  }
0x5f: {  	[spmem:s2] =	stream.indirect.scatter.add.bf16 [tilespmem:s9], [sflag:$0x4], $0x10, s7, s0, $0xb8;
	[tilespmem:$0x1CC00] =	vst v63  }
0x60: {  	s17 =	sshrl.u32 s17, $0x3;
	_ =	swait.ge [sflag:s13], $0x4000  }
0x61: {  	s17 =	sadd.s32 s17, s4;
	[sflag:s13] =	ssyncset.done $0x0  }
0x62: {  	s20 =	sadd.s32 $0x0, s17;
	[sflag:s13] =	ssyncadd.s32 $0xFFFFC000  }
0x63: {  	[tilespmem:s15], [sflag:$0x5] =	stream.linear.gather [hbm4b:s20+s3], $0x400, $0x38;
	[tilespmem:$0x1CC00] =	vst v63  }
0x64: {  	_ =	swait.ge [sflag:s29], $0x400  }
0x65: {  	s19 =	sadd.s32 $0x0, s21;
	[sflag:s29] =	ssyncset.done $0x0  }
0x66: {  	s20 =	sadd.s32 $0x180, s19;
	[sflag:s29] =	ssyncadd.s32 $0xFFFFFC00  }
0x67: {  	[tilespmem:s7], [sflag:$0x5] =	stream.linear.gather [hbm4b:s20+s3], $0x400, $0x38;
	[tilespmem:$0x1CC00] =	vst v63  }
0x68: {  	_ =	swait.ge [sflag:s29], $0x400  }
0x69: {  	[sflag:s29] =	ssyncset.done $0x0  }
0x6a: {  	[sflag:s29] =	ssyncadd.s32 $0xFFFFFC00  }
0x6b: {  	[tilespmem:s9], [sflag:$0x2] =	stream.indirect.gather [hbm4b:s1+s0], $0x10, s15, s0, $0xb8;
	[tilespmem:$0x1CC00] =	vst v63  }
0x6c: {  	_ =	swait.ge [sflag:s8], $0x4000  }
0x6d: {  	[sflag:s8] =	ssyncset.done $0x0;
	s22 =	rddreg [dreg:$0x10]  }
0x6e: {  	s18 =	sadd.s32 s23, s22;
	[sflag:s8] =	ssyncadd.s32 $0xFFFFC000  }
0x6f: {  	[spmem:s2] =	stream.indirect.scatter.add.bf16 [tilespmem:s5], [sflag:$0x3], $0x10, s31, s0, $0xb8;
	[tilespmem:$0x1CC00] =	vst v63  }
0x70: {  	s18 =	sshrl.u32 s18, $0x3;
	_ =	swait.ge [sflag:s11], $0x4000  }
0x71: {  	s18 =	sadd.s32 s18, s4;
	[sflag:s11] =	ssyncset.done $0x0  }
0x72: {  	s23 =	sadd.s32 $0x0, s18;
	[sflag:s11] =	ssyncadd.s32 $0xFFFFC000  }
0x73: {  	[tilespmem:s30], [sflag:$0x5] =	stream.linear.gather [hbm4b:s23+s3], $0x400, $0x38;
	[tilespmem:$0x1CC00] =	vst v63  }
0x74: {  	_ =	swait.ge [sflag:s29], $0x400  }
0x75: {  	[sflag:s29] =	ssyncset.done $0x0  }
0x76: {  	s19 =	sadd.s32 $0x200, s19;
	[sflag:s29] =	ssyncadd.s32 $0xFFFFFC00  }
0x77: {  	[tilespmem:s31], [sflag:$0x5] =	stream.linear.gather [hbm4b:s19+s3], $0x400, $0x38;
	[tilespmem:$0x1CC00] =	vst v63  }
0x78: {  	_ =	swait.ge [sflag:s29], $0x400  }
0x79: {  	[sflag:s29] =	ssyncset.done $0x0  }
0x7a: {  	[sflag:s29] =	ssyncadd.s32 $0xFFFFFC00  }
0x7b: {  	[tilespmem:s5], [sflag:$0x1] =	stream.indirect.gather [hbm4b:s1+s0], $0x10, s30, s0, $0xb8;
	[tilespmem:$0x1CC00] =	vst v63  }
0x7c: {  	_ =	swait.ge [sflag:s12], $0x4000  }
0x7d: {  	[sflag:s12] =	ssyncset.done $0x0  }
0x7e: {  	p0 =	por p1, p1;
	s19 =	simm.s32 $0x100;
	[sflag:s12] =	ssyncadd.s32 $0xFFFFC000  }
.LBB2_3:
0x7f: {  	[spmem:s2] =	stream.indirect.scatter.add.bf16 [tilespmem:s9], [sflag:$0x4], $0x10, s7, s0, $0xb8;
	[tilespmem:$0x1CC00] =	vst v63  }
0x80: {  	s20 =	smov.u32 s19  }
0x81: {  	p1 =	sne.s32 s19, $0x700;
	s19 =	sadd.s32 $0x100, s19;
	_ =	swait.ge [sflag:s13], $0x4000  }
0x82: {  	[sflag:s13] =	ssyncset.done $0x0  }
0x83: {  	s22 =	sadd.s32 s20, s17;
	[sflag:s13] =	ssyncadd.s32 $0xFFFFC000  }
0x84: {  	[tilespmem:s15], [sflag:$0x5] =	stream.linear.gather [hbm4b:s22+s3], $0x400, $0x38;
	[tilespmem:$0x1CC00] =	vst v63  }
0x85: {  	_ =	swait.ge [sflag:s29], $0x400  }
0x86: {  	s22 =	sadd.s32 s20, s21;
	[sflag:s29] =	ssyncset.done $0x0  }
0x87: {  	s23 =	sadd.s32 $0x180, s22;
	[sflag:s29] =	ssyncadd.s32 $0xFFFFFC00  }
0x88: {  	[tilespmem:s7], [sflag:$0x5] =	stream.linear.gather [hbm4b:s23+s3], $0x400, $0x38;
	[tilespmem:$0x1CC00] =	vst v63  }
0x89: {  	_ =	swait.ge [sflag:s29], $0x400  }
0x8a: {  	[sflag:s29] =	ssyncset.done $0x0  }
0x8b: {  	[sflag:s29] =	ssyncadd.s32 $0xFFFFFC00  }
0x8c: {  	[tilespmem:s9], [sflag:$0x2] =	stream.indirect.gather [hbm4b:s1+s0], $0x10, s15, s0, $0xb8;
	[tilespmem:$0x1CC00] =	vst v63  }
0x8d: {  	_ =	swait.ge [sflag:s8], $0x4000  }
0x8e: {  	[sflag:s8] =	ssyncset.done $0x0  }
0x8f: {  	[sflag:s8] =	ssyncadd.s32 $0xFFFFC000  }
0x90: {  	[spmem:s2] =	stream.indirect.scatter.add.bf16 [tilespmem:s5], [sflag:$0x3], $0x10, s31, s0, $0xb8;
	[tilespmem:$0x1CC00] =	vst v63  }
0x91: {  	_ =	swait.ge [sflag:s11], $0x4000  }
0x92: {  	[sflag:s11] =	ssyncset.done $0x0  }
0x93: {  	s20 =	sadd.s32 s20, s18;
	[sflag:s11] =	ssyncadd.s32 $0xFFFFC000  }
0x94: {  	[tilespmem:s30], [sflag:$0x5] =	stream.linear.gather [hbm4b:s20+s3], $0x400, $0x38;
	[tilespmem:$0x1CC00] =	vst v63  }
0x95: {  	_ =	swait.ge [sflag:s29], $0x400  }
0x96: {  	[sflag:s29] =	ssyncset.done $0x0  }
0x97: {  	s20 =	sadd.s32 $0x200, s22;
	[sflag:s29] =	ssyncadd.s32 $0xFFFFFC00  }
0x98: {  	[tilespmem:s31], [sflag:$0x5] =	stream.linear.gather [hbm4b:s20+s3], $0x400, $0x38;
	[tilespmem:$0x1CC00] =	vst v63  }
0x99: {  	_ =	swait.ge [sflag:s29], $0x400  }
0x9a: {  	[sflag:s29] =	ssyncset.done $0x0  }
.Ltmp0:
0x9b: {  	[sflag:s29] =	ssyncadd.s32 $0xFFFFFC00;
	(pc) =	sbr.rel @p1 .LBB2_3-.Ltmp0, $4  }
0x9c: {  	[tilespmem:s5], [sflag:$0x1] =	stream.indirect.gather [hbm4b:s1+s0], $0x10, s30, s0, $0xb8;
	[tilespmem:$0x1CC00] =	vst v63  }
0x9d: {  	_ =	swait.ge [sflag:s12], $0x4000  }
0x9e: {  	[sflag:s12] =	ssyncset.done $0x0  }
0x9f: {  	[sflag:s12] =	ssyncadd.s32 $0xFFFFC000  }
0xa0: {  	[spmem:s2] =	stream.indirect.scatter.add.bf16 [tilespmem:s9], [sflag:$0x4], $0x10, s7, s0, $0xb8;
	[tilespmem:$0x1CC00] =	vst v63  }
0xa1: {  	_ =	swait.ge [sflag:s13], $0x4000  }
0xa2: {  	s17 =	rddreg [dreg:$0xd]  }
0xa3: {  	s16 =	sadd.s32 s16, s17  }
0xa4: {  	[sflag:s13] =	ssyncset.done $0x0;
	s16 =	sshrl.u32 s16, $0x3  }
0xa5: {  	[sflag:s13] =	ssyncadd.s32 $0xFFFFC000;
	s16 =	sadd.s32 s4, s16  }
0xa6: {  	[tilespmem:s15], [sflag:$0x5] =	stream.linear.gather [hbm4b:s16+s3], $0x400, $0x38;
	[tilespmem:$0x1CC00] =	vst v63  }
0xa7: {  	_ =	swait.ge [sflag:s29], $0x400  }
0xa8: {  	[sflag:s29] =	ssyncset.done $0x0  }
0xa9: {  	s19 =	rddreg [dreg:$0xf];
	[sflag:s29] =	ssyncadd.s32 $0xFFFFFC00  }
0xaa: {  	[tilespmem:s7], [sflag:$0x5] =	stream.linear.gather [hbm4b:s19+s3], $0x400, $0x38;
	[tilespmem:$0x1CC00] =	vst v63  }
0xab: {  	_ =	swait.ge [sflag:s29], $0x400  }
0xac: {  	[sflag:s29] =	ssyncset.done $0x0  }
0xad: {  	s17 =	simm.s32 $0x1;
	[sflag:s29] =	ssyncadd.s32 $0xFFFFFC00  }
0xae: {  	[tilespmem:s9], [sflag:$0x2] =	stream.indirect.gather [hbm4b:s1+s0], $0x10, s15, s0, $0xb8;
	[tilespmem:$0x1CC00] =	vst v63  }
0xaf: {  	_ =	swait.ge [sflag:s17], $0x4000  }
0xb0: {  	[sflag:s17] =	ssyncset.done $0x0  }
0xb1: {  	[sflag:s17] =	ssyncadd.s32 $0xFFFFC000  }
0xb2: {  	[spmem:s2] =	stream.indirect.scatter.add.bf16 [tilespmem:s5], [sflag:$0x3], $0x10, s31, s0, $0xb8;
	[tilespmem:$0x1CC00] =	vst v63  }
0xb3: {  	_ =	swait.ge [sflag:s12], $0x4000  }
0xb4: {  	[sflag:s12] =	ssyncset.done $0x0  }
0xb5: {  	[sflag:s12] =	ssyncadd.s32 $0xFFFFC000  }
0xb6: {  	[spmem:s2] =	stream.indirect.scatter.add.bf16 [tilespmem:s9], [sflag:$0x4], $0x10, s7, s0, $0xb8;
	[tilespmem:$0x1CC00] =	vst v63  }
0xb7: {  	_ =	swait.ge [sflag:s11], $0x4000  }
0xb8: {  	[sflag:s11] =	ssyncset.done $0x0  }
0xb9: {  	[sflag:s11] =	ssyncadd.s32 $0xFFFFC000  }
0xba: {  	_ =	swait.ge [sflag:s13], $0x4000  }
0xbb: {  	[sflag:s13] =	ssyncset.done $0x0  }
0xbc: {  	s14 =	sshll.u32 s14, $0x5;
	s20 =	rddreg [dreg:$0x9];
	[sflag:s13] =	ssyncadd.s32 $0xFFFFC000  }
0xbd: {  	s14 =	sor.u32 s20, s14;
	[bflag:$0x0] =	sbarrier.arrive $0xFFFF  }
0xbe: {  	s14 =	sshrl.u32 s14, $0x4;
	s22 =	rddreg [dreg:$0x4]  }
0xbf: {  	s23 =	simm.s32 $0x8;
	s14 =	sadd.s32 s22, s14  }
0xc0: {  	[hbm:s14@s23], [sflag:s10] =	dma.strided [spmem:s28@s12], $0x2710, s17, $0x2   }
.Ltmp1:
0xc1: {  	_ =	swait.ge [sflag:s29], $0x2710;
	(pc) =	sbr.rel @p0 .LBB2_2-.Ltmp1, $4  }
0xc2: {  	[sflag:s29] =	ssyncset.done $0x0  }
0xc3: {  	[sflag:s29] =	ssyncadd.s32 $0xFFFFD8F0  }
0xc4: {  	[bflag:$0x0] =	sbarrier.arrive $0xFFFF  }
0xc5: {  	p1 =	por $0x0, $0x0  }
0xc6: {  	s16 =	rddreg [dreg:$0x13]  }
0xc7: {  	s14 =	rddreg [dreg:$0xb];
	s16 =	sadd.s32 $0x1, s16  }
0xc8: {  	p0 =	sne.s32 s16, s14  }
.Ltmp2:
0xc9: {  	_ = 	snop;
	(pc) =	sbr.rel @p0 .LBB2_1-.Ltmp2, $1  }
0xca: {  	_ =	sdelay $0x3  }
0xcb: {  	_ =	sfence.sel $0x180000  }
0xcc: {  	[bflag:$0x0] =	sbarrier.arrive $0xFFFF  }
0xcd: {  	_ =	strace $0x9000004D  }
0xce: {  	s0 =	stileid.u32;
	[bflag:$0x2] =	sbarrier.arrive $0xFFFF  }
0xcf: {  	p0 =	sne.s32 s0, $0x0;
	s0 =	rddreg [dreg:$0x3]  }
0xd0: {  	s0 =	sadd.s32 @!p0 $0x100000, s0  }
0xd1: {  	[sflag:s0] =	ssyncadd.tile.s32 @!p0 $0x1;
	_ =	shalt  }
.Lfunc_end2:
_tile_overlayer_lowered:
.L_overlay_start_2:
0xd2: {  	(tag) =	ssettag $0x2  }
0xd3: {  	s0 =	rddreg [dreg:$0x0];
	s2 =	stileid.u32  }
0xd4: {  	s1 =	rddreg [dreg:$0x1];
	p0 =	sne.s32 s2, $0x0  }
0xd5: {  	s3 =	rddreg [dreg:$0x2];
	[bflag:$0x3] =	sbarrier.arrive $0xFFFF;
	s2 =	simm.s32 @!p0 $0x1C05  }
0xd6: {  	[timem:s3], [sflag:s2] =	dma.local @!p0 [hbm:s0], s1  }
0xd7: {  	s0 =	simm.s32 @!p0 $0x5  }
0xd8: {  	_ =	swait.ge @!p0 [sflag:s0], s1  }
0xd9: {  	s1 =	ssub.s32 @!p0 $0x0, s1;
	[sflag:s0] =	ssyncset.done @!p0 $0x0  }
0xda: {  	[sflag:s0] =	ssyncadd.s32 @!p0 s1  }
0xdb: {  	[bflag:$0x3] =	sbarrier.arrive $0xFFFF  }
0xdc: {  	_ =	shalt  }

// kernel: kernel.18.cloned.1.call-start
scs
__scs_entry_jumppad:
0x0: {  	(pc) =	sbr.rel $0x88, $3  }
0x1: {  	(tag) =	ssettag $0x0;
	lr =	simm.s32 $0x1  }
0x2: {  	[smem:$0x3F95] =	sst lr;
	_ =	strace $0xD0000000  }
0x3: {  	_ = 	snop  }
0x4: {  	_ = 	snop  }
0x5: {  	_ = 	snop  }
0x6: {  	_ = 	snop  }
0x7: {  	_ = 	snop  }
__scs_overlays_trampoline_lowered:
0x8: {  	[smem:$0x3FA4] =	sst s0  }
0x9: {  	[smem:$0x3FA5] =	sst s1  }
0xa: {  	[smem:$0x3FA6] =	sst s2  }
0xb: {  	[smem:$0x3FA7] =	sst s3  }
0xc: {  	[smem:$0x3FA8] =	sst s4  }
0xd: {  	[smem:$0x3FA9] =	sst s5  }
0xe: {  	[smem:$0x3FAA] =	sst s6  }
0xf: {  	[smem:$0x3FAB] =	sst s7  }
0x10: {  	[smem:$0x3FAC] =	sst s8  }
0x11: {  	[smem:$0x3FAD] =	sst s9;
	s0 =	simm.s32 @!p0 $0x0  }
0x12: {  	s1 =	sld [smem:$0x3F93];
	s0 =	simm.s32 @p0 $0x1  }
0x13: {  	[smem:$0x3FAE] =	sst s0;
	s0 =	simm.s32 @!p1 $0x0  }
0x14: {  	s2 =	sld [smem:$0x3F92];
	s0 =	simm.s32 @p1 $0x1  }
0x15: {  	[smem:$0x3FAF] =	sst s0;
	s0 =	simm.s32 @!p2 $0x0  }
0x16: {  	s3 =	sld [smem:$0x3FDB];
	s0 =	simm.s32 @p2 $0x1  }
0x17: {  	s4 =	simm.s32 $0x1BF5;
	[smem:$0x3FB1] =	sst s0  }
0x18: {  	s0 =	sld [smem:$0x3F94];
	_ =	swait.ge [sflag:s4], $0x0  }
0x19: {  	s7 =	sld [smem:$0x3F95]  }
0x1a: {  	s8 =	sadd.s32 $0xFFFFE003, lr  }
0x1b: {  	s9 =	sadd.s32 $0xFFFFFEF7, lr;
	s5 =	simm.s32 $0xFFFFFFFF;
	p2 =	slt.u32 s8, $0xFFFFF086  }
0x1c: {  	p1 =	slt.u32 s9, $0xF7A;
	s5 =	simm.s32 @!p2 $0x0  }
0x1d: {  	s5 =	simm.s32 @p1 $0x1;
	p0 =	seq.s32 s7, s2  }
0x1e: {  	s7 =	smul.u32 @!p0 $0xF7A, s2;
	p2 =	seq.s32 @!p0 s5, $0x0  }
0x1f: {  	s9 =	smul.u32 $0xF7A, s1;
	s8 =	simm.s32 @!p0 $0x1BF5;
	p2 =	por !p2, p0  }
0x20: {  	[sflag:s8] =	ssyncset.s32 @!p0 $0xFFFFF086;
	s6 =	sadd.s32 @!p0 s3, s7;
	s7 =	simm.s32 @!p0 $0x108  }
0x21: {  	s3 =	sadd.s32 s3, s9;
	s6 =	sadd.s32 @!p0 $0x88, s6;
	s7 =	simm.s32 @p2 $0x1082  }
0x22: {  	[simem:s7], [sflag:s8] =	dma.local @!p0 [hbm:s6], $0xF7A  }
0x23: {  	s9 =	sor.u32 $0xD0000000, s2;
	s6 =	simm.s32 $0x108;
	_ =	swait.ge @!p0 [sflag:s8], $0x0  }
0x24: {  	s3 =	sadd.s32 $0x88, s3;
	s6 =	simm.s32 @!p1 $0x1082;
	[sflag:s4] =	ssyncset.s32 $0xFFFFF086  }
0x25: {  	[simem:s6], [sflag:s4] =	dma.local [hbm:s3], $0xF7A  }
0x26: {  	[smem:$0x3F95] =	sst s1;
	(tag) =	ssettag s2;
	_ =	strace s9  }
0x27: {  	s1 =	sld [smem:$0x3FA5]  }
0x28: {  	s2 =	sld [smem:$0x3FA6]  }
0x29: {  	s4 =	sld [smem:$0x3FA8]  }
0x2a: {  	p0 =	seq.s32 s5, $0x0;
	s5 =	sld [smem:$0x3FA9]  }
0x2b: {  	s6 =	sld [smem:$0x3FAA]  }
0x2c: {  	s7 =	sld [smem:$0x3FAB]  }
0x2d: {  	s3 =	simm.s32 $0x108;
	s8 =	sld [smem:$0x3FAC]  }
0x2e: {  	s3 =	simm.s32 @!p0 $0x1082;
	s9 =	sld [smem:$0x3FAD]  }
0x2f: {  	lr =	sadd.s32 s0, s3;
	s0 =	sld [smem:$0x3FA4]  }
0x30: {  	s3 =	sld [smem:$0x3FA7]  }
0x31: {  	[smem:$0x3FB0] =	sst s10  }
0x32: {  	s10 =	sld [smem:$0x3FAE];
	_ =	sdelay $0x3  }
0x33: {  	p0 =	seq.s32 s10, $0x1;
	s10 =	sld [smem:$0x3FB0];
	_ =	sdelay $0x3  }
0x34: {  	[smem:$0x3FB0] =	sst s10  }
0x35: {  	s10 =	sld [smem:$0x3FAF];
	_ =	sdelay $0x3  }
0x36: {  	p1 =	seq.s32 s10, $0x1;
	s10 =	sld [smem:$0x3FB0];
	_ =	sdelay $0x3  }
0x37: {  	[smem:$0x3FB0] =	sst s10  }
0x38: {  	s10 =	sld [smem:$0x3FB1]  }
0x39: {  	_ = 	snop;
	(pc) =	sbr.ind lr, $3  }
0x3a: {  	_ = 	snop  }
0x3b: {  	_ = 	snop  }
0x3c: {  	p2 =	seq.s32 s10, $0x1;
	s10 =	sld [smem:$0x3FB0]  }
0x3d: {  	_ =	shalt  }
0x3e: {  	_ =	shalt  }
0x3f: {  	_ =	shalt  }
0x40: {  	_ =	shalt  }
0x41: {  	_ =	shalt  }
0x42: {  	_ =	shalt  }
0x43: {  	_ =	shalt  }
0x44: {  	_ =	shalt  }
0x45: {  	_ =	shalt  }
0x46: {  	_ =	shalt  }
0x47: {  	_ =	shalt  }
0x48: {  	_ =	shalt  }
0x49: {  	_ =	shalt  }
0x4a: {  	_ =	shalt  }
0x4b: {  	_ =	shalt  }
0x4c: {  	_ =	shalt  }
0x4d: {  	_ =	shalt  }
0x4e: {  	_ =	shalt  }
0x4f: {  	_ =	shalt  }
0x50: {  	_ =	shalt  }
0x51: {  	_ =	shalt  }
0x52: {  	_ =	shalt  }
0x53: {  	_ =	shalt  }
0x54: {  	_ =	shalt  }
0x55: {  	_ =	shalt  }
0x56: {  	_ =	shalt  }
0x57: {  	_ =	shalt  }
0x58: {  	_ =	shalt  }
0x59: {  	_ =	shalt  }
0x5a: {  	_ =	shalt  }
0x5b: {  	_ =	shalt  }
0x5c: {  	_ =	shalt  }
0x5d: {  	_ =	shalt  }
0x5e: {  	_ =	shalt  }
0x5f: {  	_ =	shalt  }
0x60: {  	_ =	shalt  }
0x61: {  	_ =	shalt  }
0x62: {  	_ =	shalt  }
0x63: {  	_ =	shalt  }
0x64: {  	_ =	shalt  }
0x65: {  	_ =	shalt  }
0x66: {  	_ =	shalt  }
0x67: {  	_ =	shalt  }
0x68: {  	_ =	shalt  }
0x69: {  	_ =	shalt  }
0x6a: {  	_ =	shalt  }
0x6b: {  	_ =	shalt  }
0x6c: {  	_ =	shalt  }
0x6d: {  	_ =	shalt  }
0x6e: {  	_ =	shalt  }
0x6f: {  	_ =	shalt  }
0x70: {  	_ =	shalt  }
0x71: {  	_ =	shalt  }
0x72: {  	_ =	shalt  }
0x73: {  	_ =	shalt  }
0x74: {  	_ =	shalt  }
0x75: {  	_ =	shalt  }
0x76: {  	_ =	shalt  }
0x77: {  	_ =	shalt  }
0x78: {  	_ =	shalt  }
0x79: {  	_ =	shalt  }
0x7a: {  	_ =	shalt  }
0x7b: {  	_ =	shalt  }
0x7c: {  	_ =	shalt  }
0x7d: {  	_ =	shalt  }
0x7e: {  	_ =	shalt  }
0x7f: {  	_ =	shalt  }
0x80: {  	_ =	shalt  }
0x81: {  	_ =	shalt  }
0x82: {  	_ =	shalt  }
0x83: {  	_ =	shalt  }
0x84: {  	_ =	shalt  }
0x85: {  	_ =	shalt  }
0x86: {  	_ =	shalt  }
0x87: {  	_ =	shalt  }
.Lfunc_end0:
.L_simem_size_0:
called_computation.3_lowered:
.L_overlay_start_0:
0x88: {  	s2 =	sld [smem:$0x3FD9]  }
0x89: {  	s3 =	sld [smem:$0x3FFE];
	_ =	sdelay $0x1  }
0x8a: {  	s1 =	srdreg.scid  }
0x8b: {  	s0 =	sand.u32 $0x1, s1  }
0x8c: {  	s17 =	sshll.u32 s0, $0xA;
	s2 =	sadd.s32 s3, s2  }
0x8d: {  	s2 =	sadd.s32 s2, s17  }
0x8e: {  	[smem:$0x3FBC] =	sst s2  }
0x8f: {  	_ = 	snop  }
0x90: {  	s2 =	sld [smem:$0x3FD0];
	(tm) =	ssettm $0x1  }
0x91: {  	s18 =	sld [smem:$0x3FFB];
	_ =	sdelay $0x3  }
0x92: {  	_ =	strace s18  }
0x93: {  	s3 =	sld [smem:$0x3FFC];
	_ =	sdelay $0x3  }
0x94: {  	_ =	strace s3  }
0x95: {  	s3 =	sld [smem:$0x3FFD];
	_ =	sdelay $0x3  }
0x96: {  	_ =	strace s3  }
0x97: {  	_ =	strace $0x8FFFFFFF  }
0x98: {  	s19 =	sld [smem:$0x3FDB];
	_ =	sdelay $0x1  }
0x99: {  	s4 =	simm.s32 $_scs_section_size  }
0x9a: {  	s5 =	simm.s32 $_size__tile_overlayer_lowered;
	s6 =	simm.s32 $_tile_overlayer_lowered  }
0x9b: {  	s22 =	simm.s32 $0x1BFF;
	s21 =	sshll.u32 s6, $0x1;
	s3 =	sadd.s32 s4, s19  }
0x9c: {  	s7 =	simm.s32 $0x0;
	s20 =	sshll.u32 s5, $0x1;
	s5 =	sadd.s32 s21, s3  }
0x9d: {  	[timem:s7], [sflag:s22] =	dma.local [hbm:s5], s20  }
0x9e: {  	_ =	swait.ge [sflag:s22], s20  }
0x9f: {  	s4 =	ssub.s32 $0x0, s20;
	[sflag:s22] =	ssyncset.done $0x0  }
0xa0: {  	[sflag:s22] =	ssyncadd.s32 s4;
	_ =	sdelay $0x1  }
0xa1: {  	s23 =	simm.s32 $0x1B8B  }
0xa2: {  	_ =	swait.ge [sflag:s23], $0x1  }
0xa3: {  	[sflag:s23] =	ssyncset.done $0x0  }
0xa4: {  	s25 =	simm.s32 $0x1B8E;
	s24 =	sld [smem:$0x3FFE];
	[sflag:s23] =	ssyncadd.s32 $0xFFFFFFFF  }
0xa5: {  	s26 =	simm.s32 $execute0_lowered;
	[smem:$0x3FD2] =	sst s25  }
0xa6: {  	s5 =	sshll.u32 s26, $0x1;
	_ =	strace $0x8000004F;
	[dreg:$0x1] =	wrdreg $0xFFFFFFFF  }
0xa7: {  	s28 =	simm.s32 $_size_execute0_lowered;
	s3 =	sadd.s32 s3, s5;
	[dreg:$0x0] =	wrdreg $0x0  }
0xa8: {  	s5 =	sshll.u32 s28, $0x1;
	[dreg:$0x2] =	wrdreg s3  }
0xa9: {  	[dreg:$0x3] =	wrdreg s5  }
0xaa: {  	[dreg:$0x4] =	wrdreg $0xC0  }
0xab: {  	_ =	task [dreg:s7], $0x5FFFF  }
0xac: {  	[dreg:$0x1] =	wrdreg $0xFFFFFFFF  }
0xad: {  	[dreg:$0x0] =	wrdreg $0x60  }
0xae: {  	[dreg:$0x2] =	wrdreg s2  }
0xaf: {  	[dreg:$0x3] =	wrdreg s24  }
0xb0: {  	[dreg:$0x4] =	wrdreg $0x0  }
0xb1: {  	[dreg:$0x5] =	wrdreg $0x9  }
0xb2: {  	_ =	task.clear_ibuf [dreg:s7], $0x6FFFF;
	_ =	strace $0x9000004F  }
0xb3: {  	s29 =	simm.s32 $0x9;
	_ =	strace $0x80000051  }
0xb4: {  	_ =	swait.ge [sflag:s29], $0x1  }
0xb5: {  	[sflag:s29] =	ssyncadd.s32 $0xFFFFFFFF  }
0xb6: {  	_ =	strace $0x90000051  }
0xb7: {  	_ =	sfence  }
0xb8: {  	s30 =	sld [smem:$0x0];
	_ =	sdelay $0x2  }
0xb9: {  	s31 =	sshll.u32 s1, $0xD;
	s1 =	sshrl.u32 s1, $0x2  }
0xba: {  	s3 =	sand.u32 $0x4000, s31;
	s1 =	sadd.s32 s1, s30  }
0xbb: {  	s0 =	sor.u32 s3, s0;
	s1 =	sshll.u32 s1, $0x11  }
0xbc: {  	s0 =	sor.u32 s1, s0  }
0xbd: {  	s0 =	sadd.s32 $0x8F2B, s0  }
0xbe: {  	[sflag:s0] =	ssyncadd.remote.s32 $0x1  }
0xbf: {  	_ =	sfence.sel $0xFFFF  }
0xc0: {  	[dreg:$0x0] =	wrdreg $0xFFFFFFFF;
	(pc) =	sbr.abs _section_cstart, $3  }
0xc1: {  	[dreg:$0x1] =	wrdreg $0xFFFFFFFF  }
0xc2: {  	_ =	task.clear_ibuf [dreg:s7], $0x2FFFF;
	_ =	strace $0x9FFFFFFF  }
0xc3: {  	(tm) =	ssettm $0x7FFFFFFF  }
tec
execute0_lowered:
.L_overlay_start_1:
0x0: {  	(tag) =	ssettag $0x1  }
0x1: {  	s1 =	rddreg [dreg:$0x0]  }
0x2: {  	s0 =	rddreg [dreg:$0x1]  }
0x3: {  	s2 =	rddreg [dreg:$0x2]  }
0x4: {  	s3 =	simm.s32 $0x0;
	s5 =	srdreg.scid;
	s13 =	stileid.u32  }
0x5: {  	s29 =	simm.s32 $0x5;
	s30 =	simm.s32 $0x13C00;
	s31 =	simm.s32 $0x14400  }
0x6: {  	[smem:$0x7FF] =	sst s3;
	s4 =	sadd.s32 $0x1C00, s0;
	s5 =	sand.u32 $0x1, s5  }
0x7: {  	s7 =	sadd.s32 $0x2A600, s0;
	s6 =	sadd.s32 $0x29C00, s0;
	s14 =	smul.u32 $0x5000, s13  }
0x8: {  	s0 =	sadd.s32 $0x34600, s0;
	s19 =	sshll.u32 s13, $0x6;
	s12 =	smul.u32 $0x4E200, s13  }
0x9: {  	s20 =	sshrl.u32 s13, $0x1;
	s11 =	sand.u32 $0x1, s13;
	s22 =	smul.u32 $0x4F000, s13  }
0xa: {  	_ =	strace $0x80000050;
	s8 =	ssub.s32 $0x2, s5;
	[dreg:$0x4] =	wrdreg s0  }
0xb: {  	s9 =	sshll.u32 s5, $0x1;
	s10 =	sor.u32 $0x1C05, s19;
	p0 =	seq.s32 s11, $0x1  }
0xc: {  	s11 =	simm.s32 $0x9C400;
	s18 =	sshrl.u32 s8, $0x1;
	[dreg:$0x6] =	wrdreg s9  }
0xd: {  	s21 =	sshrl.u32 s14, $0x3;
	s11 =	simm.s32 @!p0 $0x0;
	s15 =	sor.u32 $0x800, s14  }
0xe: {  	s23 =	sshrl.u32 s12, $0x2;
	s24 =	sor.u32 $0x400, s14;
	s17 =	sadd.s32 $0x4C00, s14  }
0xf: {  	[dreg:$0x5] =	wrdreg s14;
	s12 =	simm.s32 $0x2;
	s0 =	ssub.s32 s8, s18  }
0x10: {  	s8 =	smul.u32 $0x138800, s20;
	s9 =	sadd.s32 s7, s21;
	[dreg:$0xa] =	wrdreg s24  }
0x11: {  	s26 =	sshrl.u32 s24, $0x3;
	[dreg:$0x8] =	wrdreg s15;
	s16 =	sshrl.u32 s15, $0x3  }
0x12: {  	s18 =	smul.u32 $0xA00, s13;
	[dreg:$0xd] =	wrdreg s17;
	s19 =	sshrl.u32 s17, $0x3  }
0x13: {  	s15 =	simm.s32 $0x14000;
	s13 =	simm.s32 $0x4;
	[dreg:$0x7] =	wrdreg s9  }
0x14: {  	s9 =	sshrl.u32 s22, $0x2;
	s0 =	smax.u32 s0, $0x1;
	s8 =	sadd.s32 s11, s8  }
0x15: {  	[dreg:$0xb] =	wrdreg s0;
	s25 =	sadd.s32 s9, s2;
	s0 =	sadd.s32 s7, s26  }
0x16: {  	s11 =	smul.u32 $0xA0000, s5;
	s5 =	sadd.s32 s7, s16;
	[dreg:$0x9] =	wrdreg s8  }
0x17: {  	s21 =	sadd.s32 s18, s7;
	s16 =	simm.s32 $0x0;
	[dreg:$0xc] =	wrdreg s0  }
0x18: {  	s8 =	sadd.s32 s23, s2;
	s9 =	sadd.s32 $0x4F00, s25;
	[dreg:$0xe] =	wrdreg s5  }
0x19: {  	s5 =	sadd.s32 s7, s19;
	s22 =	sadd.s32 $0x9E00, s25;
	s24 =	smov.u32 s25  }
0x1a: {  	s23 =	sadd.s32 $0xED00, s25;
	s7 =	simm.s32 $0x14800;
	s0 =	sadd.s32 s14, s11  }
0x1b: {  	[dreg:$0xf] =	wrdreg s5;
	s26 =	sshrl.u32 s9, $0x3;
	s25 =	sshrl.u32 s22, $0x3  }
0x1c: {  	s28 =	sshrl.u32 s8, $0x3;
	s5 =	simm.s32 $0x14C00;
	s9 =	simm.s32 $0x18C00  }
0x1d: {  	s8 =	simm.s32 $0x1;
	s20 =	sadd.s32 $0x1000, s0;
	[dreg:$0x12] =	wrdreg s26  }
0x1e: {  	s11 =	simm.s32 $0x3;
	s0 =	sor.u32 $0xC00, s0;
	[dreg:$0x10] =	wrdreg s20  }
0x1f: {  	s26 =	sshrl.u32 s23, $0x3;
	[dreg:$0x11] =	wrdreg s0;
	s0 =	simm.s32 $0x400  }
.LBB2_1:
0x20: {  	[dreg:$0x13] =	wrdreg s16;
	p1 =	por $0x1, $0x1;
	s17 =	simm.s32 $0x0  }
.LBB2_2:
0x21: {  	s14 =	sshrl.u32 s24, $0x3  }
0x22: {  	[spmem:s14], [sflag:s10] =	dma.local [hbm:s6], $0x9E0  }
0x23: {  	_ =	swait.ge [sflag:s29], $0x9E0  }
0x24: {  	[sflag:s29] =	ssyncset.done $0x0  }
0x25: {  	s18 =	rddreg [dreg:$0x12];
	[sflag:s29] =	ssyncadd.s32 $0xFFFFF620  }
0x26: {  	[spmem:s18], [sflag:s10] =	dma.local [hbm:s6], $0x9E0  }
0x27: {  	_ =	swait.ge [sflag:s29], $0x9E0  }
0x28: {  	[sflag:s29] =	ssyncset.done $0x0  }
0x29: {  	[sflag:s29] =	ssyncadd.s32 $0xFFFFF620  }
0x2a: {  	[spmem:s25], [sflag:s10] =	dma.local [hbm:s6], $0x9E0  }
0x2b: {  	_ =	swait.ge [sflag:s29], $0x9E0  }
0x2c: {  	[sflag:s29] =	ssyncset.done $0x0  }
0x2d: {  	[sflag:s29] =	ssyncadd.s32 $0xFFFFF620  }
0x2e: {  	[spmem:s26], [sflag:s10] =	dma.local [hbm:s6], $0x9E0  }
0x2f: {  	s19 =	rddreg [dreg:$0x6]  }
0x30: {  	s14 =	sor.u32 s19, s17  }
0x31: {  	_ =	swait.ge [sflag:s29], $0x9E0;
	s16 =	smul.u32 $0x50000, s14  }
0x32: {  	s18 =	rddreg [dreg:$0x5]  }
0x33: {  	[sflag:s29] =	ssyncset.done $0x0;
	s18 =	sadd.s32 s18, s16  }
0x34: {  	[sflag:s29] =	ssyncadd.s32 $0xFFFFF620;
	s18 =	sshrl.u32 s18, $0x3  }
0x35: {  	s19 =	simm.s32 $0x0;
	[bflag:$0x0] =	sbarrier.arrive $0xFFFF;
	s18 =	sadd.s32 s4, s18  }
0x36: {  	[tilespmem:s30], [sflag:$0x5] =	stream.linear.gather [hbm4b:s18+s19], $0x400, $0x38;
	[tilespmem:$0x1CC00] =	vst v63  }
0x37: {  	_ =	swait.ge [sflag:s29], $0x400  }
0x38: {  	[sflag:s29] =	ssyncset.done $0x0  }
0x39: {  	s20 =	rddreg [dreg:$0x7];
	[sflag:s29] =	ssyncadd.s32 $0xFFFFFC00  }
0x3a: {  	[tilespmem:s31], [sflag:$0x5] =	stream.linear.gather [hbm4b:s20+s19], $0x400, $0x38;
	[tilespmem:$0x1CC00] =	vst v63  }
0x3b: {  	_ =	swait.ge [sflag:s29], $0x400  }
0x3c: {  	[sflag:s29] =	ssyncset.done $0x0;
	s22 =	rddreg [dreg:$0xa]  }
0x3d: {  	[sflag:s29] =	ssyncadd.s32 $0xFFFFFC00;
	s18 =	sadd.s32 s16, s22  }
0x3e: {  	[tilespmem:s5], [sflag:$0x1] =	stream.indirect.gather [hbm4b:s1+s0], $0x10, s30, s0, $0xb8;
	[tilespmem:$0x1CC00] =	vst v63  }
0x3f: {  	s18 =	sshrl.u32 s18, $0x3  }
0x40: {  	s18 =	sadd.s32 s4, s18  }
0x41: {  	[tilespmem:s15], [sflag:$0x5] =	stream.linear.gather [hbm4b:s18+s19], $0x400, $0x38;
	[tilespmem:$0x1CC00] =	vst v63  }
0x42: {  	_ =	swait.ge [sflag:s29], $0x400  }
0x43: {  	[sflag:s29] =	ssyncset.done $0x0  }
0x44: {  	s23 =	rddreg [dreg:$0xc];
	[sflag:s29] =	ssyncadd.s32 $0xFFFFFC00  }
0x45: {  	[tilespmem:s7], [sflag:$0x5] =	stream.linear.gather [hbm4b:s23+s19], $0x400, $0x38;
	[tilespmem:$0x1CC00] =	vst v63  }
0x46: {  	_ =	swait.ge [sflag:s29], $0x400  }
0x47: {  	[sflag:s29] =	ssyncset.done $0x0  }
0x48: {  	[sflag:s29] =	ssyncadd.s32 $0xFFFFFC00  }
0x49: {  	[tilespmem:s9], [sflag:$0x2] =	stream.indirect.gather [hbm4b:s1+s0], $0x10, s15, s0, $0xb8;
	[tilespmem:$0x1CC00] =	vst v63  }
0x4a: {  	_ =	swait.ge [sflag:s8], $0x4000  }
0x4b: {  	[sflag:s8] =	ssyncset.done $0x0  }
0x4c: {  	[sflag:s8] =	ssyncadd.s32 $0xFFFFC000  }
0x4d: {  	[spmem:s2] =	stream.indirect.scatter.add.bf16 [tilespmem:s5], [sflag:$0x3], $0x10, s31, s0, $0xb8;
	[tilespmem:$0x1CC00] =	vst v63  }
0x4e: {  	_ =	swait.ge [sflag:s11], $0x4000  }
0x4f: {  	s20 =	rddreg [dreg:$0x8]  }
0x50: {  	s18 =	sadd.s32 s16, s20  }
0x51: {  	[sflag:s11] =	ssyncset.done $0x0;
	s18 =	sshrl.u32 s18, $0x3  }
0x52: {  	[sflag:s11] =	ssyncadd.s32 $0xFFFFC000;
	s18 =	sadd.s32 s4, s18  }
0x53: {  	[tilespmem:s30], [sflag:$0x5] =	stream.linear.gather [hbm4b:s18+s19], $0x400, $0x38;
	[tilespmem:$0x1CC00] =	vst v63  }
0x54: {  	_ =	swait.ge [sflag:s29], $0x400  }
0x55: {  	[sflag:s29] =	ssyncset.done $0x0  }
0x56: {  	s22 =	rddreg [dreg:$0xe];
	[sflag:s29] =	ssyncadd.s32 $0xFFFFFC00  }
0x57: {  	[tilespmem:s31], [sflag:$0x5] =	stream.linear.gather [hbm4b:s22+s19], $0x400, $0x38;
	[tilespmem:$0x1CC00] =	vst v63  }
0x58: {  	_ =	swait.ge [sflag:s29], $0x400  }
0x59: {  	[sflag:s29] =	ssyncset.done $0x0  }
0x5a: {  	[sflag:s29] =	ssyncadd.s32 $0xFFFFFC00  }
0x5b: {  	[tilespmem:s5], [sflag:$0x1] =	stream.indirect.gather [hbm4b:s1+s0], $0x10, s30, s0, $0xb8;
	[tilespmem:$0x1CC00] =	vst v63  }
0x5c: {  	s23 =	smul.u32 $0x50000, s17;
	_ =	swait.ge [sflag:s12], $0x4000  }
0x5d: {  	[sflag:s12] =	ssyncset.done $0x0;
	s19 =	rddreg [dreg:$0x11]  }
0x5e: {  	[sflag:s12] =	ssyncadd.s32 $0xFFFFC000;
	s17 =	sadd.s32 s23, s19  }
0x5f: {  	[spmem:s2] =	stream.indirect.scatter.add.bf16 [tilespmem:s9], [sflag:$0x4], $0x10, s7, s0, $0xb8;
	[tilespmem:$0x1CC00] =	vst v63  }
0x60: {  	s17 =	sshrl.u32 s17, $0x3;
	_ =	swait.ge [sflag:s13], $0x4000  }
0x61: {  	s17 =	sadd.s32 s17, s4;
	[sflag:s13] =	ssyncset.done $0x0  }
0x62: {  	s20 =	sadd.s32 $0x0, s17;
	[sflag:s13] =	ssyncadd.s32 $0xFFFFC000  }
0x63: {  	[tilespmem:s15], [sflag:$0x5] =	stream.linear.gather [hbm4b:s20+s3], $0x400, $0x38;
	[tilespmem:$0x1CC00] =	vst v63  }
0x64: {  	_ =	swait.ge [sflag:s29], $0x400  }
0x65: {  	s19 =	sadd.s32 $0x0, s21;
	[sflag:s29] =	ssyncset.done $0x0  }
0x66: {  	s20 =	sadd.s32 $0x180, s19;
	[sflag:s29] =	ssyncadd.s32 $0xFFFFFC00  }
0x67: {  	[tilespmem:s7], [sflag:$0x5] =	stream.linear.gather [hbm4b:s20+s3], $0x400, $0x38;
	[tilespmem:$0x1CC00] =	vst v63  }
0x68: {  	_ =	swait.ge [sflag:s29], $0x400  }
0x69: {  	[sflag:s29] =	ssyncset.done $0x0  }
0x6a: {  	[sflag:s29] =	ssyncadd.s32 $0xFFFFFC00  }
0x6b: {  	[tilespmem:s9], [sflag:$0x2] =	stream.indirect.gather [hbm4b:s1+s0], $0x10, s15, s0, $0xb8;
	[tilespmem:$0x1CC00] =	vst v63  }
0x6c: {  	_ =	swait.ge [sflag:s8], $0x4000  }
0x6d: {  	[sflag:s8] =	ssyncset.done $0x0;
	s22 =	rddreg [dreg:$0x10]  }
0x6e: {  	s18 =	sadd.s32 s23, s22;
	[sflag:s8] =	ssyncadd.s32 $0xFFFFC000  }
0x6f: {  	[spmem:s2] =	stream.indirect.scatter.add.bf16 [tilespmem:s5], [sflag:$0x3], $0x10, s31, s0, $0xb8;
	[tilespmem:$0x1CC00] =	vst v63  }
0x70: {  	s18 =	sshrl.u32 s18, $0x3;
	_ =	swait.ge [sflag:s11], $0x4000  }
0x71: {  	s18 =	sadd.s32 s18, s4;
	[sflag:s11] =	ssyncset.done $0x0  }
0x72: {  	s23 =	sadd.s32 $0x0, s18;
	[sflag:s11] =	ssyncadd.s32 $0xFFFFC000  }
0x73: {  	[tilespmem:s30], [sflag:$0x5] =	stream.linear.gather [hbm4b:s23+s3], $0x400, $0x38;
	[tilespmem:$0x1CC00] =	vst v63  }
0x74: {  	_ =	swait.ge [sflag:s29], $0x400  }
0x75: {  	[sflag:s29] =	ssyncset.done $0x0  }
0x76: {  	s19 =	sadd.s32 $0x200, s19;
	[sflag:s29] =	ssyncadd.s32 $0xFFFFFC00  }
0x77: {  	[tilespmem:s31], [sflag:$0x5] =	stream.linear.gather [hbm4b:s19+s3], $0x400, $0x38;
	[tilespmem:$0x1CC00] =	vst v63  }
0x78: {  	_ =	swait.ge [sflag:s29], $0x400  }
0x79: {  	[sflag:s29] =	ssyncset.done $0x0  }
0x7a: {  	[sflag:s29] =	ssyncadd.s32 $0xFFFFFC00  }
0x7b: {  	[tilespmem:s5], [sflag:$0x1] =	stream.indirect.gather [hbm4b:s1+s0], $0x10, s30, s0, $0xb8;
	[tilespmem:$0x1CC00] =	vst v63  }
0x7c: {  	_ =	swait.ge [sflag:s12], $0x4000  }
0x7d: {  	[sflag:s12] =	ssyncset.done $0x0  }
0x7e: {  	p0 =	por p1, p1;
	s19 =	simm.s32 $0x100;
	[sflag:s12] =	ssyncadd.s32 $0xFFFFC000  }
.LBB2_3:
0x7f: {  	[spmem:s2] =	stream.indirect.scatter.add.bf16 [tilespmem:s9], [sflag:$0x4], $0x10, s7, s0, $0xb8;
	[tilespmem:$0x1CC00] =	vst v63  }
0x80: {  	s20 =	smov.u32 s19  }
0x81: {  	p1 =	sne.s32 s19, $0x700;
	s19 =	sadd.s32 $0x100, s19;
	_ =	swait.ge [sflag:s13], $0x4000  }
0x82: {  	[sflag:s13] =	ssyncset.done $0x0  }
0x83: {  	s22 =	sadd.s32 s20, s17;
	[sflag:s13] =	ssyncadd.s32 $0xFFFFC000  }
0x84: {  	[tilespmem:s15], [sflag:$0x5] =	stream.linear.gather [hbm4b:s22+s3], $0x400, $0x38;
	[tilespmem:$0x1CC00] =	vst v63  }
0x85: {  	_ =	swait.ge [sflag:s29], $0x400  }
0x86: {  	s22 =	sadd.s32 s20, s21;
	[sflag:s29] =	ssyncset.done $0x0  }
0x87: {  	s23 =	sadd.s32 $0x180, s22;
	[sflag:s29] =	ssyncadd.s32 $0xFFFFFC00  }
0x88: {  	[tilespmem:s7], [sflag:$0x5] =	stream.linear.gather [hbm4b:s23+s3], $0x400, $0x38;
	[tilespmem:$0x1CC00] =	vst v63  }
0x89: {  	_ =	swait.ge [sflag:s29], $0x400  }
0x8a: {  	[sflag:s29] =	ssyncset.done $0x0  }
0x8b: {  	[sflag:s29] =	ssyncadd.s32 $0xFFFFFC00  }
0x8c: {  	[tilespmem:s9], [sflag:$0x2] =	stream.indirect.gather [hbm4b:s1+s0], $0x10, s15, s0, $0xb8;
	[tilespmem:$0x1CC00] =	vst v63  }
0x8d: {  	_ =	swait.ge [sflag:s8], $0x4000  }
0x8e: {  	[sflag:s8] =	ssyncset.done $0x0  }
0x8f: {  	[sflag:s8] =	ssyncadd.s32 $0xFFFFC000  }
0x90: {  	[spmem:s2] =	stream.indirect.scatter.add.bf16 [tilespmem:s5], [sflag:$0x3], $0x10, s31, s0, $0xb8;
	[tilespmem:$0x1CC00] =	vst v63  }
0x91: {  	_ =	swait.ge [sflag:s11], $0x4000  }
0x92: {  	[sflag:s11] =	ssyncset.done $0x0  }
0x93: {  	s20 =	sadd.s32 s20, s18;
	[sflag:s11] =	ssyncadd.s32 $0xFFFFC000  }
0x94: {  	[tilespmem:s30], [sflag:$0x5] =	stream.linear.gather [hbm4b:s20+s3], $0x400, $0x38;
	[tilespmem:$0x1CC00] =	vst v63  }
0x95: {  	_ =	swait.ge [sflag:s29], $0x400  }
0x96: {  	[sflag:s29] =	ssyncset.done $0x0  }
0x97: {  	s20 =	sadd.s32 $0x200, s22;
	[sflag:s29] =	ssyncadd.s32 $0xFFFFFC00  }
0x98: {  	[tilespmem:s31], [sflag:$0x5] =	stream.linear.gather [hbm4b:s20+s3], $0x400, $0x38;
	[tilespmem:$0x1CC00] =	vst v63  }
0x99: {  	_ =	swait.ge [sflag:s29], $0x400  }
0x9a: {  	[sflag:s29] =	ssyncset.done $0x0  }
.Ltmp0:
0x9b: {  	[sflag:s29] =	ssyncadd.s32 $0xFFFFFC00;
	(pc) =	sbr.rel @p1 .LBB2_3-.Ltmp0, $4  }
0x9c: {  	[tilespmem:s5], [sflag:$0x1] =	stream.indirect.gather [hbm4b:s1+s0], $0x10, s30, s0, $0xb8;
	[tilespmem:$0x1CC00] =	vst v63  }
0x9d: {  	_ =	swait.ge [sflag:s12], $0x4000  }
0x9e: {  	[sflag:s12] =	ssyncset.done $0x0  }
0x9f: {  	[sflag:s12] =	ssyncadd.s32 $0xFFFFC000  }
0xa0: {  	[spmem:s2] =	stream.indirect.scatter.add.bf16 [tilespmem:s9], [sflag:$0x4], $0x10, s7, s0, $0xb8;
	[tilespmem:$0x1CC00] =	vst v63  }
0xa1: {  	_ =	swait.ge [sflag:s13], $0x4000  }
0xa2: {  	s17 =	rddreg [dreg:$0xd]  }
0xa3: {  	s16 =	sadd.s32 s16, s17  }
0xa4: {  	[sflag:s13] =	ssyncset.done $0x0;
	s16 =	sshrl.u32 s16, $0x3  }
0xa5: {  	[sflag:s13] =	ssyncadd.s32 $0xFFFFC000;
	s16 =	sadd.s32 s4, s16  }
0xa6: {  	[tilespmem:s15], [sflag:$0x5] =	stream.linear.gather [hbm4b:s16+s3], $0x400, $0x38;
	[tilespmem:$0x1CC00] =	vst v63  }
0xa7: {  	_ =	swait.ge [sflag:s29], $0x400  }
0xa8: {  	[sflag:s29] =	ssyncset.done $0x0  }
0xa9: {  	s19 =	rddreg [dreg:$0xf];
	[sflag:s29] =	ssyncadd.s32 $0xFFFFFC00  }
0xaa: {  	[tilespmem:s7], [sflag:$0x5] =	stream.linear.gather [hbm4b:s19+s3], $0x400, $0x38;
	[tilespmem:$0x1CC00] =	vst v63  }
0xab: {  	_ =	swait.ge [sflag:s29], $0x400  }
0xac: {  	[sflag:s29] =	ssyncset.done $0x0  }
0xad: {  	s17 =	simm.s32 $0x1;
	[sflag:s29] =	ssyncadd.s32 $0xFFFFFC00  }
0xae: {  	[tilespmem:s9], [sflag:$0x2] =	stream.indirect.gather [hbm4b:s1+s0], $0x10, s15, s0, $0xb8;
	[tilespmem:$0x1CC00] =	vst v63  }
0xaf: {  	_ =	swait.ge [sflag:s17], $0x4000  }
0xb0: {  	[sflag:s17] =	ssyncset.done $0x0  }
0xb1: {  	[sflag:s17] =	ssyncadd.s32 $0xFFFFC000  }
0xb2: {  	[spmem:s2] =	stream.indirect.scatter.add.bf16 [tilespmem:s5], [sflag:$0x3], $0x10, s31, s0, $0xb8;
	[tilespmem:$0x1CC00] =	vst v63  }
0xb3: {  	_ =	swait.ge [sflag:s12], $0x4000  }
0xb4: {  	[sflag:s12] =	ssyncset.done $0x0  }
0xb5: {  	[sflag:s12] =	ssyncadd.s32 $0xFFFFC000  }
0xb6: {  	[spmem:s2] =	stream.indirect.scatter.add.bf16 [tilespmem:s9], [sflag:$0x4], $0x10, s7, s0, $0xb8;
	[tilespmem:$0x1CC00] =	vst v63  }
0xb7: {  	_ =	swait.ge [sflag:s11], $0x4000  }
0xb8: {  	[sflag:s11] =	ssyncset.done $0x0  }
0xb9: {  	[sflag:s11] =	ssyncadd.s32 $0xFFFFC000  }
0xba: {  	_ =	swait.ge [sflag:s13], $0x4000  }
0xbb: {  	[sflag:s13] =	ssyncset.done $0x0  }
0xbc: {  	s14 =	sshll.u32 s14, $0x5;
	s20 =	rddreg [dreg:$0x9];
	[sflag:s13] =	ssyncadd.s32 $0xFFFFC000  }
0xbd: {  	s14 =	sor.u32 s20, s14;
	[bflag:$0x0] =	sbarrier.arrive $0xFFFF  }
0xbe: {  	s14 =	sshrl.u32 s14, $0x4;
	s22 =	rddreg [dreg:$0x4]  }
0xbf: {  	s23 =	simm.s32 $0x8;
	s14 =	sadd.s32 s22, s14  }
0xc0: {  	[hbm:s14@s23], [sflag:s10] =	dma.strided [spmem:s28@s12], $0x2710, s17, $0x2   }
.Ltmp1:
0xc1: {  	_ =	swait.ge [sflag:s29], $0x2710;
	(pc) =	sbr.rel @p0 .LBB2_2-.Ltmp1, $4  }
0xc2: {  	[sflag:s29] =	ssyncset.done $0x0  }
0xc3: {  	[sflag:s29] =	ssyncadd.s32 $0xFFFFD8F0  }
0xc4: {  	[bflag:$0x0] =	sbarrier.arrive $0xFFFF  }
0xc5: {  	p1 =	por $0x0, $0x0  }
0xc6: {  	s16 =	rddreg [dreg:$0x13]  }
0xc7: {  	s14 =	rddreg [dreg:$0xb];
	s16 =	sadd.s32 $0x1, s16  }
0xc8: {  	p0 =	sne.s32 s16, s14  }
.Ltmp2:
0xc9: {  	_ = 	snop;
	(pc) =	sbr.rel @p0 .LBB2_1-.Ltmp2, $1  }
0xca: {  	_ =	sdelay $0x3  }
0xcb: {  	_ =	sfence.sel $0x180000  }
0xcc: {  	[bflag:$0x0] =	sbarrier.arrive $0xFFFF  }
0xcd: {  	_ =	strace $0x90000050  }
0xce: {  	s0 =	stileid.u32;
	[bflag:$0x2] =	sbarrier.arrive $0xFFFF  }
0xcf: {  	p0 =	sne.s32 s0, $0x0;
	s0 =	rddreg [dreg:$0x3]  }
0xd0: {  	s0 =	sadd.s32 @!p0 $0x100000, s0  }
0xd1: {  	[sflag:s0] =	ssyncadd.tile.s32 @!p0 $0x1;
	_ =	shalt  }
.Lfunc_end2:
_tile_overlayer_lowered:
.L_overlay_start_2:
0xd2: {  	(tag) =	ssettag $0x2  }
0xd3: {  	s0 =	rddreg [dreg:$0x0];
	s2 =	stileid.u32  }
0xd4: {  	s1 =	rddreg [dreg:$0x1];
	p0 =	sne.s32 s2, $0x0  }
0xd5: {  	s3 =	rddreg [dreg:$0x2];
	[bflag:$0x3] =	sbarrier.arrive $0xFFFF;
	s2 =	simm.s32 @!p0 $0x1C05  }
0xd6: {  	[timem:s3], [sflag:s2] =	dma.local @!p0 [hbm:s0], s1  }
0xd7: {  	s0 =	simm.s32 @!p0 $0x5  }
0xd8: {  	_ =	swait.ge @!p0 [sflag:s0], s1  }
0xd9: {  	s1 =	ssub.s32 @!p0 $0x0, s1;
	[sflag:s0] =	ssyncset.done @!p0 $0x0  }
0xda: {  	[sflag:s0] =	ssyncadd.s32 @!p0 s1  }
0xdb: {  	[bflag:$0x3] =	sbarrier.arrive $0xFFFF  }
0xdc: {  	_ =	shalt  }

// kernel: kernel.9.cloned.1.call-start
scs
__scs_entry_jumppad:
0x0: {  	(pc) =	sbr.rel $0x88, $3  }
0x1: {  	(tag) =	ssettag $0x0;
	lr =	simm.s32 $0x1  }
0x2: {  	[smem:$0x3F95] =	sst lr;
	_ =	strace $0xD0000000  }
0x3: {  	_ = 	snop  }
0x4: {  	_ = 	snop  }
0x5: {  	_ = 	snop  }
0x6: {  	_ = 	snop  }
0x7: {  	_ = 	snop  }
__scs_overlays_trampoline_lowered:
0x8: {  	[smem:$0x3FA4] =	sst s0  }
0x9: {  	[smem:$0x3FA5] =	sst s1  }
0xa: {  	[smem:$0x3FA6] =	sst s2  }
0xb: {  	[smem:$0x3FA7] =	sst s3  }
0xc: {  	[smem:$0x3FA8] =	sst s4  }
0xd: {  	[smem:$0x3FA9] =	sst s5  }
0xe: {  	[smem:$0x3FAA] =	sst s6  }
0xf: {  	[smem:$0x3FAB] =	sst s7  }
0x10: {  	[smem:$0x3FAC] =	sst s8  }
0x11: {  	[smem:$0x3FAD] =	sst s9;
	s0 =	simm.s32 @!p0 $0x0  }
0x12: {  	s1 =	sld [smem:$0x3F93];
	s0 =	simm.s32 @p0 $0x1  }
0x13: {  	[smem:$0x3FAE] =	sst s0;
	s0 =	simm.s32 @!p1 $0x0  }
0x14: {  	s2 =	sld [smem:$0x3F92];
	s0 =	simm.s32 @p1 $0x1  }
0x15: {  	[smem:$0x3FAF] =	sst s0;
	s0 =	simm.s32 @!p2 $0x0  }
0x16: {  	s3 =	sld [smem:$0x3FDB];
	s0 =	simm.s32 @p2 $0x1  }
0x17: {  	s4 =	simm.s32 $0x1BF5;
	[smem:$0x3FB1] =	sst s0  }
0x18: {  	s0 =	sld [smem:$0x3F94];
	_ =	swait.ge [sflag:s4], $0x0  }
0x19: {  	s7 =	sld [smem:$0x3F95]  }
0x1a: {  	s8 =	sadd.s32 $0xFFFFE003, lr  }
0x1b: {  	s9 =	sadd.s32 $0xFFFFFEF7, lr;
	s5 =	simm.s32 $0xFFFFFFFF;
	p2 =	slt.u32 s8, $0xFFFFF086  }
0x1c: {  	p1 =	slt.u32 s9, $0xF7A;
	s5 =	simm.s32 @!p2 $0x0  }
0x1d: {  	s5 =	simm.s32 @p1 $0x1;
	p0 =	seq.s32 s7, s2  }
0x1e: {  	s7 =	smul.u32 @!p0 $0xF7A, s2;
	p2 =	seq.s32 @!p0 s5, $0x0  }
0x1f: {  	s9 =	smul.u32 $0xF7A, s1;
	s8 =	simm.s32 @!p0 $0x1BF5;
	p2 =	por !p2, p0  }
0x20: {  	[sflag:s8] =	ssyncset.s32 @!p0 $0xFFFFF086;
	s6 =	sadd.s32 @!p0 s3, s7;
	s7 =	simm.s32 @!p0 $0x108  }
0x21: {  	s3 =	sadd.s32 s3, s9;
	s6 =	sadd.s32 @!p0 $0x88, s6;
	s7 =	simm.s32 @p2 $0x1082  }
0x22: {  	[simem:s7], [sflag:s8] =	dma.local @!p0 [hbm:s6], $0xF7A  }
0x23: {  	s9 =	sor.u32 $0xD0000000, s2;
	s6 =	simm.s32 $0x108;
	_ =	swait.ge @!p0 [sflag:s8], $0x0  }
0x24: {  	s3 =	sadd.s32 $0x88, s3;
	s6 =	simm.s32 @!p1 $0x1082;
	[sflag:s4] =	ssyncset.s32 $0xFFFFF086  }
0x25: {  	[simem:s6], [sflag:s4] =	dma.local [hbm:s3], $0xF7A  }
0x26: {  	[smem:$0x3F95] =	sst s1;
	(tag) =	ssettag s2;
	_ =	strace s9  }
0x27: {  	s1 =	sld [smem:$0x3FA5]  }
0x28: {  	s2 =	sld [smem:$0x3FA6]  }
0x29: {  	s4 =	sld [smem:$0x3FA8]  }
0x2a: {  	p0 =	seq.s32 s5, $0x0;
	s5 =	sld [smem:$0x3FA9]  }
0x2b: {  	s6 =	sld [smem:$0x3FAA]  }
0x2c: {  	s7 =	sld [smem:$0x3FAB]  }
0x2d: {  	s3 =	simm.s32 $0x108;
	s8 =	sld [smem:$0x3FAC]  }
0x2e: {  	s3 =	simm.s32 @!p0 $0x1082;
	s9 =	sld [smem:$0x3FAD]  }
0x2f: {  	lr =	sadd.s32 s0, s3;
	s0 =	sld [smem:$0x3FA4]  }
0x30: {  	s3 =	sld [smem:$0x3FA7]  }
0x31: {  	[smem:$0x3FB0] =	sst s10  }
0x32: {  	s10 =	sld [smem:$0x3FAE];
	_ =	sdelay $0x3  }
0x33: {  	p0 =	seq.s32 s10, $0x1;
	s10 =	sld [smem:$0x3FB0];
	_ =	sdelay $0x3  }
0x34: {  	[smem:$0x3FB0] =	sst s10  }
0x35: {  	s10 =	sld [smem:$0x3FAF];
	_ =	sdelay $0x3  }
0x36: {  	p1 =	seq.s32 s10, $0x1;
	s10 =	sld [smem:$0x3FB0];
	_ =	sdelay $0x3  }
0x37: {  	[smem:$0x3FB0] =	sst s10  }
0x38: {  	s10 =	sld [smem:$0x3FB1]  }
0x39: {  	_ = 	snop;
	(pc) =	sbr.ind lr, $3  }
0x3a: {  	_ = 	snop  }
0x3b: {  	_ = 	snop  }
0x3c: {  	p2 =	seq.s32 s10, $0x1;
	s10 =	sld [smem:$0x3FB0]  }
0x3d: {  	_ =	shalt  }
0x3e: {  	_ =	shalt  }
0x3f: {  	_ =	shalt  }
0x40: {  	_ =	shalt  }
0x41: {  	_ =	shalt  }
0x42: {  	_ =	shalt  }
0x43: {  	_ =	shalt  }
0x44: {  	_ =	shalt  }
0x45: {  	_ =	shalt  }
0x46: {  	_ =	shalt  }
0x47: {  	_ =	shalt  }
0x48: {  	_ =	shalt  }
0x49: {  	_ =	shalt  }
0x4a: {  	_ =	shalt  }
0x4b: {  	_ =	shalt  }
0x4c: {  	_ =	shalt  }
0x4d: {  	_ =	shalt  }
0x4e: {  	_ =	shalt  }
0x4f: {  	_ =	shalt  }
0x50: {  	_ =	shalt  }
0x51: {  	_ =	shalt  }
0x52: {  	_ =	shalt  }
0x53: {  	_ =	shalt  }
0x54: {  	_ =	shalt  }
0x55: {  	_ =	shalt  }
0x56: {  	_ =	shalt  }
0x57: {  	_ =	shalt  }
0x58: {  	_ =	shalt  }
0x59: {  	_ =	shalt  }
0x5a: {  	_ =	shalt  }
0x5b: {  	_ =	shalt  }
0x5c: {  	_ =	shalt  }
0x5d: {  	_ =	shalt  }
0x5e: {  	_ =	shalt  }
0x5f: {  	_ =	shalt  }
0x60: {  	_ =	shalt  }
0x61: {  	_ =	shalt  }
0x62: {  	_ =	shalt  }
0x63: {  	_ =	shalt  }
0x64: {  	_ =	shalt  }
0x65: {  	_ =	shalt  }
0x66: {  	_ =	shalt  }
0x67: {  	_ =	shalt  }
0x68: {  	_ =	shalt  }
0x69: {  	_ =	shalt  }
0x6a: {  	_ =	shalt  }
0x6b: {  	_ =	shalt  }
0x6c: {  	_ =	shalt  }
0x6d: {  	_ =	shalt  }
0x6e: {  	_ =	shalt  }
0x6f: {  	_ =	shalt  }
0x70: {  	_ =	shalt  }
0x71: {  	_ =	shalt  }
0x72: {  	_ =	shalt  }
0x73: {  	_ =	shalt  }
0x74: {  	_ =	shalt  }
0x75: {  	_ =	shalt  }
0x76: {  	_ =	shalt  }
0x77: {  	_ =	shalt  }
0x78: {  	_ =	shalt  }
0x79: {  	_ =	shalt  }
0x7a: {  	_ =	shalt  }
0x7b: {  	_ =	shalt  }
0x7c: {  	_ =	shalt  }
0x7d: {  	_ =	shalt  }
0x7e: {  	_ =	shalt  }
0x7f: {  	_ =	shalt  }
0x80: {  	_ =	shalt  }
0x81: {  	_ =	shalt  }
0x82: {  	_ =	shalt  }
0x83: {  	_ =	shalt  }
0x84: {  	_ =	shalt  }
0x85: {  	_ =	shalt  }
0x86: {  	_ =	shalt  }
0x87: {  	_ =	shalt  }
.Lfunc_end0:
.L_simem_size_0:
called_computation_lowered:
.L_overlay_start_0:
0x88: {  	s2 =	sld [smem:$0x3FD9]  }
0x89: {  	s3 =	sld [smem:$0x3FFE];
	_ =	sdelay $0x1  }
0x8a: {  	s1 =	srdreg.scid  }
0x8b: {  	s0 =	sand.u32 $0x1, s1  }
0x8c: {  	s17 =	sshll.u32 s0, $0xA;
	s2 =	sadd.s32 s3, s2  }
0x8d: {  	s2 =	sadd.s32 s2, s17  }
0x8e: {  	[smem:$0x3FBC] =	sst s2  }
0x8f: {  	_ = 	snop  }
0x90: {  	(tm) =	ssettm $0x1  }
0x91: {  	s18 =	sld [smem:$0x3FFB];
	_ =	sdelay $0x3  }
0x92: {  	_ =	strace s18  }
0x93: {  	s2 =	sld [smem:$0x3FFC];
	_ =	sdelay $0x3  }
0x94: {  	_ =	strace s2  }
0x95: {  	s2 =	sld [smem:$0x3FFD];
	_ =	sdelay $0x3  }
0x96: {  	_ =	strace s2  }
0x97: {  	_ =	strace $0x8FFFFFFF  }
0x98: {  	s19 =	sld [smem:$0x3FDB];
	_ =	sdelay $0x1  }
0x99: {  	s20 =	simm.s32 $_scs_section_size  }
0x9a: {  	s4 =	simm.s32 $_size__tile_overlayer_lowered;
	s5 =	simm.s32 $_tile_overlayer_lowered  }
0x9b: {  	s6 =	simm.s32 $0x1BFF;
	s21 =	sshll.u32 s5, $0x1;
	s3 =	sadd.s32 s20, s19  }
0x9c: {  	s22 =	simm.s32 $0x0;
	s4 =	sshll.u32 s4, $0x1;
	s5 =	sadd.s32 s21, s3  }
0x9d: {  	[timem:s22], [sflag:s6] =	dma.local [hbm:s5], s4  }
0x9e: {  	_ =	swait.ge [sflag:s6], s4  }
0x9f: {  	s4 =	ssub.s32 $0x0, s4;
	[sflag:s6] =	ssyncset.done $0x0  }
0xa0: {  	[sflag:s6] =	ssyncadd.s32 s4;
	_ =	sdelay $0x1  }
0xa1: {  	s23 =	simm.s32 $0x1B8B  }
0xa2: {  	_ =	swait.ge [sflag:s23], $0x1  }
0xa3: {  	[sflag:s23] =	ssyncset.done $0x0  }
0xa4: {  	[sflag:s23] =	ssyncadd.s32 $0xFFFFFFFF  }
0xa5: {  	s4 =	sld [smem:$0x0]  }
0xa6: {  	s5 =	sand.u32 $0xFFFFFFFE, s1  }
0xa7: {  	p0 =	sne.s32 s1, s5  }
0xa8: {  	s5 =	sshll.u32 @p0 s5, $0xE  }
0xa9: {  	s5 =	sadd.s32 @p0 $0x11B8D, s5;
	s6 =	sshll.u32 @p0 s4, $0x11  }
0xaa: {  	s5 =	sor.u32 @p0 s6, s5  }
0xab: {  	[sflag:s5] =	ssyncadd.remote.s32 @p0 $0x1;
	_ =	sdelay $0x1  }
0xac: {  	s5 =	simm.s32 @p0 $0x1B8D  }
0xad: {  	_ =	swait.eq @p0 [sflag:s5], $0x1  }
0xae: {  	[sflag:s5] =	ssyncadd.s32 @p0 $0xFFFFFFFF  }
0xaf: {  	s6 =	sshll.u32 @!p0 s1, $0xE  }
0xb0: {  	s6 =	sor.u32 @!p0 $0x4000, s6;
	s5 =	simm.s32 @!p0 $0x1B8D  }
0xb1: {  	s4 =	sshll.u32 @!p0 s4, $0x11;
	s6 =	sadd.s32 @!p0 $0x11B8D, s6;
	_ =	swait.eq @!p0 [sflag:s5], $0x1  }
0xb2: {  	s4 =	sor.u32 @!p0 s4, s6;
	[sflag:s5] =	ssyncadd.s32 @!p0 $0xFFFFFFFF  }
0xb3: {  	s25 =	simm.s32 $0x1B8E;
	s24 =	sld [smem:$0x3FFE];
	[sflag:s4] =	ssyncadd.remote.s32 @!p0 $0x1  }
0xb4: {  	s26 =	simm.s32 $execute0_lowered;
	[smem:$0x3FD2] =	sst s25  }
0xb5: {  	s5 =	sshll.u32 s26, $0x1;
	_ =	strace $0x80000049;
	[dreg:$0x1] =	wrdreg $0xFFFFFFFF  }
0xb6: {  	s28 =	simm.s32 $_size_execute0_lowered;
	s3 =	sadd.s32 s3, s5;
	[dreg:$0x0] =	wrdreg $0x0  }
0xb7: {  	s5 =	sshll.u32 s28, $0x1;
	[dreg:$0x2] =	wrdreg s3  }
0xb8: {  	[dreg:$0x3] =	wrdreg s5  }
0xb9: {  	[dreg:$0x4] =	wrdreg $0xC0  }
0xba: {  	_ =	task [dreg:s22], $0x5FFFF  }
0xbb: {  	[dreg:$0x1] =	wrdreg $0xFFFFFFFF  }
0xbc: {  	[dreg:$0x0] =	wrdreg $0x60  }
0xbd: {  	[dreg:$0x2] =	wrdreg s24  }
0xbe: {  	[dreg:$0x3] =	wrdreg $0x0  }
0xbf: {  	[dreg:$0x4] =	wrdreg $0x9  }
0xc0: {  	_ =	task.clear_ibuf [dreg:s22], $0x5FFFF;
	_ =	strace $0x90000049  }
0xc1: {  	s29 =	simm.s32 $0x9;
	_ =	strace $0x8000004B  }
0xc2: {  	_ =	swait.ge [sflag:s29], $0x1  }
0xc3: {  	[sflag:s29] =	ssyncadd.s32 $0xFFFFFFFF  }
0xc4: {  	_ =	strace $0x9000004B  }
0xc5: {  	_ =	sfence  }
0xc6: {  	s30 =	sld [smem:$0x0];
	_ =	sdelay $0x2  }
0xc7: {  	s31 =	sshll.u32 s1, $0xD;
	s1 =	sshrl.u32 s1, $0x2  }
0xc8: {  	s4 =	sand.u32 $0x4000, s31;
	s1 =	sadd.s32 s1, s30  }
0xc9: {  	s0 =	sor.u32 s4, s0;
	s1 =	sshll.u32 s1, $0x11  }
0xca: {  	s0 =	sor.u32 s1, s0  }
0xcb: {  	s0 =	sadd.s32 $0x8F2B, s0  }
0xcc: {  	[sflag:s0] =	ssyncadd.remote.s32 $0x1  }
0xcd: {  	_ =	sfence.sel $0xFFFF  }
0xce: {  	[dreg:$0x0] =	wrdreg $0xFFFFFFFF;
	(pc) =	sbr.abs _section_cstart, $3  }
0xcf: {  	[dreg:$0x1] =	wrdreg $0xFFFFFFFF  }
0xd0: {  	_ =	task.clear_ibuf [dreg:s22], $0x2FFFF;
	_ =	strace $0x9FFFFFFF  }
0xd1: {  	(tm) =	ssettm $0x7FFFFFFF  }
tec
execute0_lowered:
.L_overlay_start_1:
0x0: {  	(tag) =	ssettag $0x1  }
0x1: {  	s25 =	rddreg [dreg:$0x0]  }
0x2: {  	s2 =	rddreg [dreg:$0x1]  }
0x3: {  	s0 =	rddreg [dreg:$0x2];
	s3 =	simm.s32 $0x0;
	s1 =	stileid.u32  }
0x4: {  	s6 =	simm.s32 $0x14000;
	s5 =	simm.s32 $0x1;
	[smem:$0x7FF] =	sst s3  }
0x5: {  	s4 =	sadd.s32 $0xD1400, s25;
	s8 =	smul.u32 $0x4F000, s1;
	_ =	strace $0x8000004A  }
0x6: {  	[tilespmem:s6], [sflag:$0x1] =	stream.linear.gather [hbm4b:s4+s3], $0x4000, $0x38;
	[tilespmem:$0x18000] =	vst v63  }
0x7: {  	s7 =	sadd.s32 $0xD0A00, s25;
	s8 =	sshrl.u32 s8, $0x2;
	_ =	swait.ge [sflag:s5], $0x4000  }
0x8: {  	s29 =	sshll.u32 s1, $0x6;
	s12 =	sadd.s32 s8, s2;
	[sflag:s5] =	ssyncset.done $0x0  }
0x9: {  	s8 =	sor.u32 $0x1C01, s29;
	s9 =	sshrl.u32 s12, $0x3;
	[sflag:s5] =	ssyncadd.s32 $0xFFFFC000  }
0xa: {  	[spmem:s9], [sflag:s8] =	dma.local [hbm:s7], $0x9E0  }
0xb: {  	_ =	swait.ge [sflag:s5], $0x9E0  }
0xc: {  	s10 =	sadd.s32 $0x4F00, s12;
	[sflag:s5] =	ssyncset.done $0x0  }
0xd: {  	s10 =	sshrl.u32 s10, $0x3;
	[sflag:s5] =	ssyncadd.s32 $0xFFFFF620  }
0xe: {  	[spmem:s10], [sflag:s8] =	dma.local [hbm:s7], $0x9E0  }
0xf: {  	_ =	swait.ge [sflag:s5], $0x9E0  }
0x10: {  	s11 =	srdreg.scid;
	s13 =	sadd.s32 $0x9E00, s12;
	[sflag:s5] =	ssyncset.done $0x0  }
0x11: {  	s26 =	sand.u32 $0x1, s11;
	s11 =	sshrl.u32 s13, $0x3;
	[sflag:s5] =	ssyncadd.s32 $0xFFFFF620  }
0x12: {  	[spmem:s11], [sflag:s8] =	dma.local [hbm:s7], $0x9E0  }
0x13: {  	s30 =	sshll.u32 s26, $0x4;
	_ =	swait.ge [sflag:s5], $0x9E0  }
0x14: {  	s12 =	sadd.s32 $0xED00, s12;
	s13 =	sor.u32 s1, s30;
	[sflag:s5] =	ssyncset.done $0x0  }
0x15: {  	s12 =	sshrl.u32 s12, $0x3;
	s13 =	smul.u32 $0x2800, s13;
	[sflag:s5] =	ssyncadd.s32 $0xFFFFF620  }
0x16: {  	[spmem:s12], [sflag:s8] =	dma.local [hbm:s7], $0x9E0  }
0x17: {  	_ =	swait.ge [sflag:s5], $0x9E0  }
0x18: {  	s13 =	sshrl.u32 s13, $0x3;
	[sflag:s5] =	ssyncset.done $0x0  }
0x19: {  	s24 =	sadd.s32 s13, s25;
	[sflag:s5] =	ssyncadd.s32 $0xFFFFF620  }
0x1a: {  	s14 =	simm.s32 $0x13C00;
	s13 =	sadd.s32 $0x2A600, s24;
	[bflag:$0x0] =	sbarrier.arrive $0xFFFF  }
0x1b: {  	[tilespmem:s14], [sflag:$0x1] =	stream.linear.gather [hbm4b:s13+s3], $0x400, $0x38;
	[tilespmem:$0x18000] =	vst v63  }
0x1c: {  	_ =	swait.ge [sflag:s5], $0x400  }
0x1d: {  	[sflag:s5] =	ssyncset.done $0x0  }
0x1e: {  	s15 =	simm.s32 $0x400;
	[sflag:s5] =	ssyncadd.s32 $0xFFFFFC00  }
0x1f: {  	[spmem:s2] =	stream.indirect.scatter.add.f32 [tilespmem:s6], [sflag:$0x1], $0x10, s14, s15, $0xb8;
	[tilespmem:$0x18000] =	vst v63  }
0x20: {  	_ =	swait.ge [sflag:s5], $0x4000  }
0x21: {  	[sflag:s5] =	ssyncset.done $0x0  }
0x22: {  	s16 =	sadd.s32 $0x2A680, s24;
	[sflag:s5] =	ssyncadd.s32 $0xFFFFC000  }
0x23: {  	[tilespmem:s14], [sflag:$0x1] =	stream.linear.gather [hbm4b:s16+s3], $0x400, $0x38;
	[tilespmem:$0x18000] =	vst v63  }
0x24: {  	_ =	swait.ge [sflag:s5], $0x400  }
0x25: {  	[sflag:s5] =	ssyncset.done $0x0  }
0x26: {  	[sflag:s5] =	ssyncadd.s32 $0xFFFFFC00  }
0x27: {  	[spmem:s2] =	stream.indirect.scatter.add.f32 [tilespmem:s6], [sflag:$0x1], $0x10, s14, s15, $0xb8;
	[tilespmem:$0x18000] =	vst v63  }
0x28: {  	_ =	swait.ge [sflag:s5], $0x4000  }
0x29: {  	[sflag:s5] =	ssyncset.done $0x0  }
0x2a: {  	s17 =	sadd.s32 $0x2A700, s24;
	[sflag:s5] =	ssyncadd.s32 $0xFFFFC000  }
0x2b: {  	[tilespmem:s14], [sflag:$0x1] =	stream.linear.gather [hbm4b:s17+s3], $0x400, $0x38;
	[tilespmem:$0x18000] =	vst v63  }
0x2c: {  	_ =	swait.ge [sflag:s5], $0x400  }
0x2d: {  	[sflag:s5] =	ssyncset.done $0x0  }
0x2e: {  	[sflag:s5] =	ssyncadd.s32 $0xFFFFFC00  }
0x2f: {  	[spmem:s2] =	stream.indirect.scatter.add.f32 [tilespmem:s6], [sflag:$0x1], $0x10, s14, s15, $0xb8;
	[tilespmem:$0x18000] =	vst v63  }
0x30: {  	_ =	swait.ge [sflag:s5], $0x4000  }
0x31: {  	[sflag:s5] =	ssyncset.done $0x0  }
0x32: {  	s18 =	sadd.s32 $0x2A780, s24;
	[sflag:s5] =	ssyncadd.s32 $0xFFFFC000  }
0x33: {  	[tilespmem:s14], [sflag:$0x1] =	stream.linear.gather [hbm4b:s18+s3], $0x400, $0x38;
	[tilespmem:$0x18000] =	vst v63  }
0x34: {  	_ =	swait.ge [sflag:s5], $0x400  }
0x35: {  	[sflag:s5] =	ssyncset.done $0x0  }
0x36: {  	[sflag:s5] =	ssyncadd.s32 $0xFFFFFC00  }
0x37: {  	[spmem:s2] =	stream.indirect.scatter.add.f32 [tilespmem:s6], [sflag:$0x1], $0x10, s14, s15, $0xb8;
	[tilespmem:$0x18000] =	vst v63  }
0x38: {  	_ =	swait.ge [sflag:s5], $0x4000  }
0x39: {  	[sflag:s5] =	ssyncset.done $0x0  }
0x3a: {  	s19 =	sadd.s32 $0x2A800, s24;
	[sflag:s5] =	ssyncadd.s32 $0xFFFFC000  }
0x3b: {  	[tilespmem:s14], [sflag:$0x1] =	stream.linear.gather [hbm4b:s19+s3], $0x400, $0x38;
	[tilespmem:$0x18000] =	vst v63  }
0x3c: {  	_ =	swait.ge [sflag:s5], $0x400  }
0x3d: {  	[sflag:s5] =	ssyncset.done $0x0  }
0x3e: {  	[sflag:s5] =	ssyncadd.s32 $0xFFFFFC00  }
0x3f: {  	[spmem:s2] =	stream.indirect.scatter.add.f32 [tilespmem:s6], [sflag:$0x1], $0x10, s14, s15, $0xb8;
	[tilespmem:$0x18000] =	vst v63  }
0x40: {  	_ =	swait.ge [sflag:s5], $0x4000  }
0x41: {  	[sflag:s5] =	ssyncset.done $0x0  }
0x42: {  	s20 =	sadd.s32 $0x2A880, s24;
	[sflag:s5] =	ssyncadd.s32 $0xFFFFC000  }
0x43: {  	[tilespmem:s14], [sflag:$0x1] =	stream.linear.gather [hbm4b:s20+s3], $0x400, $0x38;
	[tilespmem:$0x18000] =	vst v63  }
0x44: {  	_ =	swait.ge [sflag:s5], $0x400  }
0x45: {  	[sflag:s5] =	ssyncset.done $0x0  }
0x46: {  	[sflag:s5] =	ssyncadd.s32 $0xFFFFFC00  }
0x47: {  	[spmem:s2] =	stream.indirect.scatter.add.f32 [tilespmem:s6], [sflag:$0x1], $0x10, s14, s15, $0xb8;
	[tilespmem:$0x18000] =	vst v63  }
0x48: {  	_ =	swait.ge [sflag:s5], $0x4000  }
0x49: {  	[sflag:s5] =	ssyncset.done $0x0  }
0x4a: {  	s21 =	sadd.s32 $0x2A900, s24;
	[sflag:s5] =	ssyncadd.s32 $0xFFFFC000  }
0x4b: {  	[tilespmem:s14], [sflag:$0x1] =	stream.linear.gather [hbm4b:s21+s3], $0x400, $0x38;
	[tilespmem:$0x18000] =	vst v63  }
0x4c: {  	_ =	swait.ge [sflag:s5], $0x400  }
0x4d: {  	[sflag:s5] =	ssyncset.done $0x0  }
0x4e: {  	[sflag:s5] =	ssyncadd.s32 $0xFFFFFC00  }
0x4f: {  	[spmem:s2] =	stream.indirect.scatter.add.f32 [tilespmem:s6], [sflag:$0x1], $0x10, s14, s15, $0xb8;
	[tilespmem:$0x18000] =	vst v63  }
0x50: {  	_ =	swait.ge [sflag:s5], $0x4000  }
0x51: {  	[sflag:s5] =	ssyncset.done $0x0  }
0x52: {  	s22 =	sadd.s32 $0x2A980, s24;
	[sflag:s5] =	ssyncadd.s32 $0xFFFFC000  }
0x53: {  	[tilespmem:s14], [sflag:$0x1] =	stream.linear.gather [hbm4b:s22+s3], $0x400, $0x38;
	[tilespmem:$0x18000] =	vst v63  }
0x54: {  	_ =	swait.ge [sflag:s5], $0x400  }
0x55: {  	[sflag:s5] =	ssyncset.done $0x0  }
0x56: {  	[sflag:s5] =	ssyncadd.s32 $0xFFFFFC00  }
0x57: {  	[spmem:s2] =	stream.indirect.scatter.add.f32 [tilespmem:s6], [sflag:$0x1], $0x10, s14, s15, $0xb8;
	[tilespmem:$0x18000] =	vst v63  }
0x58: {  	_ =	swait.ge [sflag:s5], $0x4000  }
0x59: {  	[sflag:s5] =	ssyncset.done $0x0  }
0x5a: {  	s23 =	sadd.s32 $0x2AA00, s24;
	[sflag:s5] =	ssyncadd.s32 $0xFFFFC000  }
0x5b: {  	[tilespmem:s14], [sflag:$0x1] =	stream.linear.gather [hbm4b:s23+s3], $0x400, $0x38;
	[tilespmem:$0x18000] =	vst v63  }
0x5c: {  	_ =	swait.ge [sflag:s5], $0x400  }
0x5d: {  	[sflag:s5] =	ssyncset.done $0x0  }
0x5e: {  	[sflag:s5] =	ssyncadd.s32 $0xFFFFFC00  }
0x5f: {  	[spmem:s2] =	stream.indirect.scatter.add.f32 [tilespmem:s6], [sflag:$0x1], $0x10, s14, s15, $0xb8;
	[tilespmem:$0x18000] =	vst v63  }
0x60: {  	_ =	swait.ge [sflag:s5], $0x4000  }
0x61: {  	[sflag:s5] =	ssyncset.done $0x0  }
0x62: {  	s28 =	smul.u32 $0x138800, s26;
	s24 =	sadd.s32 $0x2AA80, s24;
	[sflag:s5] =	ssyncadd.s32 $0xFFFFC000  }
0x63: {  	[tilespmem:s14], [sflag:$0x1] =	stream.linear.gather [hbm4b:s24+s3], $0x400, $0x38;
	[tilespmem:$0x18000] =	vst v63  }
0x64: {  	s26 =	ssub.s32 $0x2, s26;
	s29 =	smul.u32 $0x13880, s1;
	_ =	swait.ge [sflag:s5], $0x400  }
0x65: {  	s30 =	sshrl.u32 s26, $0x1;
	[sflag:s5] =	ssyncset.done $0x0  }
0x66: {  	s28 =	sadd.s32 s29, s28;
	s26 =	ssub.s32 s26, s30;
	[sflag:s5] =	ssyncadd.s32 $0xFFFFFC00  }
0x67: {  	[spmem:s2] =	stream.indirect.scatter.add.f32 [tilespmem:s6], [sflag:$0x1], $0x10, s14, s15, $0xb8;
	[tilespmem:$0x18000] =	vst v63  }
0x68: {  	s28 =	sshrl.u32 s28, $0x3;
	s31 =	smax.u32 s26, $0x1;
	_ =	swait.ge [sflag:s5], $0x4000  }
0x69: {  	p0 =	sne.s32 s31, $0x1;
	s25 =	sadd.s32 s28, s25;
	[sflag:s5] =	ssyncset.done $0x0  }
.Ltmp0:
0x6a: {  	s28 =	sadd.s32 s29, s2;
	[sflag:s5] =	ssyncadd.s32 $0xFFFFC000;
	(pc) =	sbr.rel @!p0 .LBB2_2-.Ltmp0, $4  }
0x6b: {  	s25 =	sadd.s32 $0xD1C00, s25;
	s26 =	sshrl.u32 s28, $0x3;
	[bflag:$0x0] =	sbarrier.arrive $0xFFFF  }
0x6c: {  	[hbm:s25], [sflag:s8] =	dma.local [spmem:s26], $0x2710  }
0x6d: {  	_ =	swait.ge [sflag:s5], $0x2710  }
0x6e: {  	s28 =	sadd.s32 $0xFFFFFFFF, s31;
	[sflag:s5] =	ssyncset.done $0x0  }
.LBB2_1:
0x6f: {  	p0 =	sne.s32 s28, $0x1;
	s28 =	sadd.s32 $0xFFFFFFFF, s28;
	[sflag:s5] =	ssyncadd.s32 $0xFFFFD8F0  }
0x70: {  	[tilespmem:s6], [sflag:$0x1] =	stream.linear.gather [hbm4b:s4+s3], $0x4000, $0x38;
	[tilespmem:$0x18000] =	vst v63  }
0x71: {  	_ =	swait.ge [sflag:s5], $0x4000  }
0x72: {  	[sflag:s5] =	ssyncset.done $0x0  }
0x73: {  	[sflag:s5] =	ssyncadd.s32 $0xFFFFC000  }
0x74: {  	[spmem:s9], [sflag:s8] =	dma.local [hbm:s7], $0x9E0  }
0x75: {  	_ =	swait.ge [sflag:s5], $0x9E0  }
0x76: {  	[sflag:s5] =	ssyncset.done $0x0  }
0x77: {  	[sflag:s5] =	ssyncadd.s32 $0xFFFFF620  }
0x78: {  	[spmem:s10], [sflag:s8] =	dma.local [hbm:s7], $0x9E0  }
0x79: {  	_ =	swait.ge [sflag:s5], $0x9E0  }
0x7a: {  	[sflag:s5] =	ssyncset.done $0x0  }
0x7b: {  	[sflag:s5] =	ssyncadd.s32 $0xFFFFF620  }
0x7c: {  	[spmem:s11], [sflag:s8] =	dma.local [hbm:s7], $0x9E0  }
0x7d: {  	_ =	swait.ge [sflag:s5], $0x9E0  }
0x7e: {  	[sflag:s5] =	ssyncset.done $0x0  }
0x7f: {  	[sflag:s5] =	ssyncadd.s32 $0xFFFFF620  }
0x80: {  	[spmem:s12], [sflag:s8] =	dma.local [hbm:s7], $0x9E0  }
0x81: {  	_ =	swait.ge [sflag:s5], $0x9E0  }
0x82: {  	[sflag:s5] =	ssyncset.done $0x0  }
0x83: {  	[sflag:s5] =	ssyncadd.s32 $0xFFFFF620  }
0x84: {  	[bflag:$0x0] =	sbarrier.arrive $0xFFFF  }
0x85: {  	[tilespmem:s14], [sflag:$0x1] =	stream.linear.gather [hbm4b:s13+s3], $0x400, $0x38;
	[tilespmem:$0x18000] =	vst v63  }
0x86: {  	_ =	swait.ge [sflag:s5], $0x400  }
0x87: {  	[sflag:s5] =	ssyncset.done $0x0  }
0x88: {  	[sflag:s5] =	ssyncadd.s32 $0xFFFFFC00  }
0x89: {  	[spmem:s2] =	stream.indirect.scatter.add.f32 [tilespmem:s6], [sflag:$0x1], $0x10, s14, s15, $0xb8;
	[tilespmem:$0x18000] =	vst v63  }
0x8a: {  	_ =	swait.ge [sflag:s5], $0x4000  }
0x8b: {  	[sflag:s5] =	ssyncset.done $0x0  }
0x8c: {  	[sflag:s5] =	ssyncadd.s32 $0xFFFFC000  }
0x8d: {  	[tilespmem:s14], [sflag:$0x1] =	stream.linear.gather [hbm4b:s16+s3], $0x400, $0x38;
	[tilespmem:$0x18000] =	vst v63  }
0x8e: {  	_ =	swait.ge [sflag:s5], $0x400  }
0x8f: {  	[sflag:s5] =	ssyncset.done $0x0  }
0x90: {  	[sflag:s5] =	ssyncadd.s32 $0xFFFFFC00  }
0x91: {  	[spmem:s2] =	stream.indirect.scatter.add.f32 [tilespmem:s6], [sflag:$0x1], $0x10, s14, s15, $0xb8;
	[tilespmem:$0x18000] =	vst v63  }
0x92: {  	_ =	swait.ge [sflag:s5], $0x4000  }
0x93: {  	[sflag:s5] =	ssyncset.done $0x0  }
0x94: {  	[sflag:s5] =	ssyncadd.s32 $0xFFFFC000  }
0x95: {  	[tilespmem:s14], [sflag:$0x1] =	stream.linear.gather [hbm4b:s17+s3], $0x400, $0x38;
	[tilespmem:$0x18000] =	vst v63  }
0x96: {  	_ =	swait.ge [sflag:s5], $0x400  }
0x97: {  	[sflag:s5] =	ssyncset.done $0x0  }
0x98: {  	[sflag:s5] =	ssyncadd.s32 $0xFFFFFC00  }
0x99: {  	[spmem:s2] =	stream.indirect.scatter.add.f32 [tilespmem:s6], [sflag:$0x1], $0x10, s14, s15, $0xb8;
	[tilespmem:$0x18000] =	vst v63  }
0x9a: {  	_ =	swait.ge [sflag:s5], $0x4000  }
0x9b: {  	[sflag:s5] =	ssyncset.done $0x0  }
0x9c: {  	[sflag:s5] =	ssyncadd.s32 $0xFFFFC000  }
0x9d: {  	[tilespmem:s14], [sflag:$0x1] =	stream.linear.gather [hbm4b:s18+s3], $0x400, $0x38;
	[tilespmem:$0x18000] =	vst v63  }
0x9e: {  	_ =	swait.ge [sflag:s5], $0x400  }
0x9f: {  	[sflag:s5] =	ssyncset.done $0x0  }
0xa0: {  	[sflag:s5] =	ssyncadd.s32 $0xFFFFFC00  }
0xa1: {  	[spmem:s2] =	stream.indirect.scatter.add.f32 [tilespmem:s6], [sflag:$0x1], $0x10, s14, s15, $0xb8;
	[tilespmem:$0x18000] =	vst v63  }
0xa2: {  	_ =	swait.ge [sflag:s5], $0x4000  }
0xa3: {  	[sflag:s5] =	ssyncset.done $0x0  }
0xa4: {  	[sflag:s5] =	ssyncadd.s32 $0xFFFFC000  }
0xa5: {  	[tilespmem:s14], [sflag:$0x1] =	stream.linear.gather [hbm4b:s19+s3], $0x400, $0x38;
	[tilespmem:$0x18000] =	vst v63  }
0xa6: {  	_ =	swait.ge [sflag:s5], $0x400  }
0xa7: {  	[sflag:s5] =	ssyncset.done $0x0  }
0xa8: {  	[sflag:s5] =	ssyncadd.s32 $0xFFFFFC00  }
0xa9: {  	[spmem:s2] =	stream.indirect.scatter.add.f32 [tilespmem:s6], [sflag:$0x1], $0x10, s14, s15, $0xb8;
	[tilespmem:$0x18000] =	vst v63  }
0xaa: {  	_ =	swait.ge [sflag:s5], $0x4000  }
0xab: {  	[sflag:s5] =	ssyncset.done $0x0  }
0xac: {  	[sflag:s5] =	ssyncadd.s32 $0xFFFFC000  }
0xad: {  	[tilespmem:s14], [sflag:$0x1] =	stream.linear.gather [hbm4b:s20+s3], $0x400, $0x38;
	[tilespmem:$0x18000] =	vst v63  }
0xae: {  	_ =	swait.ge [sflag:s5], $0x400  }
0xaf: {  	[sflag:s5] =	ssyncset.done $0x0  }
0xb0: {  	[sflag:s5] =	ssyncadd.s32 $0xFFFFFC00  }
0xb1: {  	[spmem:s2] =	stream.indirect.scatter.add.f32 [tilespmem:s6], [sflag:$0x1], $0x10, s14, s15, $0xb8;
	[tilespmem:$0x18000] =	vst v63  }
0xb2: {  	_ =	swait.ge [sflag:s5], $0x4000  }
0xb3: {  	[sflag:s5] =	ssyncset.done $0x0  }
0xb4: {  	[sflag:s5] =	ssyncadd.s32 $0xFFFFC000  }
0xb5: {  	[tilespmem:s14], [sflag:$0x1] =	stream.linear.gather [hbm4b:s21+s3], $0x400, $0x38;
	[tilespmem:$0x18000] =	vst v63  }
0xb6: {  	_ =	swait.ge [sflag:s5], $0x400  }
0xb7: {  	[sflag:s5] =	ssyncset.done $0x0  }
0xb8: {  	[sflag:s5] =	ssyncadd.s32 $0xFFFFFC00  }
0xb9: {  	[spmem:s2] =	stream.indirect.scatter.add.f32 [tilespmem:s6], [sflag:$0x1], $0x10, s14, s15, $0xb8;
	[tilespmem:$0x18000] =	vst v63  }
0xba: {  	_ =	swait.ge [sflag:s5], $0x4000  }
0xbb: {  	[sflag:s5] =	ssyncset.done $0x0  }
0xbc: {  	[sflag:s5] =	ssyncadd.s32 $0xFFFFC000  }
0xbd: {  	[tilespmem:s14], [sflag:$0x1] =	stream.linear.gather [hbm4b:s22+s3], $0x400, $0x38;
	[tilespmem:$0x18000] =	vst v63  }
0xbe: {  	_ =	swait.ge [sflag:s5], $0x400  }
0xbf: {  	[sflag:s5] =	ssyncset.done $0x0  }
0xc0: {  	[sflag:s5] =	ssyncadd.s32 $0xFFFFFC00  }
0xc1: {  	[spmem:s2] =	stream.indirect.scatter.add.f32 [tilespmem:s6], [sflag:$0x1], $0x10, s14, s15, $0xb8;
	[tilespmem:$0x18000] =	vst v63  }
0xc2: {  	_ =	swait.ge [sflag:s5], $0x4000  }
0xc3: {  	[sflag:s5] =	ssyncset.done $0x0  }
0xc4: {  	[sflag:s5] =	ssyncadd.s32 $0xFFFFC000  }
0xc5: {  	[tilespmem:s14], [sflag:$0x1] =	stream.linear.gather [hbm4b:s23+s3], $0x400, $0x38;
	[tilespmem:$0x18000] =	vst v63  }
0xc6: {  	_ =	swait.ge [sflag:s5], $0x400  }
0xc7: {  	[sflag:s5] =	ssyncset.done $0x0  }
0xc8: {  	[sflag:s5] =	ssyncadd.s32 $0xFFFFFC00  }
0xc9: {  	[spmem:s2] =	stream.indirect.scatter.add.f32 [tilespmem:s6], [sflag:$0x1], $0x10, s14, s15, $0xb8;
	[tilespmem:$0x18000] =	vst v63  }
0xca: {  	_ =	swait.ge [sflag:s5], $0x4000  }
0xcb: {  	[sflag:s5] =	ssyncset.done $0x0  }
0xcc: {  	[sflag:s5] =	ssyncadd.s32 $0xFFFFC000  }
0xcd: {  	[tilespmem:s14], [sflag:$0x1] =	stream.linear.gather [hbm4b:s24+s3], $0x400, $0x38;
	[tilespmem:$0x18000] =	vst v63  }
0xce: {  	_ =	swait.ge [sflag:s5], $0x400  }
0xcf: {  	[sflag:s5] =	ssyncset.done $0x0  }
0xd0: {  	[sflag:s5] =	ssyncadd.s32 $0xFFFFFC00  }
0xd1: {  	[spmem:s2] =	stream.indirect.scatter.add.f32 [tilespmem:s6], [sflag:$0x1], $0x10, s14, s15, $0xb8;
	[tilespmem:$0x18000] =	vst v63  }
0xd2: {  	_ =	swait.ge [sflag:s5], $0x4000  }
0xd3: {  	[sflag:s5] =	ssyncset.done $0x0  }
.Ltmp1:
0xd4: {  	[sflag:s5] =	ssyncadd.s32 $0xFFFFC000;
	(pc) =	sbr.rel @p0 .LBB2_1-.Ltmp1, $4  }
0xd5: {  	[bflag:$0x0] =	sbarrier.arrive $0xFFFF  }
0xd6: {  	[hbm:s25], [sflag:s8] =	dma.local [spmem:s26], $0x2710  }
0xd7: {  	_ =	swait.ge [sflag:s5], $0x2710  }
0xd8: {  	[sflag:s5] =	ssyncset.done $0x0  }
.LBB2_2:
0xd9: {  	[sflag:s5] =	ssyncadd.s32 $0xFFFFD8F0  }
0xda: {  	_ =	sfence.sel $0x180000  }
0xdb: {  	[bflag:$0x0] =	sbarrier.arrive $0xFFFF  }
0xdc: {  	p0 =	sne.s32 s1, $0x0;
	_ =	strace $0x9000004A  }
0xdd: {  	s0 =	sadd.s32 @!p0 $0x100000, s0;
	[bflag:$0x2] =	sbarrier.arrive $0xFFFF  }
0xde: {  	[sflag:s0] =	ssyncadd.tile.s32 @!p0 $0x1;
	_ =	shalt  }
.Lfunc_end2:
_tile_overlayer_lowered:
.L_overlay_start_2:
0xdf: {  	(tag) =	ssettag $0x2  }
0xe0: {  	s0 =	rddreg [dreg:$0x0];
	s2 =	stileid.u32  }
0xe1: {  	s1 =	rddreg [dreg:$0x1];
	p0 =	sne.s32 s2, $0x0  }
0xe2: {  	s3 =	rddreg [dreg:$0x2];
	[bflag:$0x3] =	sbarrier.arrive $0xFFFF;
	s2 =	simm.s32 @!p0 $0x1C01  }
0xe3: {  	[timem:s3], [sflag:s2] =	dma.local @!p0 [hbm:s0], s1  }
0xe4: {  	s0 =	simm.s32 @!p0 $0x1  }
0xe5: {  	_ =	swait.ge @!p0 [sflag:s0], s1  }
0xe6: {  	s1 =	ssub.s32 @!p0 $0x0, s1;
	[sflag:s0] =	ssyncset.done @!p0 $0x0  }
0xe7: {  	[sflag:s0] =	ssyncadd.s32 @!p0 s1  }
0xe8: {  	[bflag:$0x3] =	sbarrier.arrive $0xFFFF  }
0xe9: {  	_ =	shalt  }

</sc_bundles>
